<compile_context>
chip_gen: v7x
topology: tpu7x:2x2x1
jax: 0.10.2.dev20260603
libtpu: 0.0.44.dev20260713+nightly
codegen_flags: <defaults>
</compile_context>

<pallas_src>
import jax
import jax.numpy as jnp
from jax import lax
from jax.experimental import pallas as pl
from jax.experimental.pallas import tpu as pltpu
from jax.experimental.pallas import tpu_sc as plsc

N_NODES = 10000
FEATS = 128
N_EDGES = 320000

NC = 2
NS = 16
NW = NC * NS
CHUNK = 128
EROWS = 2560
TROWS = EROWS // NW
EPAD = EROWS * CHUNK
ACC_ROWS = 10064
ROWS_PT = 632
LAST_PT = N_NODES - 15 * ROWS_PT
TRASH = 10000
NBUF = 4
DNB = 8

_mesh = plsc.VectorSubcoreMesh(core_axis_name="c", subcore_axis_name="s",
                               num_cores=NC, num_subcores=NS)


def _zero_my_rows(zeros_hbm, acc, sid, rbase):
    @pl.when(sid < 15)
    def _():
        pltpu.sync_copy(zeros_hbm, acc.at[pl.ds(rbase, ROWS_PT)])

    @pl.when(sid == 15)
    def _():
        pltpu.sync_copy(zeros_hbm.at[pl.ds(0, ACC_ROWS - 15 * ROWS_PT)],
                        acc.at[pl.ds(15 * ROWS_PT, ACC_ROWS - 15 * ROWS_PT)])


def _writeback_my_rows(acc, out_hbm, cid, sid, rbase):
    @pl.when(sid < 15)
    def _():
        pltpu.sync_copy(
            acc.at[pl.ds(rbase, ROWS_PT)],
            out_hbm.at[pl.ds(cid * N_NODES + rbase, ROWS_PT)],
        )

    @pl.when(sid == 15)
    def _():
        pltpu.sync_copy(
            acc.at[pl.ds(15 * ROWS_PT, LAST_PT)],
            out_hbm.at[pl.ds(cid * N_NODES + 15 * ROWS_PT, LAST_PT)],
        )


def _deg_body(dst_hbm, ones_hbm, zeros_hbm, out_hbm, acc, idxd, ones_v, sem):
    cid = lax.axis_index("c")
    sid = lax.axis_index("s")
    wid = cid * NS + sid
    rbase = sid * ROWS_PT

    pltpu.sync_copy(dst_hbm.at[pl.ds(wid * TROWS, TROWS)], idxd)
    pltpu.sync_copy(ones_hbm, ones_v)
    _zero_my_rows(zeros_hbm, acc, sid, rbase)
    plsc.subcore_barrier()

    @pl.loop(0, TROWS // DNB)
    def _grp(g0):
        g = g0 * DNB
        for b in range(DNB):
            pltpu.async_copy(ones_v, acc.at[idxd.at[g + b]], sem, add=True)
        for b in range(DNB):
            pltpu.make_async_copy(ones_v, acc.at[idxd.at[g]], sem).wait()

    plsc.subcore_barrier()
    _writeback_my_rows(acc, out_hbm, cid, sid, rbase)


def _prop_body(x_hbm, src_hbm, dst_hbm, zeros_hbm, out_hbm, acc,
               ixs0, ixs1, ixs2, ixs3, ixd0, ixd1, ixd2, ixd3, rows0, rows1,
               semi0, semi1, semi2, semi3, semg0, semg1, sems0, sems1):
    cid = lax.axis_index("c")
    sid = lax.axis_index("s")
    wid = cid * NS + sid
    rbase = sid * ROWS_PT
    ebase = wid * TROWS
    ixs = (ixs0, ixs1, ixs2, ixs3)
    ixd = (ixd0, ixd1, ixd2, ixd3)
    rows = (rows0, rows1)
    semi = (semi0, semi1, semi2, semi3)
    semg = (semg0, semg1)
    sems = (sems0, sems1)

    def idx_issue(j, q):
        pltpu.async_copy(src_hbm.at[pl.ds(ebase + j, 1)], ixs[q], semi[q])
        pltpu.async_copy(dst_hbm.at[pl.ds(ebase + j, 1)], ixd[q], semi[q])

    def idx_wait(q):
        pltpu.make_async_copy(src_hbm.at[pl.ds(0, 1)], ixs[q], semi[q]).wait()
        pltpu.make_async_copy(dst_hbm.at[pl.ds(0, 1)], ixd[q], semi[q]).wait()

    def g_issue(q, b):
        pltpu.async_copy(x_hbm.at[ixs[q].at[0]], rows[b], semg[b])

    def g_wait(q, b):
        pltpu.make_async_copy(x_hbm.at[ixs[q].at[0]], rows[b], semg[b]).wait()

    def s_issue(q, b):
        pltpu.async_copy(rows[b], acc.at[ixd[q].at[0]], sems[b], add=True)

    def s_wait(q, b):
        pltpu.make_async_copy(rows[b], acc.at[ixd[q].at[0]], sems[b]).wait()

    idx_issue(0, 0)
    idx_issue(1, 1)
    idx_issue(2, 2)
    _zero_my_rows(zeros_hbm, acc, sid, rbase)
    plsc.subcore_barrier()
    idx_wait(0)
    g_issue(0, 0)

    @pl.loop(0, TROWS // 4)
    def _grp(g0):
        base = g0 * 4
        for k in range(4):
            j = base + k
            b = k % 2

            @pl.when(j >= 1)
            def _wait_prev_scatter():
                s_wait((k + 3) % 4, (k + 1) % 2)

            @pl.when(j + 1 < TROWS)
            def _next_gather():
                idx_wait((k + 1) % 4)
                g_issue((k + 1) % 4, (k + 1) % 2)

            g_wait(k, b)
            s_issue(k, b)

            @pl.when(j + 3 < TROWS)
            def _prefetch_idx():
                idx_issue(j + 3, (k + 3) % 4)

    s_wait(3, 1)

    plsc.subcore_barrier()
    _writeback_my_rows(acc, out_hbm, cid, sid, rbase)


_DEG_SCRATCH = [
    pltpu.VMEM_SHARED((ACC_ROWS, FEATS), jnp.float32),
    pltpu.VMEM((TROWS, CHUNK), jnp.int32),
    pltpu.VMEM((CHUNK, FEATS), jnp.float32),
    pltpu.SemaphoreType.DMA,
]
_PROP_SCRATCH = (
    [pltpu.VMEM_SHARED((ACC_ROWS, FEATS), jnp.float32)]
    + [pltpu.VMEM((1, CHUNK), jnp.int32)] * 8
    + [pltpu.VMEM((CHUNK, FEATS), jnp.float32)] * 2
    + [pltpu.SemaphoreType.DMA] * 8
)

_deg_kernel = pl.kernel(
    _deg_body,
    out_type=jax.ShapeDtypeStruct((NC * N_NODES, FEATS), jnp.float32),
    mesh=_mesh,
    scratch_types=_DEG_SCRATCH,
)

_prop_kernel = pl.kernel(
    _prop_body,
    out_type=jax.ShapeDtypeStruct((NC * N_NODES, FEATS), jnp.float32),
    mesh=_mesh,
    scratch_types=_PROP_SCRATCH,
)


_RB = 1000


def _deg_of(dp0_ref, dp1_ref):
    return jnp.maximum(dp0_ref[:, 0:1] + dp1_ref[:, 0:1], 1.0)


def _matmul_body(f_ref, w_ref, o_ref):
    o_ref[...] = lax.dot_general(
        f_ref[...], w_ref[...], (((1,), (1,)), ((), ())),
        preferred_element_type=jnp.float32,
        precision=lax.Precision.HIGHEST,
    )


def _scale0_body(dp0_ref, dp1_ref, g_ref, o_ref):
    o_ref[...] = g_ref[...] * lax.rsqrt(_deg_of(dp0_ref, dp1_ref))


def _scale_mid_body(dp0_ref, dp1_ref, r0_ref, r1_ref, o_ref):
    o_ref[...] = (r0_ref[...] + r1_ref[...]) / _deg_of(dp0_ref, dp1_ref)


def _final_body(dp0_ref, dp1_ref, r0_ref, r1_ref, b_ref, o_ref):
    o_ref[...] = ((r0_ref[...] + r1_ref[...])
                  * lax.rsqrt(_deg_of(dp0_ref, dp1_ref)) + b_ref[...])


_row_spec = lambda w: pl.BlockSpec((_RB, w), lambda i: (i, 0))
_half2_spec = pl.BlockSpec((_RB, FEATS), lambda i: (i + N_NODES // _RB, 0))
_full_spec = lambda shape: pl.BlockSpec(shape, lambda i: (0,) * len(shape))
_OUT = jax.ShapeDtypeStruct((N_NODES, FEATS), jnp.float32)

_matmul = pl.pallas_call(
    _matmul_body,
    grid=(N_NODES // _RB,),
    in_specs=[_row_spec(FEATS), _full_spec((FEATS, FEATS))],
    out_specs=_row_spec(FEATS),
    out_shape=_OUT,
)

_scale0 = pl.pallas_call(
    _scale0_body,
    grid=(N_NODES // _RB,),
    in_specs=[_row_spec(FEATS), _half2_spec, _row_spec(FEATS)],
    out_specs=_row_spec(FEATS),
    out_shape=_OUT,
)

_scale_mid = pl.pallas_call(
    _scale_mid_body,
    grid=(N_NODES // _RB,),
    in_specs=[_row_spec(FEATS), _half2_spec, _row_spec(FEATS), _half2_spec],
    out_specs=_row_spec(FEATS),
    out_shape=_OUT,
)

_final = pl.pallas_call(
    _final_body,
    grid=(N_NODES // _RB,),
    in_specs=[_row_spec(FEATS), _half2_spec, _row_spec(FEATS), _half2_spec,
              _full_spec((1, FEATS))],
    out_specs=_row_spec(FEATS),
    out_shape=_OUT,
)


def kernel(feat, edge_index, W, b):
    src = edge_index[0].astype(jnp.int32)
    dst = edge_index[1].astype(jnp.int32)
    npad = EPAD - N_EDGES
    pad_src = jnp.arange(npad, dtype=jnp.int32) % N_NODES
    src_p = jnp.concatenate([src, pad_src]).reshape(EROWS, CHUNK)
    trash = TRASH + jnp.arange(npad, dtype=jnp.int32) % (ACC_ROWS - TRASH)
    dst_p = jnp.concatenate([dst, trash]).reshape(EROWS, CHUNK)
    zeros_rows = jnp.zeros((ROWS_PT, FEATS), jnp.float32)
    ones_rows = jnp.ones((CHUNK, FEATS), jnp.float32)

    g = _matmul(feat, W)
    degp = _deg_kernel(dst_p, ones_rows, zeros_rows)

    s0 = _scale0(degp, degp, g)
    r1 = _prop_kernel(s0, src_p, dst_p, zeros_rows)
    s1 = _scale_mid(degp, degp, r1, r1)
    r2 = _prop_kernel(s1, src_p, dst_p, zeros_rows)
    out = _final(degp, degp, r2, r2, b.reshape(1, FEATS))
    return out

# --- scband reference (transcript-rebuilt; emitter-appended) ---
"""Pipeline reference for scband-sgc-layer1-45689862095252 (READ-ONLY COPY).

The authoritative reference and input builder live on the scoring server;
editing this copy changes nothing except your own understanding.
"""

import jax, jax.numpy as jnp
import numpy as np

N_NODES = 10000
N_EDGES = 320000
IN_FEATS = 128
OUT_FEATS = 128
K = 2

def setup_inputs(seed: int = 0) -> dict:
    key = jax.random.key(seed)
    k1, k2, k3 = jax.random.split(key, 3)
    feat = jax.random.normal(k1, (N_NODES, IN_FEATS), dtype=jnp.float32)
    edge_index = jax.random.randint(k2, (2, N_EDGES), 0, N_NODES, dtype=jnp.int64)
    # xavier_uniform for fc.weight [out_feats, in_feats]
    limit = float(np.sqrt(6.0 / (IN_FEATS + OUT_FEATS)))
    W = jax.random.uniform(k3, (OUT_FEATS, IN_FEATS), minval=-limit, maxval=limit, dtype=jnp.float32)
    b = jnp.zeros((OUT_FEATS,), dtype=jnp.float32)
    return {"feat": feat, "edge_index": edge_index, "W": W, "b": b}

def reference(feat, edge_index, W, b):
    # SGC: k rounds of symmetric-normalized propagation (copy_u -> sum), then linear
    N = feat.shape[0]
    src = edge_index[0]
    dst = edge_index[1]
    # in-degrees of the graph (number of edges arriving at each node)
    deg = jnp.zeros((N,), dtype=jnp.float32).at[dst].add(1.0)
    deg = jnp.clip(deg, 1.0, None)
    norm = jnp.power(deg, -0.5)[:, None]
    h = feat
    for _ in range(K):
        h = h * norm
        # message passing: m_e = h[src_e]; h'[v] = sum_{e: dst_e = v} m_e
        msgs = jnp.take(h, src, axis=0)
        h = jnp.zeros_like(h).at[dst].add(msgs)
        h = h * norm
    out = h @ W.T + b
    return out

if __name__ == "__main__":
    import jax
    _d = setup_inputs()
    print(jax.jit(kernel)(*tuple(_d.values())))

</pallas_src>

<mosaic_0001>
#map = affine_map<(d0, d1) -> (0, 0)>
module attributes {stable_mosaic.version = 14 : i64} {
  func.func @_prop_body(%arg0: i32, %arg1: i32, %arg2: memref<10000x128xf32, #tpu.memory_space<hbm>>, %arg3: memref<2560x128xi32, #tpu.memory_space<hbm>>, %arg4: memref<2560x128xi32, #tpu.memory_space<hbm>>, %arg5: memref<632x128xf32, #tpu.memory_space<hbm>>, %arg6: memref<20000x128xf32, #tpu.memory_space<hbm>>, %arg7: memref<10064x128xf32, #tpu.memory_space<vmem_shared>>, %arg8: memref<1x128xi32, #tpu.memory_space<vmem>>, %arg9: memref<1x128xi32, #tpu.memory_space<vmem>>, %arg10: memref<1x128xi32, #tpu.memory_space<vmem>>, %arg11: memref<1x128xi32, #tpu.memory_space<vmem>>, %arg12: memref<1x128xi32, #tpu.memory_space<vmem>>, %arg13: memref<1x128xi32, #tpu.memory_space<vmem>>, %arg14: memref<1x128xi32, #tpu.memory_space<vmem>>, %arg15: memref<1x128xi32, #tpu.memory_space<vmem>>, %arg16: memref<128x128xf32, #tpu.memory_space<vmem>>, %arg17: memref<128x128xf32, #tpu.memory_space<vmem>>, %arg18: memref<!tpu.dma_semaphore, #tpu.memory_space<semaphore_mem>>, %arg19: memref<!tpu.dma_semaphore, #tpu.memory_space<semaphore_mem>>, %arg20: memref<!tpu.dma_semaphore, #tpu.memory_space<semaphore_mem>>, %arg21: memref<!tpu.dma_semaphore, #tpu.memory_space<semaphore_mem>>, %arg22: memref<!tpu.dma_semaphore, #tpu.memory_space<semaphore_mem>>, %arg23: memref<!tpu.dma_semaphore, #tpu.memory_space<semaphore_mem>>, %arg24: memref<!tpu.dma_semaphore, #tpu.memory_space<semaphore_mem>>, %arg25: memref<!tpu.dma_semaphore, #tpu.memory_space<semaphore_mem>>) attributes {dimension_semantics = [#tpu.dimension_semantics<core_parallel>, #tpu.dimension_semantics<subcore_parallel>], iteration_bounds = array<i64: 2, 16>, scalar_prefetch = 0 : i64, scratch_operands = 19 : i64, tpu.core_type = #tpu.core_type<sc_vector_subcore>, window_params = [{transform_indices = #map}, {transform_indices = #map}, {transform_indices = #map}, {transform_indices = #map}, {transform_indices = #map}]} {
    %mul3A = arith.constant 16 : i32
    %mul3A_0 = arith.muli %arg0, %mul3A : i32
    %add3A = arith.addi %mul3A_0, %arg1 : i32
    %mul3A_1 = arith.constant 632 : i32
    %mul3A_2 = arith.muli %arg1, %mul3A_1 : i32
    %mul3A_3 = arith.constant 80 : i32
    %mul3A_4 = arith.muli %add3A, %mul3A_3 : i32
    %add3A_5 = arith.constant 0 : i32
    %add3A_6 = arith.addi %mul3A_4, %add3A_5 : i32
    %dma_start3A = arith.constant 0 : i32
    %dma_start3A_7 = tpu.memref_slice %arg3[%add3A_6, %dma_start3A] : memref<2560x128xi32, #tpu.memory_space<hbm>> -> memref<1x128xi32, #tpu.memory_space<hbm>>
    %dma_start3A_8 = arith.constant 0 : i32
    %dma_start3A_9 = tpu.memref_slice %arg3[%add3A_6, %dma_start3A_8] : memref<2560x128xi32, #tpu.memory_space<hbm>> -> memref<1x128xi32, #tpu.memory_space<hbm>>
    tpu.enqueue_dma source(%dma_start3A_9 : memref<1x128xi32, #tpu.memory_space<hbm>>) target(%arg8 : memref<1x128xi32, #tpu.memory_space<vmem>>) target_semaphore(%arg18 : memref<!tpu.dma_semaphore, #tpu.memory_space<semaphore_mem>>)
    %add3A_10 = arith.constant 0 : i32
    %add3A_11 = arith.addi %mul3A_4, %add3A_10 : i32
    %dma_start3A_12 = arith.constant 0 : i32
    %dma_start3A_13 = tpu.memref_slice %arg4[%add3A_11, %dma_start3A_12] : memref<2560x128xi32, #tpu.memory_space<hbm>> -> memref<1x128xi32, #tpu.memory_space<hbm>>
    %dma_start3A_14 = arith.constant 0 : i32
    %dma_start3A_15 = tpu.memref_slice %arg4[%add3A_11, %dma_start3A_14] : memref<2560x128xi32, #tpu.memory_space<hbm>> -> memref<1x128xi32, #tpu.memory_space<hbm>>
    tpu.enqueue_dma source(%dma_start3A_15 : memref<1x128xi32, #tpu.memory_space<hbm>>) target(%arg12 : memref<1x128xi32, #tpu.memory_space<vmem>>) target_semaphore(%arg18 : memref<!tpu.dma_semaphore, #tpu.memory_space<semaphore_mem>>)
    %add3A_16 = arith.constant 1 : i32
    %add3A_17 = arith.addi %mul3A_4, %add3A_16 : i32
    %dma_start3A_18 = arith.constant 0 : i32
    %dma_start3A_19 = tpu.memref_slice %arg3[%add3A_17, %dma_start3A_18] : memref<2560x128xi32, #tpu.memory_space<hbm>> -> memref<1x128xi32, #tpu.memory_space<hbm>>
    %dma_start3A_20 = arith.constant 0 : i32
    %dma_start3A_21 = tpu.memref_slice %arg3[%add3A_17, %dma_start3A_20] : memref<2560x128xi32, #tpu.memory_space<hbm>> -> memref<1x128xi32, #tpu.memory_space<hbm>>
    tpu.enqueue_dma source(%dma_start3A_21 : memref<1x128xi32, #tpu.memory_space<hbm>>) target(%arg9 : memref<1x128xi32, #tpu.memory_space<vmem>>) target_semaphore(%arg19 : memref<!tpu.dma_semaphore, #tpu.memory_space<semaphore_mem>>)
    %add3A_22 = arith.constant 1 : i32
    %add3A_23 = arith.addi %mul3A_4, %add3A_22 : i32
    %dma_start3A_24 = arith.constant 0 : i32
    %dma_start3A_25 = tpu.memref_slice %arg4[%add3A_23, %dma_start3A_24] : memref<2560x128xi32, #tpu.memory_space<hbm>> -> memref<1x128xi32, #tpu.memory_space<hbm>>
    %dma_start3A_26 = arith.constant 0 : i32
    %dma_start3A_27 = tpu.memref_slice %arg4[%add3A_23, %dma_start3A_26] : memref<2560x128xi32, #tpu.memory_space<hbm>> -> memref<1x128xi32, #tpu.memory_space<hbm>>
    tpu.enqueue_dma source(%dma_start3A_27 : memref<1x128xi32, #tpu.memory_space<hbm>>) target(%arg13 : memref<1x128xi32, #tpu.memory_space<vmem>>) target_semaphore(%arg19 : memref<!tpu.dma_semaphore, #tpu.memory_space<semaphore_mem>>)
    %add3A_28 = arith.constant 2 : i32
    %add3A_29 = arith.addi %mul3A_4, %add3A_28 : i32
    %dma_start3A_30 = arith.constant 0 : i32
    %dma_start3A_31 = tpu.memref_slice %arg3[%add3A_29, %dma_start3A_30] : memref<2560x128xi32, #tpu.memory_space<hbm>> -> memref<1x128xi32, #tpu.memory_space<hbm>>
    %dma_start3A_32 = arith.constant 0 : i32
    %dma_start3A_33 = tpu.memref_slice %arg3[%add3A_29, %dma_start3A_32] : memref<2560x128xi32, #tpu.memory_space<hbm>> -> memref<1x128xi32, #tpu.memory_space<hbm>>
    tpu.enqueue_dma source(%dma_start3A_33 : memref<1x128xi32, #tpu.memory_space<hbm>>) target(%arg10 : memref<1x128xi32, #tpu.memory_space<vmem>>) target_semaphore(%arg20 : memref<!tpu.dma_semaphore, #tpu.memory_space<semaphore_mem>>)
    %add3A_34 = arith.constant 2 : i32
    %add3A_35 = arith.addi %mul3A_4, %add3A_34 : i32
    %dma_start3A_36 = arith.constant 0 : i32
    %dma_start3A_37 = tpu.memref_slice %arg4[%add3A_35, %dma_start3A_36] : memref<2560x128xi32, #tpu.memory_space<hbm>> -> memref<1x128xi32, #tpu.memory_space<hbm>>
    %dma_start3A_38 = arith.constant 0 : i32
    %dma_start3A_39 = tpu.memref_slice %arg4[%add3A_35, %dma_start3A_38] : memref<2560x128xi32, #tpu.memory_space<hbm>> -> memref<1x128xi32, #tpu.memory_space<hbm>>
    tpu.enqueue_dma source(%dma_start3A_39 : memref<1x128xi32, #tpu.memory_space<hbm>>) target(%arg14 : memref<1x128xi32, #tpu.memory_space<vmem>>) target_semaphore(%arg20 : memref<!tpu.dma_semaphore, #tpu.memory_space<semaphore_mem>>)
    %lt3A = arith.constant 15 : i32
    %lt3A_40 = arith.cmpi slt, %arg1, %lt3A : i32
    %convert_element_type3A = arith.extui %lt3A_40 : i1 to i32
    %cond3A = arith.constant 0 : i32
    %cond3A_41 = arith.cmpi ne, %convert_element_type3A, %cond3A : i32
    scf.if %cond3A_41 {
      "tpu.region"() ({
        %run_scoped3A = tpu.sem_alloc : memref<!tpu.dma_semaphore, #tpu.memory_space<semaphore_mem>>
        %dma_start3A_86 = arith.constant 0 : i32
        %dma_start3A_87 = tpu.memref_slice %arg7[%mul3A_2, %dma_start3A_86] : memref<10064x128xf32, #tpu.memory_space<vmem_shared>> -> memref<632x128xf32, #tpu.memory_space<vmem_shared>>
        tpu.enqueue_dma source(%arg5 : memref<632x128xf32, #tpu.memory_space<hbm>>) target(%dma_start3A_87 : memref<632x128xf32, #tpu.memory_space<vmem_shared>>) target_semaphore(%run_scoped3A : memref<!tpu.dma_semaphore, #tpu.memory_space<semaphore_mem>>)
        %dma_wait3A_88 = arith.constant 0 : i32
        %dma_wait3A_89 = tpu.memref_slice %arg7[%mul3A_2, %dma_wait3A_88] : memref<10064x128xf32, #tpu.memory_space<vmem_shared>> -> memref<632x128xf32, #tpu.memory_space<vmem_shared>>
        tpu.wait_dma2 semaphore(%run_scoped3A : memref<!tpu.dma_semaphore, #tpu.memory_space<semaphore_mem>>) src(%arg5 : memref<632x128xf32, #tpu.memory_space<hbm>>) dst(%dma_wait3A_89 : memref<632x128xf32, #tpu.memory_space<vmem_shared>>)
        tpu.yield
      }) : () -> ()
    } else {
    }
    %eq3A = arith.constant 15 : i32
    %eq3A_42 = arith.cmpi eq, %arg1, %eq3A : i32
    %convert_element_type3A_43 = arith.extui %eq3A_42 : i1 to i32
    %cond3A_44 = arith.constant 0 : i32
    %cond3A_45 = arith.cmpi ne, %convert_element_type3A_43, %cond3A_44 : i32
    scf.if %cond3A_45 {
      "tpu.region"() ({
        %run_scoped3A = tpu.sem_alloc : memref<!tpu.dma_semaphore, #tpu.memory_space<semaphore_mem>>
        %dma_start3A_86 = arith.constant 9480 : i32
        %dma_start3A_87 = arith.constant 0 : i32
        %dma_start3A_88 = tpu.memref_slice %arg7[%dma_start3A_86, %dma_start3A_87] : memref<10064x128xf32, #tpu.memory_space<vmem_shared>> -> memref<584x128xf32, #tpu.memory_space<vmem_shared>>
        %dma_start3A_89 = arith.constant 0 : i32
        %dma_start3A_90 = arith.constant 0 : i32
        %dma_start3A_91 = tpu.memref_slice %arg5[%dma_start3A_89, %dma_start3A_90] : memref<632x128xf32, #tpu.memory_space<hbm>> -> memref<584x128xf32, #tpu.memory_space<hbm>>
        tpu.enqueue_dma source(%dma_start3A_91 : memref<584x128xf32, #tpu.memory_space<hbm>>) target(%dma_start3A_88 : memref<584x128xf32, #tpu.memory_space<vmem_shared>>) target_semaphore(%run_scoped3A : memref<!tpu.dma_semaphore, #tpu.memory_space<semaphore_mem>>)
        %dma_wait3A_92 = arith.constant 9480 : i32
        %dma_wait3A_93 = arith.constant 0 : i32
        %dma_wait3A_94 = tpu.memref_slice %arg7[%dma_wait3A_92, %dma_wait3A_93] : memref<10064x128xf32, #tpu.memory_space<vmem_shared>> -> memref<584x128xf32, #tpu.memory_space<vmem_shared>>
        %dma_wait3A_95 = arith.constant 0 : i32
        %dma_wait3A_96 = arith.constant 0 : i32
        %dma_wait3A_97 = tpu.memref_slice %arg5[%dma_wait3A_95, %dma_wait3A_96] : memref<632x128xf32, #tpu.memory_space<hbm>> -> memref<584x128xf32, #tpu.memory_space<hbm>>
        tpu.wait_dma2 semaphore(%run_scoped3A : memref<!tpu.dma_semaphore, #tpu.memory_space<semaphore_mem>>) src(%dma_wait3A_97 : memref<584x128xf32, #tpu.memory_space<hbm>>) dst(%dma_wait3A_94 : memref<584x128xf32, #tpu.memory_space<vmem_shared>>)
        tpu.yield
      }) : () -> ()
    } else {
    }
    %barrier3A = arith.constant 0 : index
    tpu.barrier barrier_id(%barrier3A)
    %dma_wait3A = arith.constant 0 : i32
    %dma_wait3A_46 = arith.constant 0 : i32
    %dma_wait3A_47 = tpu.memref_slice %arg3[%dma_wait3A, %dma_wait3A_46] : memref<2560x128xi32, #tpu.memory_space<hbm>> -> memref<1x128xi32, #tpu.memory_space<hbm>>
    %dma_wait3A_48 = arith.constant 0 : i32
    %dma_wait3A_49 = arith.constant 0 : i32
    %dma_wait3A_50 = tpu.memref_slice %arg3[%dma_wait3A_48, %dma_wait3A_49] : memref<2560x128xi32, #tpu.memory_space<hbm>> -> memref<1x128xi32, #tpu.memory_space<hbm>>
    tpu.wait_dma2 semaphore(%arg18 : memref<!tpu.dma_semaphore, #tpu.memory_space<semaphore_mem>>) src(%dma_wait3A_50 : memref<1x128xi32, #tpu.memory_space<hbm>>) dst(%arg8 : memref<1x128xi32, #tpu.memory_space<vmem>>)
    %dma_wait3A_51 = arith.constant 0 : i32
    %dma_wait3A_52 = arith.constant 0 : i32
    %dma_wait3A_53 = tpu.memref_slice %arg4[%dma_wait3A_51, %dma_wait3A_52] : memref<2560x128xi32, #tpu.memory_space<hbm>> -> memref<1x128xi32, #tpu.memory_space<hbm>>
    %dma_wait3A_54 = arith.constant 0 : i32
    %dma_wait3A_55 = arith.constant 0 : i32
    %dma_wait3A_56 = tpu.memref_slice %arg4[%dma_wait3A_54, %dma_wait3A_55] : memref<2560x128xi32, #tpu.memory_space<hbm>> -> memref<1x128xi32, #tpu.memory_space<hbm>>
    tpu.wait_dma2 semaphore(%arg18 : memref<!tpu.dma_semaphore, #tpu.memory_space<semaphore_mem>>) src(%dma_wait3A_56 : memref<1x128xi32, #tpu.memory_space<hbm>>) dst(%arg12 : memref<1x128xi32, #tpu.memory_space<vmem>>)
    %dma_start3A_57 = arith.constant 0 : i32
    %dma_start3A_58 = arith.constant 0 : i32
    %dma_start3A_59 = tpu.memref_slice %arg8[%dma_start3A_57, %dma_start3A_58] : memref<1x128xi32, #tpu.memory_space<vmem>> -> memref<1x128xi32, #tpu.memory_space<vmem>>
    %dma_start3A_60 = tpu.memref_squeeze %dma_start3A_59 : memref<1x128xi32, #tpu.memory_space<vmem>> -> memref<128xi32, #tpu.memory_space<vmem>>
    %dma_start3A_61 = arith.constant 0 : i32
    %dma_start3A_62 = arith.constant 0 : i32
    %dma_start3A_63 = tpu.memref_slice %arg2[%dma_start3A_61, %dma_start3A_62] : memref<10000x128xf32, #tpu.memory_space<hbm>> -> memref<10000x128xf32, #tpu.memory_space<hbm>>
    tpu.enqueue_indirect_dma source(%dma_start3A_63 : memref<10000x128xf32, #tpu.memory_space<hbm>>) target(%arg16 : memref<128x128xf32, #tpu.memory_space<vmem>>) offsets(%dma_start3A_60 : memref<128xi32, #tpu.memory_space<vmem>>) semaphore(%arg22 : memref<!tpu.dma_semaphore, #tpu.memory_space<semaphore_mem>>)
    %scan3A = arith.constant 0 : i32
    %scan3A_64 = arith.constant 20 : i32
    %scan3A_65 = arith.addi %scan3A, %scan3A_64 : i32
    %scan3A_66 = arith.constant 1 : i32
    scf.for %scan3A_86 = %scan3A to %scan3A_65 step %scan3A_66  : i32 {
      %mul3A_87 = arith.constant 1 : i32
      %mul3A_88 = arith.muli %scan3A_86, %mul3A_87 : i32
      %add3A_89 = arith.constant 0 : i32
      %add3A_90 = arith.addi %add3A_89, %mul3A_88 : i32
      %mul3A_91 = arith.constant 4 : i32
      %mul3A_92 = arith.muli %add3A_90, %mul3A_91 : i32
      %add3A_93 = arith.constant 0 : i32
      %add3A_94 = arith.addi %mul3A_92, %add3A_93 : i32
      %ge3A = arith.constant 1 : i32
      %ge3A_95 = arith.cmpi sge, %add3A_94, %ge3A : i32
      %convert_element_type3A_96 = arith.extui %ge3A_95 : i1 to i32
      %cond3A_97 = arith.constant 0 : i32
      %cond3A_98 = arith.cmpi ne, %convert_element_type3A_96, %cond3A_97 : i32
      scf.if %cond3A_98 {
        %dma_wait3A_232 = arith.constant 0 : i32
        %dma_wait3A_233 = arith.constant 0 : i32
        %dma_wait3A_234 = tpu.memref_slice %arg15[%dma_wait3A_232, %dma_wait3A_233] : memref<1x128xi32, #tpu.memory_space<vmem>> -> memref<1x128xi32, #tpu.memory_space<vmem>>
        %dma_wait3A_235 = tpu.memref_squeeze %dma_wait3A_234 : memref<1x128xi32, #tpu.memory_space<vmem>> -> memref<128xi32, #tpu.memory_space<vmem>>
        %dma_wait3A_236 = arith.constant 0 : i32
        %dma_wait3A_237 = arith.constant 0 : i32
        %dma_wait3A_238 = tpu.memref_slice %arg7[%dma_wait3A_236, %dma_wait3A_237] : memref<10064x128xf32, #tpu.memory_space<vmem_shared>> -> memref<10064x128xf32, #tpu.memory_space<vmem_shared>>
        tpu.wait_indirect_dma semaphore(%arg25 : memref<!tpu.dma_semaphore, #tpu.memory_space<semaphore_mem>>) src(%arg17 : memref<128x128xf32, #tpu.memory_space<vmem>>) dst(%dma_wait3A_238 : memref<10064x128xf32, #tpu.memory_space<vmem_shared>>)
      } else {
      }
      %add3A_99 = arith.constant 1 : i32
      %add3A_100 = arith.addi %add3A_94, %add3A_99 : i32
      %lt3A_101 = arith.constant 80 : i32
      %lt3A_102 = arith.cmpi slt, %add3A_100, %lt3A_101 : i32
      %convert_element_type3A_103 = arith.extui %lt3A_102 : i1 to i32
      %cond3A_104 = arith.constant 0 : i32
      %cond3A_105 = arith.cmpi ne, %convert_element_type3A_103, %cond3A_104 : i32
      scf.if %cond3A_105 {
        %dma_wait3A_232 = arith.constant 0 : i32
        %dma_wait3A_233 = arith.constant 0 : i32
        %dma_wait3A_234 = tpu.memref_slice %arg3[%dma_wait3A_232, %dma_wait3A_233] : memref<2560x128xi32, #tpu.memory_space<hbm>> -> memref<1x128xi32, #tpu.memory_space<hbm>>
        %dma_wait3A_235 = arith.constant 0 : i32
        %dma_wait3A_236 = arith.constant 0 : i32
        %dma_wait3A_237 = tpu.memref_slice %arg3[%dma_wait3A_235, %dma_wait3A_236] : memref<2560x128xi32, #tpu.memory_space<hbm>> -> memref<1x128xi32, #tpu.memory_space<hbm>>
        tpu.wait_dma2 semaphore(%arg19 : memref<!tpu.dma_semaphore, #tpu.memory_space<semaphore_mem>>) src(%dma_wait3A_237 : memref<1x128xi32, #tpu.memory_space<hbm>>) dst(%arg9 : memref<1x128xi32, #tpu.memory_space<vmem>>)
        %dma_wait3A_238 = arith.constant 0 : i32
        %dma_wait3A_239 = arith.constant 0 : i32
        %dma_wait3A_240 = tpu.memref_slice %arg4[%dma_wait3A_238, %dma_wait3A_239] : memref<2560x128xi32, #tpu.memory_space<hbm>> -> memref<1x128xi32, #tpu.memory_space<hbm>>
        %dma_wait3A_241 = arith.constant 0 : i32
        %dma_wait3A_242 = arith.constant 0 : i32
        %dma_wait3A_243 = tpu.memref_slice %arg4[%dma_wait3A_241, %dma_wait3A_242] : memref<2560x128xi32, #tpu.memory_space<hbm>> -> memref<1x128xi32, #tpu.memory_space<hbm>>
        tpu.wait_dma2 semaphore(%arg19 : memref<!tpu.dma_semaphore, #tpu.memory_space<semaphore_mem>>) src(%dma_wait3A_243 : memref<1x128xi32, #tpu.memory_space<hbm>>) dst(%arg13 : memref<1x128xi32, #tpu.memory_space<vmem>>)
        %dma_start3A_244 = arith.constant 0 : i32
        %dma_start3A_245 = arith.constant 0 : i32
        %dma_start3A_246 = tpu.memref_slice %arg9[%dma_start3A_244, %dma_start3A_245] : memref<1x128xi32, #tpu.memory_space<vmem>> -> memref<1x128xi32, #tpu.memory_space<vmem>>
        %dma_start3A_247 = tpu.memref_squeeze %dma_start3A_246 : memref<1x128xi32, #tpu.memory_space<vmem>> -> memref<128xi32, #tpu.memory_space<vmem>>
        %dma_start3A_248 = arith.constant 0 : i32
        %dma_start3A_249 = arith.constant 0 : i32
        %dma_start3A_250 = tpu.memref_slice %arg2[%dma_start3A_248, %dma_start3A_249] : memref<10000x128xf32, #tpu.memory_space<hbm>> -> memref<10000x128xf32, #tpu.memory_space<hbm>>
        tpu.enqueue_indirect_dma source(%dma_start3A_250 : memref<10000x128xf32, #tpu.memory_space<hbm>>) target(%arg17 : memref<128x128xf32, #tpu.memory_space<vmem>>) offsets(%dma_start3A_247 : memref<128xi32, #tpu.memory_space<vmem>>) semaphore(%arg23 : memref<!tpu.dma_semaphore, #tpu.memory_space<semaphore_mem>>)
      } else {
      }
      %dma_wait3A_106 = arith.constant 0 : i32
      %dma_wait3A_107 = arith.constant 0 : i32
      %dma_wait3A_108 = tpu.memref_slice %arg8[%dma_wait3A_106, %dma_wait3A_107] : memref<1x128xi32, #tpu.memory_space<vmem>> -> memref<1x128xi32, #tpu.memory_space<vmem>>
      %dma_wait3A_109 = tpu.memref_squeeze %dma_wait3A_108 : memref<1x128xi32, #tpu.memory_space<vmem>> -> memref<128xi32, #tpu.memory_space<vmem>>
      %dma_wait3A_110 = arith.constant 0 : i32
      %dma_wait3A_111 = arith.constant 0 : i32
      %dma_wait3A_112 = tpu.memref_slice %arg2[%dma_wait3A_110, %dma_wait3A_111] : memref<10000x128xf32, #tpu.memory_space<hbm>> -> memref<10000x128xf32, #tpu.memory_space<hbm>>
      tpu.wait_indirect_dma semaphore(%arg22 : memref<!tpu.dma_semaphore, #tpu.memory_space<semaphore_mem>>) src(%dma_wait3A_112 : memref<10000x128xf32, #tpu.memory_space<hbm>>) dst(%arg16 : memref<128x128xf32, #tpu.memory_space<vmem>>)
      %dma_start3A_113 = arith.constant 0 : i32
      %dma_start3A_114 = arith.constant 0 : i32
      %dma_start3A_115 = tpu.memref_slice %arg12[%dma_start3A_113, %dma_start3A_114] : memref<1x128xi32, #tpu.memory_space<vmem>> -> memref<1x128xi32, #tpu.memory_space<vmem>>
      %dma_start3A_116 = tpu.memref_squeeze %dma_start3A_115 : memref<1x128xi32, #tpu.memory_space<vmem>> -> memref<128xi32, #tpu.memory_space<vmem>>
      %dma_start3A_117 = arith.constant 0 : i32
      %dma_start3A_118 = arith.constant 0 : i32
      %dma_start3A_119 = tpu.memref_slice %arg7[%dma_start3A_117, %dma_start3A_118] : memref<10064x128xf32, #tpu.memory_space<vmem_shared>> -> memref<10064x128xf32, #tpu.memory_space<vmem_shared>>
      tpu.enqueue_indirect_dma source(%arg16 : memref<128x128xf32, #tpu.memory_space<vmem>>) target(%dma_start3A_119 : memref<10064x128xf32, #tpu.memory_space<vmem_shared>>) offsets(%dma_start3A_116 : memref<128xi32, #tpu.memory_space<vmem>>) semaphore(%arg24 : memref<!tpu.dma_semaphore, #tpu.memory_space<semaphore_mem>>) {add = true}
      %add3A_120 = arith.constant 3 : i32
      %add3A_121 = arith.addi %add3A_94, %add3A_120 : i32
      %lt3A_122 = arith.constant 80 : i32
      %lt3A_123 = arith.cmpi slt, %add3A_121, %lt3A_122 : i32
      %convert_element_type3A_124 = arith.extui %lt3A_123 : i1 to i32
      %cond3A_125 = arith.constant 0 : i32
      %cond3A_126 = arith.cmpi ne, %convert_element_type3A_124, %cond3A_125 : i32
      scf.if %cond3A_126 {
        %add3A_232 = arith.constant 3 : i32
        %add3A_233 = arith.addi %add3A_94, %add3A_232 : i32
        %add3A_234 = arith.addi %mul3A_4, %add3A_233 : i32
        %dma_start3A_235 = arith.constant 0 : i32
        %dma_start3A_236 = tpu.memref_slice %arg3[%add3A_234, %dma_start3A_235] : memref<2560x128xi32, #tpu.memory_space<hbm>> -> memref<1x128xi32, #tpu.memory_space<hbm>>
        %dma_start3A_237 = arith.constant 0 : i32
        %dma_start3A_238 = tpu.memref_slice %arg3[%add3A_234, %dma_start3A_237] : memref<2560x128xi32, #tpu.memory_space<hbm>> -> memref<1x128xi32, #tpu.memory_space<hbm>>
        tpu.enqueue_dma source(%dma_start3A_238 : memref<1x128xi32, #tpu.memory_space<hbm>>) target(%arg11 : memref<1x128xi32, #tpu.memory_space<vmem>>) target_semaphore(%arg21 : memref<!tpu.dma_semaphore, #tpu.memory_space<semaphore_mem>>)
        %add3A_239 = arith.addi %mul3A_4, %add3A_233 : i32
        %dma_start3A_240 = arith.constant 0 : i32
        %dma_start3A_241 = tpu.memref_slice %arg4[%add3A_239, %dma_start3A_240] : memref<2560x128xi32, #tpu.memory_space<hbm>> -> memref<1x128xi32, #tpu.memory_space<hbm>>
        %dma_start3A_242 = arith.constant 0 : i32
        %dma_start3A_243 = tpu.memref_slice %arg4[%add3A_239, %dma_start3A_242] : memref<2560x128xi32, #tpu.memory_space<hbm>> -> memref<1x128xi32, #tpu.memory_space<hbm>>
        tpu.enqueue_dma source(%dma_start3A_243 : memref<1x128xi32, #tpu.memory_space<hbm>>) target(%arg15 : memref<1x128xi32, #tpu.memory_space<vmem>>) target_semaphore(%arg21 : memref<!tpu.dma_semaphore, #tpu.memory_space<semaphore_mem>>)
      } else {
      }
      %add3A_127 = arith.constant 1 : i32
      %add3A_128 = arith.addi %mul3A_92, %add3A_127 : i32
      %ge3A_129 = arith.constant 1 : i32
      %ge3A_130 = arith.cmpi sge, %add3A_128, %ge3A_129 : i32
      %convert_element_type3A_131 = arith.extui %ge3A_130 : i1 to i32
      %cond3A_132 = arith.constant 0 : i32
      %cond3A_133 = arith.cmpi ne, %convert_element_type3A_131, %cond3A_132 : i32
      scf.if %cond3A_133 {
        %dma_wait3A_232 = arith.constant 0 : i32
        %dma_wait3A_233 = arith.constant 0 : i32
        %dma_wait3A_234 = tpu.memref_slice %arg12[%dma_wait3A_232, %dma_wait3A_233] : memref<1x128xi32, #tpu.memory_space<vmem>> -> memref<1x128xi32, #tpu.memory_space<vmem>>
        %dma_wait3A_235 = tpu.memref_squeeze %dma_wait3A_234 : memref<1x128xi32, #tpu.memory_space<vmem>> -> memref<128xi32, #tpu.memory_space<vmem>>
        %dma_wait3A_236 = arith.constant 0 : i32
        %dma_wait3A_237 = arith.constant 0 : i32
        %dma_wait3A_238 = tpu.memref_slice %arg7[%dma_wait3A_236, %dma_wait3A_237] : memref<10064x128xf32, #tpu.memory_space<vmem_shared>> -> memref<10064x128xf32, #tpu.memory_space<vmem_shared>>
        tpu.wait_indirect_dma semaphore(%arg24 : memref<!tpu.dma_semaphore, #tpu.memory_space<semaphore_mem>>) src(%arg16 : memref<128x128xf32, #tpu.memory_space<vmem>>) dst(%dma_wait3A_238 : memref<10064x128xf32, #tpu.memory_space<vmem_shared>>)
      } else {
      }
      %add3A_134 = arith.constant 1 : i32
      %add3A_135 = arith.addi %add3A_128, %add3A_134 : i32
      %lt3A_136 = arith.constant 80 : i32
      %lt3A_137 = arith.cmpi slt, %add3A_135, %lt3A_136 : i32
      %convert_element_type3A_138 = arith.extui %lt3A_137 : i1 to i32
      %cond3A_139 = arith.constant 0 : i32
      %cond3A_140 = arith.cmpi ne, %convert_element_type3A_138, %cond3A_139 : i32
      scf.if %cond3A_140 {
        %dma_wait3A_232 = arith.constant 0 : i32
        %dma_wait3A_233 = arith.constant 0 : i32
        %dma_wait3A_234 = tpu.memref_slice %arg3[%dma_wait3A_232, %dma_wait3A_233] : memref<2560x128xi32, #tpu.memory_space<hbm>> -> memref<1x128xi32, #tpu.memory_space<hbm>>
        %dma_wait3A_235 = arith.constant 0 : i32
        %dma_wait3A_236 = arith.constant 0 : i32
        %dma_wait3A_237 = tpu.memref_slice %arg3[%dma_wait3A_235, %dma_wait3A_236] : memref<2560x128xi32, #tpu.memory_space<hbm>> -> memref<1x128xi32, #tpu.memory_space<hbm>>
        tpu.wait_dma2 semaphore(%arg20 : memref<!tpu.dma_semaphore, #tpu.memory_space<semaphore_mem>>) src(%dma_wait3A_237 : memref<1x128xi32, #tpu.memory_space<hbm>>) dst(%arg10 : memref<1x128xi32, #tpu.memory_space<vmem>>)
        %dma_wait3A_238 = arith.constant 0 : i32
        %dma_wait3A_239 = arith.constant 0 : i32
        %dma_wait3A_240 = tpu.memref_slice %arg4[%dma_wait3A_238, %dma_wait3A_239] : memref<2560x128xi32, #tpu.memory_space<hbm>> -> memref<1x128xi32, #tpu.memory_space<hbm>>
        %dma_wait3A_241 = arith.constant 0 : i32
        %dma_wait3A_242 = arith.constant 0 : i32
        %dma_wait3A_243 = tpu.memref_slice %arg4[%dma_wait3A_241, %dma_wait3A_242] : memref<2560x128xi32, #tpu.memory_space<hbm>> -> memref<1x128xi32, #tpu.memory_space<hbm>>
        tpu.wait_dma2 semaphore(%arg20 : memref<!tpu.dma_semaphore, #tpu.memory_space<semaphore_mem>>) src(%dma_wait3A_243 : memref<1x128xi32, #tpu.memory_space<hbm>>) dst(%arg14 : memref<1x128xi32, #tpu.memory_space<vmem>>)
        %dma_start3A_244 = arith.constant 0 : i32
        %dma_start3A_245 = arith.constant 0 : i32
        %dma_start3A_246 = tpu.memref_slice %arg10[%dma_start3A_244, %dma_start3A_245] : memref<1x128xi32, #tpu.memory_space<vmem>> -> memref<1x128xi32, #tpu.memory_space<vmem>>
        %dma_start3A_247 = tpu.memref_squeeze %dma_start3A_246 : memref<1x128xi32, #tpu.memory_space<vmem>> -> memref<128xi32, #tpu.memory_space<vmem>>
        %dma_start3A_248 = arith.constant 0 : i32
        %dma_start3A_249 = arith.constant 0 : i32
        %dma_start3A_250 = tpu.memref_slice %arg2[%dma_start3A_248, %dma_start3A_249] : memref<10000x128xf32, #tpu.memory_space<hbm>> -> memref<10000x128xf32, #tpu.memory_space<hbm>>
        tpu.enqueue_indirect_dma source(%dma_start3A_250 : memref<10000x128xf32, #tpu.memory_space<hbm>>) target(%arg16 : memref<128x128xf32, #tpu.memory_space<vmem>>) offsets(%dma_start3A_247 : memref<128xi32, #tpu.memory_space<vmem>>) semaphore(%arg22 : memref<!tpu.dma_semaphore, #tpu.memory_space<semaphore_mem>>)
      } else {
      }
      %dma_wait3A_141 = arith.constant 0 : i32
      %dma_wait3A_142 = arith.constant 0 : i32
      %dma_wait3A_143 = tpu.memref_slice %arg9[%dma_wait3A_141, %dma_wait3A_142] : memref<1x128xi32, #tpu.memory_space<vmem>> -> memref<1x128xi32, #tpu.memory_space<vmem>>
      %dma_wait3A_144 = tpu.memref_squeeze %dma_wait3A_143 : memref<1x128xi32, #tpu.memory_space<vmem>> -> memref<128xi32, #tpu.memory_space<vmem>>
      %dma_wait3A_145 = arith.constant 0 : i32
      %dma_wait3A_146 = arith.constant 0 : i32
      %dma_wait3A_147 = tpu.memref_slice %arg2[%dma_wait3A_145, %dma_wait3A_146] : memref<10000x128xf32, #tpu.memory_space<hbm>> -> memref<10000x128xf32, #tpu.memory_space<hbm>>
      tpu.wait_indirect_dma semaphore(%arg23 : memref<!tpu.dma_semaphore, #tpu.memory_space<semaphore_mem>>) src(%dma_wait3A_147 : memref<10000x128xf32, #tpu.memory_space<hbm>>) dst(%arg17 : memref<128x128xf32, #tpu.memory_space<vmem>>)
      %dma_start3A_148 = arith.constant 0 : i32
      %dma_start3A_149 = arith.constant 0 : i32
      %dma_start3A_150 = tpu.memref_slice %arg13[%dma_start3A_148, %dma_start3A_149] : memref<1x128xi32, #tpu.memory_space<vmem>> -> memref<1x128xi32, #tpu.memory_space<vmem>>
      %dma_start3A_151 = tpu.memref_squeeze %dma_start3A_150 : memref<1x128xi32, #tpu.memory_space<vmem>> -> memref<128xi32, #tpu.memory_space<vmem>>
      %dma_start3A_152 = arith.constant 0 : i32
      %dma_start3A_153 = arith.constant 0 : i32
      %dma_start3A_154 = tpu.memref_slice %arg7[%dma_start3A_152, %dma_start3A_153] : memref<10064x128xf32, #tpu.memory_space<vmem_shared>> -> memref<10064x128xf32, #tpu.memory_space<vmem_shared>>
      tpu.enqueue_indirect_dma source(%arg17 : memref<128x128xf32, #tpu.memory_space<vmem>>) target(%dma_start3A_154 : memref<10064x128xf32, #tpu.memory_space<vmem_shared>>) offsets(%dma_start3A_151 : memref<128xi32, #tpu.memory_space<vmem>>) semaphore(%arg25 : memref<!tpu.dma_semaphore, #tpu.memory_space<semaphore_mem>>) {add = true}
      %add3A_155 = arith.constant 3 : i32
      %add3A_156 = arith.addi %add3A_128, %add3A_155 : i32
      %lt3A_157 = arith.constant 80 : i32
      %lt3A_158 = arith.cmpi slt, %add3A_156, %lt3A_157 : i32
      %convert_element_type3A_159 = arith.extui %lt3A_158 : i1 to i32
      %cond3A_160 = arith.constant 0 : i32
      %cond3A_161 = arith.cmpi ne, %convert_element_type3A_159, %cond3A_160 : i32
      scf.if %cond3A_161 {
        %add3A_232 = arith.constant 3 : i32
        %add3A_233 = arith.addi %add3A_128, %add3A_232 : i32
        %add3A_234 = arith.addi %mul3A_4, %add3A_233 : i32
        %dma_start3A_235 = arith.constant 0 : i32
        %dma_start3A_236 = tpu.memref_slice %arg3[%add3A_234, %dma_start3A_235] : memref<2560x128xi32, #tpu.memory_space<hbm>> -> memref<1x128xi32, #tpu.memory_space<hbm>>
        %dma_start3A_237 = arith.constant 0 : i32
        %dma_start3A_238 = tpu.memref_slice %arg3[%add3A_234, %dma_start3A_237] : memref<2560x128xi32, #tpu.memory_space<hbm>> -> memref<1x128xi32, #tpu.memory_space<hbm>>
        tpu.enqueue_dma source(%dma_start3A_238 : memref<1x128xi32, #tpu.memory_space<hbm>>) target(%arg8 : memref<1x128xi32, #tpu.memory_space<vmem>>) target_semaphore(%arg18 : memref<!tpu.dma_semaphore, #tpu.memory_space<semaphore_mem>>)
        %add3A_239 = arith.addi %mul3A_4, %add3A_233 : i32
        %dma_start3A_240 = arith.constant 0 : i32
        %dma_start3A_241 = tpu.memref_slice %arg4[%add3A_239, %dma_start3A_240] : memref<2560x128xi32, #tpu.memory_space<hbm>> -> memref<1x128xi32, #tpu.memory_space<hbm>>
        %dma_start3A_242 = arith.constant 0 : i32
        %dma_start3A_243 = tpu.memref_slice %arg4[%add3A_239, %dma_start3A_242] : memref<2560x128xi32, #tpu.memory_space<hbm>> -> memref<1x128xi32, #tpu.memory_space<hbm>>
        tpu.enqueue_dma source(%dma_start3A_243 : memref<1x128xi32, #tpu.memory_space<hbm>>) target(%arg12 : memref<1x128xi32, #tpu.memory_space<vmem>>) target_semaphore(%arg18 : memref<!tpu.dma_semaphore, #tpu.memory_space<semaphore_mem>>)
      } else {
      }
      %add3A_162 = arith.constant 2 : i32
      %add3A_163 = arith.addi %mul3A_92, %add3A_162 : i32
      %ge3A_164 = arith.constant 1 : i32
      %ge3A_165 = arith.cmpi sge, %add3A_163, %ge3A_164 : i32
      %convert_element_type3A_166 = arith.extui %ge3A_165 : i1 to i32
      %cond3A_167 = arith.constant 0 : i32
      %cond3A_168 = arith.cmpi ne, %convert_element_type3A_166, %cond3A_167 : i32
      scf.if %cond3A_168 {
        %dma_wait3A_232 = arith.constant 0 : i32
        %dma_wait3A_233 = arith.constant 0 : i32
        %dma_wait3A_234 = tpu.memref_slice %arg13[%dma_wait3A_232, %dma_wait3A_233] : memref<1x128xi32, #tpu.memory_space<vmem>> -> memref<1x128xi32, #tpu.memory_space<vmem>>
        %dma_wait3A_235 = tpu.memref_squeeze %dma_wait3A_234 : memref<1x128xi32, #tpu.memory_space<vmem>> -> memref<128xi32, #tpu.memory_space<vmem>>
        %dma_wait3A_236 = arith.constant 0 : i32
        %dma_wait3A_237 = arith.constant 0 : i32
        %dma_wait3A_238 = tpu.memref_slice %arg7[%dma_wait3A_236, %dma_wait3A_237] : memref<10064x128xf32, #tpu.memory_space<vmem_shared>> -> memref<10064x128xf32, #tpu.memory_space<vmem_shared>>
        tpu.wait_indirect_dma semaphore(%arg25 : memref<!tpu.dma_semaphore, #tpu.memory_space<semaphore_mem>>) src(%arg17 : memref<128x128xf32, #tpu.memory_space<vmem>>) dst(%dma_wait3A_238 : memref<10064x128xf32, #tpu.memory_space<vmem_shared>>)
      } else {
      }
      %add3A_169 = arith.constant 1 : i32
      %add3A_170 = arith.addi %add3A_163, %add3A_169 : i32
      %lt3A_171 = arith.constant 80 : i32
      %lt3A_172 = arith.cmpi slt, %add3A_170, %lt3A_171 : i32
      %convert_element_type3A_173 = arith.extui %lt3A_172 : i1 to i32
      %cond3A_174 = arith.constant 0 : i32
      %cond3A_175 = arith.cmpi ne, %convert_element_type3A_173, %cond3A_174 : i32
      scf.if %cond3A_175 {
        %dma_wait3A_232 = arith.constant 0 : i32
        %dma_wait3A_233 = arith.constant 0 : i32
        %dma_wait3A_234 = tpu.memref_slice %arg3[%dma_wait3A_232, %dma_wait3A_233] : memref<2560x128xi32, #tpu.memory_space<hbm>> -> memref<1x128xi32, #tpu.memory_space<hbm>>
        %dma_wait3A_235 = arith.constant 0 : i32
        %dma_wait3A_236 = arith.constant 0 : i32
        %dma_wait3A_237 = tpu.memref_slice %arg3[%dma_wait3A_235, %dma_wait3A_236] : memref<2560x128xi32, #tpu.memory_space<hbm>> -> memref<1x128xi32, #tpu.memory_space<hbm>>
        tpu.wait_dma2 semaphore(%arg21 : memref<!tpu.dma_semaphore, #tpu.memory_space<semaphore_mem>>) src(%dma_wait3A_237 : memref<1x128xi32, #tpu.memory_space<hbm>>) dst(%arg11 : memref<1x128xi32, #tpu.memory_space<vmem>>)
        %dma_wait3A_238 = arith.constant 0 : i32
        %dma_wait3A_239 = arith.constant 0 : i32
        %dma_wait3A_240 = tpu.memref_slice %arg4[%dma_wait3A_238, %dma_wait3A_239] : memref<2560x128xi32, #tpu.memory_space<hbm>> -> memref<1x128xi32, #tpu.memory_space<hbm>>
        %dma_wait3A_241 = arith.constant 0 : i32
        %dma_wait3A_242 = arith.constant 0 : i32
        %dma_wait3A_243 = tpu.memref_slice %arg4[%dma_wait3A_241, %dma_wait3A_242] : memref<2560x128xi32, #tpu.memory_space<hbm>> -> memref<1x128xi32, #tpu.memory_space<hbm>>
        tpu.wait_dma2 semaphore(%arg21 : memref<!tpu.dma_semaphore, #tpu.memory_space<semaphore_mem>>) src(%dma_wait3A_243 : memref<1x128xi32, #tpu.memory_space<hbm>>) dst(%arg15 : memref<1x128xi32, #tpu.memory_space<vmem>>)
        %dma_start3A_244 = arith.constant 0 : i32
        %dma_start3A_245 = arith.constant 0 : i32
        %dma_start3A_246 = tpu.memref_slice %arg11[%dma_start3A_244, %dma_start3A_245] : memref<1x128xi32, #tpu.memory_space<vmem>> -> memref<1x128xi32, #tpu.memory_space<vmem>>
        %dma_start3A_247 = tpu.memref_squeeze %dma_start3A_246 : memref<1x128xi32, #tpu.memory_space<vmem>> -> memref<128xi32, #tpu.memory_space<vmem>>
        %dma_start3A_248 = arith.constant 0 : i32
        %dma_start3A_249 = arith.constant 0 : i32
        %dma_start3A_250 = tpu.memref_slice %arg2[%dma_start3A_248, %dma_start3A_249] : memref<10000x128xf32, #tpu.memory_space<hbm>> -> memref<10000x128xf32, #tpu.memory_space<hbm>>
        tpu.enqueue_indirect_dma source(%dma_start3A_250 : memref<10000x128xf32, #tpu.memory_space<hbm>>) target(%arg17 : memref<128x128xf32, #tpu.memory_space<vmem>>) offsets(%dma_start3A_247 : memref<128xi32, #tpu.memory_space<vmem>>) semaphore(%arg23 : memref<!tpu.dma_semaphore, #tpu.memory_space<semaphore_mem>>)
      } else {
      }
      %dma_wait3A_176 = arith.constant 0 : i32
      %dma_wait3A_177 = arith.constant 0 : i32
      %dma_wait3A_178 = tpu.memref_slice %arg10[%dma_wait3A_176, %dma_wait3A_177] : memref<1x128xi32, #tpu.memory_space<vmem>> -> memref<1x128xi32, #tpu.memory_space<vmem>>
      %dma_wait3A_179 = tpu.memref_squeeze %dma_wait3A_178 : memref<1x128xi32, #tpu.memory_space<vmem>> -> memref<128xi32, #tpu.memory_space<vmem>>
      %dma_wait3A_180 = arith.constant 0 : i32
      %dma_wait3A_181 = arith.constant 0 : i32
      %dma_wait3A_182 = tpu.memref_slice %arg2[%dma_wait3A_180, %dma_wait3A_181] : memref<10000x128xf32, #tpu.memory_space<hbm>> -> memref<10000x128xf32, #tpu.memory_space<hbm>>
      tpu.wait_indirect_dma semaphore(%arg22 : memref<!tpu.dma_semaphore, #tpu.memory_space<semaphore_mem>>) src(%dma_wait3A_182 : memref<10000x128xf32, #tpu.memory_space<hbm>>) dst(%arg16 : memref<128x128xf32, #tpu.memory_space<vmem>>)
      %dma_start3A_183 = arith.constant 0 : i32
      %dma_start3A_184 = arith.constant 0 : i32
      %dma_start3A_185 = tpu.memref_slice %arg14[%dma_start3A_183, %dma_start3A_184] : memref<1x128xi32, #tpu.memory_space<vmem>> -> memref<1x128xi32, #tpu.memory_space<vmem>>
      %dma_start3A_186 = tpu.memref_squeeze %dma_start3A_185 : memref<1x128xi32, #tpu.memory_space<vmem>> -> memref<128xi32, #tpu.memory_space<vmem>>
      %dma_start3A_187 = arith.constant 0 : i32
      %dma_start3A_188 = arith.constant 0 : i32
      %dma_start3A_189 = tpu.memref_slice %arg7[%dma_start3A_187, %dma_start3A_188] : memref<10064x128xf32, #tpu.memory_space<vmem_shared>> -> memref<10064x128xf32, #tpu.memory_space<vmem_shared>>
      tpu.enqueue_indirect_dma source(%arg16 : memref<128x128xf32, #tpu.memory_space<vmem>>) target(%dma_start3A_189 : memref<10064x128xf32, #tpu.memory_space<vmem_shared>>) offsets(%dma_start3A_186 : memref<128xi32, #tpu.memory_space<vmem>>) semaphore(%arg24 : memref<!tpu.dma_semaphore, #tpu.memory_space<semaphore_mem>>) {add = true}
      %add3A_190 = arith.constant 3 : i32
      %add3A_191 = arith.addi %add3A_163, %add3A_190 : i32
      %lt3A_192 = arith.constant 80 : i32
      %lt3A_193 = arith.cmpi slt, %add3A_191, %lt3A_192 : i32
      %convert_element_type3A_194 = arith.extui %lt3A_193 : i1 to i32
      %cond3A_195 = arith.constant 0 : i32
      %cond3A_196 = arith.cmpi ne, %convert_element_type3A_194, %cond3A_195 : i32
      scf.if %cond3A_196 {
        %add3A_232 = arith.constant 3 : i32
        %add3A_233 = arith.addi %add3A_163, %add3A_232 : i32
        %add3A_234 = arith.addi %mul3A_4, %add3A_233 : i32
        %dma_start3A_235 = arith.constant 0 : i32
        %dma_start3A_236 = tpu.memref_slice %arg3[%add3A_234, %dma_start3A_235] : memref<2560x128xi32, #tpu.memory_space<hbm>> -> memref<1x128xi32, #tpu.memory_space<hbm>>
        %dma_start3A_237 = arith.constant 0 : i32
        %dma_start3A_238 = tpu.memref_slice %arg3[%add3A_234, %dma_start3A_237] : memref<2560x128xi32, #tpu.memory_space<hbm>> -> memref<1x128xi32, #tpu.memory_space<hbm>>
        tpu.enqueue_dma source(%dma_start3A_238 : memref<1x128xi32, #tpu.memory_space<hbm>>) target(%arg9 : memref<1x128xi32, #tpu.memory_space<vmem>>) target_semaphore(%arg19 : memref<!tpu.dma_semaphore, #tpu.memory_space<semaphore_mem>>)
        %add3A_239 = arith.addi %mul3A_4, %add3A_233 : i32
        %dma_start3A_240 = arith.constant 0 : i32
        %dma_start3A_241 = tpu.memref_slice %arg4[%add3A_239, %dma_start3A_240] : memref<2560x128xi32, #tpu.memory_space<hbm>> -> memref<1x128xi32, #tpu.memory_space<hbm>>
        %dma_start3A_242 = arith.constant 0 : i32
        %dma_start3A_243 = tpu.memref_slice %arg4[%add3A_239, %dma_start3A_242] : memref<2560x128xi32, #tpu.memory_space<hbm>> -> memref<1x128xi32, #tpu.memory_space<hbm>>
        tpu.enqueue_dma source(%dma_start3A_243 : memref<1x128xi32, #tpu.memory_space<hbm>>) target(%arg13 : memref<1x128xi32, #tpu.memory_space<vmem>>) target_semaphore(%arg19 : memref<!tpu.dma_semaphore, #tpu.memory_space<semaphore_mem>>)
      } else {
      }
      %add3A_197 = arith.constant 3 : i32
      %add3A_198 = arith.addi %mul3A_92, %add3A_197 : i32
      %ge3A_199 = arith.constant 1 : i32
      %ge3A_200 = arith.cmpi sge, %add3A_198, %ge3A_199 : i32
      %convert_element_type3A_201 = arith.extui %ge3A_200 : i1 to i32
      %cond3A_202 = arith.constant 0 : i32
      %cond3A_203 = arith.cmpi ne, %convert_element_type3A_201, %cond3A_202 : i32
      scf.if %cond3A_203 {
        %dma_wait3A_232 = arith.constant 0 : i32
        %dma_wait3A_233 = arith.constant 0 : i32
        %dma_wait3A_234 = tpu.memref_slice %arg14[%dma_wait3A_232, %dma_wait3A_233] : memref<1x128xi32, #tpu.memory_space<vmem>> -> memref<1x128xi32, #tpu.memory_space<vmem>>
        %dma_wait3A_235 = tpu.memref_squeeze %dma_wait3A_234 : memref<1x128xi32, #tpu.memory_space<vmem>> -> memref<128xi32, #tpu.memory_space<vmem>>
        %dma_wait3A_236 = arith.constant 0 : i32
        %dma_wait3A_237 = arith.constant 0 : i32
        %dma_wait3A_238 = tpu.memref_slice %arg7[%dma_wait3A_236, %dma_wait3A_237] : memref<10064x128xf32, #tpu.memory_space<vmem_shared>> -> memref<10064x128xf32, #tpu.memory_space<vmem_shared>>
        tpu.wait_indirect_dma semaphore(%arg24 : memref<!tpu.dma_semaphore, #tpu.memory_space<semaphore_mem>>) src(%arg16 : memref<128x128xf32, #tpu.memory_space<vmem>>) dst(%dma_wait3A_238 : memref<10064x128xf32, #tpu.memory_space<vmem_shared>>)
      } else {
      }
      %add3A_204 = arith.constant 1 : i32
      %add3A_205 = arith.addi %add3A_198, %add3A_204 : i32
      %lt3A_206 = arith.constant 80 : i32
      %lt3A_207 = arith.cmpi slt, %add3A_205, %lt3A_206 : i32
      %convert_element_type3A_208 = arith.extui %lt3A_207 : i1 to i32
      %cond3A_209 = arith.constant 0 : i32
      %cond3A_210 = arith.cmpi ne, %convert_element_type3A_208, %cond3A_209 : i32
      scf.if %cond3A_210 {
        %dma_wait3A_232 = arith.constant 0 : i32
        %dma_wait3A_233 = arith.constant 0 : i32
        %dma_wait3A_234 = tpu.memref_slice %arg3[%dma_wait3A_232, %dma_wait3A_233] : memref<2560x128xi32, #tpu.memory_space<hbm>> -> memref<1x128xi32, #tpu.memory_space<hbm>>
        %dma_wait3A_235 = arith.constant 0 : i32
        %dma_wait3A_236 = arith.constant 0 : i32
        %dma_wait3A_237 = tpu.memref_slice %arg3[%dma_wait3A_235, %dma_wait3A_236] : memref<2560x128xi32, #tpu.memory_space<hbm>> -> memref<1x128xi32, #tpu.memory_space<hbm>>
        tpu.wait_dma2 semaphore(%arg18 : memref<!tpu.dma_semaphore, #tpu.memory_space<semaphore_mem>>) src(%dma_wait3A_237 : memref<1x128xi32, #tpu.memory_space<hbm>>) dst(%arg8 : memref<1x128xi32, #tpu.memory_space<vmem>>)
        %dma_wait3A_238 = arith.constant 0 : i32
        %dma_wait3A_239 = arith.constant 0 : i32
        %dma_wait3A_240 = tpu.memref_slice %arg4[%dma_wait3A_238, %dma_wait3A_239] : memref<2560x128xi32, #tpu.memory_space<hbm>> -> memref<1x128xi32, #tpu.memory_space<hbm>>
        %dma_wait3A_241 = arith.constant 0 : i32
        %dma_wait3A_242 = arith.constant 0 : i32
        %dma_wait3A_243 = tpu.memref_slice %arg4[%dma_wait3A_241, %dma_wait3A_242] : memref<2560x128xi32, #tpu.memory_space<hbm>> -> memref<1x128xi32, #tpu.memory_space<hbm>>
        tpu.wait_dma2 semaphore(%arg18 : memref<!tpu.dma_semaphore, #tpu.memory_space<semaphore_mem>>) src(%dma_wait3A_243 : memref<1x128xi32, #tpu.memory_space<hbm>>) dst(%arg12 : memref<1x128xi32, #tpu.memory_space<vmem>>)
        %dma_start3A_244 = arith.constant 0 : i32
        %dma_start3A_245 = arith.constant 0 : i32
        %dma_start3A_246 = tpu.memref_slice %arg8[%dma_start3A_244, %dma_start3A_245] : memref<1x128xi32, #tpu.memory_space<vmem>> -> memref<1x128xi32, #tpu.memory_space<vmem>>
        %dma_start3A_247 = tpu.memref_squeeze %dma_start3A_246 : memref<1x128xi32, #tpu.memory_space<vmem>> -> memref<128xi32, #tpu.memory_space<vmem>>
        %dma_start3A_248 = arith.constant 0 : i32
        %dma_start3A_249 = arith.constant 0 : i32
        %dma_start3A_250 = tpu.memref_slice %arg2[%dma_start3A_248, %dma_start3A_249] : memref<10000x128xf32, #tpu.memory_space<hbm>> -> memref<10000x128xf32, #tpu.memory_space<hbm>>
        tpu.enqueue_indirect_dma source(%dma_start3A_250 : memref<10000x128xf32, #tpu.memory_space<hbm>>) target(%arg16 : memref<128x128xf32, #tpu.memory_space<vmem>>) offsets(%dma_start3A_247 : memref<128xi32, #tpu.memory_space<vmem>>) semaphore(%arg22 : memref<!tpu.dma_semaphore, #tpu.memory_space<semaphore_mem>>)
      } else {
      }
      %dma_wait3A_211 = arith.constant 0 : i32
      %dma_wait3A_212 = arith.constant 0 : i32
      %dma_wait3A_213 = tpu.memref_slice %arg11[%dma_wait3A_211, %dma_wait3A_212] : memref<1x128xi32, #tpu.memory_space<vmem>> -> memref<1x128xi32, #tpu.memory_space<vmem>>
      %dma_wait3A_214 = tpu.memref_squeeze %dma_wait3A_213 : memref<1x128xi32, #tpu.memory_space<vmem>> -> memref<128xi32, #tpu.memory_space<vmem>>
      %dma_wait3A_215 = arith.constant 0 : i32
      %dma_wait3A_216 = arith.constant 0 : i32
      %dma_wait3A_217 = tpu.memref_slice %arg2[%dma_wait3A_215, %dma_wait3A_216] : memref<10000x128xf32, #tpu.memory_space<hbm>> -> memref<10000x128xf32, #tpu.memory_space<hbm>>
      tpu.wait_indirect_dma semaphore(%arg23 : memref<!tpu.dma_semaphore, #tpu.memory_space<semaphore_mem>>) src(%dma_wait3A_217 : memref<10000x128xf32, #tpu.memory_space<hbm>>) dst(%arg17 : memref<128x128xf32, #tpu.memory_space<vmem>>)
      %dma_start3A_218 = arith.constant 0 : i32
      %dma_start3A_219 = arith.constant 0 : i32
      %dma_start3A_220 = tpu.memref_slice %arg15[%dma_start3A_218, %dma_start3A_219] : memref<1x128xi32, #tpu.memory_space<vmem>> -> memref<1x128xi32, #tpu.memory_space<vmem>>
      %dma_start3A_221 = tpu.memref_squeeze %dma_start3A_220 : memref<1x128xi32, #tpu.memory_space<vmem>> -> memref<128xi32, #tpu.memory_space<vmem>>
      %dma_start3A_222 = arith.constant 0 : i32
      %dma_start3A_223 = arith.constant 0 : i32
      %dma_start3A_224 = tpu.memref_slice %arg7[%dma_start3A_222, %dma_start3A_223] : memref<10064x128xf32, #tpu.memory_space<vmem_shared>> -> memref<10064x128xf32, #tpu.memory_space<vmem_shared>>
      tpu.enqueue_indirect_dma source(%arg17 : memref<128x128xf32, #tpu.memory_space<vmem>>) target(%dma_start3A_224 : memref<10064x128xf32, #tpu.memory_space<vmem_shared>>) offsets(%dma_start3A_221 : memref<128xi32, #tpu.memory_space<vmem>>) semaphore(%arg25 : memref<!tpu.dma_semaphore, #tpu.memory_space<semaphore_mem>>) {add = true}
      %add3A_225 = arith.constant 3 : i32
      %add3A_226 = arith.addi %add3A_198, %add3A_225 : i32
      %lt3A_227 = arith.constant 80 : i32
      %lt3A_228 = arith.cmpi slt, %add3A_226, %lt3A_227 : i32
      %convert_element_type3A_229 = arith.extui %lt3A_228 : i1 to i32
      %cond3A_230 = arith.constant 0 : i32
      %cond3A_231 = arith.cmpi ne, %convert_element_type3A_229, %cond3A_230 : i32
      scf.if %cond3A_231 {
        %add3A_232 = arith.constant 3 : i32
        %add3A_233 = arith.addi %add3A_198, %add3A_232 : i32
        %add3A_234 = arith.addi %mul3A_4, %add3A_233 : i32
        %dma_start3A_235 = arith.constant 0 : i32
        %dma_start3A_236 = tpu.memref_slice %arg3[%add3A_234, %dma_start3A_235] : memref<2560x128xi32, #tpu.memory_space<hbm>> -> memref<1x128xi32, #tpu.memory_space<hbm>>
        %dma_start3A_237 = arith.constant 0 : i32
        %dma_start3A_238 = tpu.memref_slice %arg3[%add3A_234, %dma_start3A_237] : memref<2560x128xi32, #tpu.memory_space<hbm>> -> memref<1x128xi32, #tpu.memory_space<hbm>>
        tpu.enqueue_dma source(%dma_start3A_238 : memref<1x128xi32, #tpu.memory_space<hbm>>) target(%arg10 : memref<1x128xi32, #tpu.memory_space<vmem>>) target_semaphore(%arg20 : memref<!tpu.dma_semaphore, #tpu.memory_space<semaphore_mem>>)
        %add3A_239 = arith.addi %mul3A_4, %add3A_233 : i32
        %dma_start3A_240 = arith.constant 0 : i32
        %dma_start3A_241 = tpu.memref_slice %arg4[%add3A_239, %dma_start3A_240] : memref<2560x128xi32, #tpu.memory_space<hbm>> -> memref<1x128xi32, #tpu.memory_space<hbm>>
        %dma_start3A_242 = arith.constant 0 : i32
        %dma_start3A_243 = tpu.memref_slice %arg4[%add3A_239, %dma_start3A_242] : memref<2560x128xi32, #tpu.memory_space<hbm>> -> memref<1x128xi32, #tpu.memory_space<hbm>>
        tpu.enqueue_dma source(%dma_start3A_243 : memref<1x128xi32, #tpu.memory_space<hbm>>) target(%arg14 : memref<1x128xi32, #tpu.memory_space<vmem>>) target_semaphore(%arg20 : memref<!tpu.dma_semaphore, #tpu.memory_space<semaphore_mem>>)
      } else {
      }
    }
    %scan3A_67 = arith.constant 20 : i32
    %dma_wait3A_68 = arith.constant 0 : i32
    %dma_wait3A_69 = arith.constant 0 : i32
    %dma_wait3A_70 = tpu.memref_slice %arg15[%dma_wait3A_68, %dma_wait3A_69] : memref<1x128xi32, #tpu.memory_space<vmem>> -> memref<1x128xi32, #tpu.memory_space<vmem>>
    %dma_wait3A_71 = tpu.memref_squeeze %dma_wait3A_70 : memref<1x128xi32, #tpu.memory_space<vmem>> -> memref<128xi32, #tpu.memory_space<vmem>>
    %dma_wait3A_72 = arith.constant 0 : i32
    %dma_wait3A_73 = arith.constant 0 : i32
    %dma_wait3A_74 = tpu.memref_slice %arg7[%dma_wait3A_72, %dma_wait3A_73] : memref<10064x128xf32, #tpu.memory_space<vmem_shared>> -> memref<10064x128xf32, #tpu.memory_space<vmem_shared>>
    tpu.wait_indirect_dma semaphore(%arg25 : memref<!tpu.dma_semaphore, #tpu.memory_space<semaphore_mem>>) src(%arg17 : memref<128x128xf32, #tpu.memory_space<vmem>>) dst(%dma_wait3A_74 : memref<10064x128xf32, #tpu.memory_space<vmem_shared>>)
    %barrier3A_75 = arith.constant 0 : index
    tpu.barrier barrier_id(%barrier3A_75)
    %lt3A_76 = arith.constant 15 : i32
    %lt3A_77 = arith.cmpi slt, %arg1, %lt3A_76 : i32
    %convert_element_type3A_78 = arith.extui %lt3A_77 : i1 to i32
    %cond3A_79 = arith.constant 0 : i32
    %cond3A_80 = arith.cmpi ne, %convert_element_type3A_78, %cond3A_79 : i32
    scf.if %cond3A_80 {
      %mul3A_86 = arith.constant 10000 : i32
      %mul3A_87 = arith.muli %arg0, %mul3A_86 : i32
      %add3A_88 = arith.addi %mul3A_87, %mul3A_2 : i32
      "tpu.region"() ({
        %run_scoped3A = tpu.sem_alloc : memref<!tpu.dma_semaphore, #tpu.memory_space<semaphore_mem>>
        %dma_start3A_89 = arith.constant 0 : i32
        %dma_start3A_90 = tpu.memref_slice %arg6[%add3A_88, %dma_start3A_89] : memref<20000x128xf32, #tpu.memory_space<hbm>> -> memref<632x128xf32, #tpu.memory_space<hbm>>
        %dma_start3A_91 = arith.constant 0 : i32
        %dma_start3A_92 = tpu.memref_slice %arg7[%mul3A_2, %dma_start3A_91] : memref<10064x128xf32, #tpu.memory_space<vmem_shared>> -> memref<632x128xf32, #tpu.memory_space<vmem_shared>>
        tpu.enqueue_dma source(%dma_start3A_92 : memref<632x128xf32, #tpu.memory_space<vmem_shared>>) target(%dma_start3A_90 : memref<632x128xf32, #tpu.memory_space<hbm>>) target_semaphore(%run_scoped3A : memref<!tpu.dma_semaphore, #tpu.memory_space<semaphore_mem>>)
        %dma_wait3A_93 = arith.constant 0 : i32
        %dma_wait3A_94 = tpu.memref_slice %arg6[%add3A_88, %dma_wait3A_93] : memref<20000x128xf32, #tpu.memory_space<hbm>> -> memref<632x128xf32, #tpu.memory_space<hbm>>
        %dma_wait3A_95 = arith.constant 0 : i32
        %dma_wait3A_96 = tpu.memref_slice %arg7[%mul3A_2, %dma_wait3A_95] : memref<10064x128xf32, #tpu.memory_space<vmem_shared>> -> memref<632x128xf32, #tpu.memory_space<vmem_shared>>
        tpu.wait_dma2 semaphore(%run_scoped3A : memref<!tpu.dma_semaphore, #tpu.memory_space<semaphore_mem>>) src(%dma_wait3A_96 : memref<632x128xf32, #tpu.memory_space<vmem_shared>>) dst(%dma_wait3A_94 : memref<632x128xf32, #tpu.memory_space<hbm>>)
        tpu.yield
      }) : () -> ()
    } else {
    }
    %eq3A_81 = arith.constant 15 : i32
    %eq3A_82 = arith.cmpi eq, %arg1, %eq3A_81 : i32
    %convert_element_type3A_83 = arith.extui %eq3A_82 : i1 to i32
    %cond3A_84 = arith.constant 0 : i32
    %cond3A_85 = arith.cmpi ne, %convert_element_type3A_83, %cond3A_84 : i32
    scf.if %cond3A_85 {
      %mul3A_86 = arith.constant 10000 : i32
      %mul3A_87 = arith.muli %arg0, %mul3A_86 : i32
      %add3A_88 = arith.constant 9480 : i32
      %add3A_89 = arith.addi %mul3A_87, %add3A_88 : i32
      "tpu.region"() ({
        %run_scoped3A = tpu.sem_alloc : memref<!tpu.dma_semaphore, #tpu.memory_space<semaphore_mem>>
        %dma_start3A_90 = arith.constant 0 : i32
        %dma_start3A_91 = tpu.memref_slice %arg6[%add3A_89, %dma_start3A_90] : memref<20000x128xf32, #tpu.memory_space<hbm>> -> memref<520x128xf32, #tpu.memory_space<hbm>>
        %dma_start3A_92 = arith.constant 9480 : i32
        %dma_start3A_93 = arith.constant 0 : i32
        %dma_start3A_94 = tpu.memref_slice %arg7[%dma_start3A_92, %dma_start3A_93] : memref<10064x128xf32, #tpu.memory_space<vmem_shared>> -> memref<520x128xf32, #tpu.memory_space<vmem_shared>>
        tpu.enqueue_dma source(%dma_start3A_94 : memref<520x128xf32, #tpu.memory_space<vmem_shared>>) target(%dma_start3A_91 : memref<520x128xf32, #tpu.memory_space<hbm>>) target_semaphore(%run_scoped3A : memref<!tpu.dma_semaphore, #tpu.memory_space<semaphore_mem>>)
        %dma_wait3A_95 = arith.constant 0 : i32
        %dma_wait3A_96 = tpu.memref_slice %arg6[%add3A_89, %dma_wait3A_95] : memref<20000x128xf32, #tpu.memory_space<hbm>> -> memref<520x128xf32, #tpu.memory_space<hbm>>
        %dma_wait3A_97 = arith.constant 9480 : i32
        %dma_wait3A_98 = arith.constant 0 : i32
        %dma_wait3A_99 = tpu.memref_slice %arg7[%dma_wait3A_97, %dma_wait3A_98] : memref<10064x128xf32, #tpu.memory_space<vmem_shared>> -> memref<520x128xf32, #tpu.memory_space<vmem_shared>>
        tpu.wait_dma2 semaphore(%run_scoped3A : memref<!tpu.dma_semaphore, #tpu.memory_space<semaphore_mem>>) src(%dma_wait3A_99 : memref<520x128xf32, #tpu.memory_space<vmem_shared>>) dst(%dma_wait3A_96 : memref<520x128xf32, #tpu.memory_space<hbm>>)
        tpu.yield
      }) : () -> ()
    } else {
    }
    return
  }
}

#map = affine_map<(d0, d1) -> (0, 0)>
module attributes {stable_mosaic.version = 14 : i64} {
  func.func @_deg_body(%arg0: i32, %arg1: i32, %arg2: memref<2560x128xi32, #tpu.memory_space<hbm>>, %arg3: memref<128x128xf32, #tpu.memory_space<hbm>>, %arg4: memref<632x128xf32, #tpu.memory_space<hbm>>, %arg5: memref<20000x128xf32, #tpu.memory_space<hbm>>, %arg6: memref<10064x128xf32, #tpu.memory_space<vmem_shared>>, %arg7: memref<80x128xi32, #tpu.memory_space<vmem>>, %arg8: memref<128x128xf32, #tpu.memory_space<vmem>>, %arg9: memref<!tpu.dma_semaphore, #tpu.memory_space<semaphore_mem>>) attributes {dimension_semantics = [#tpu.dimension_semantics<core_parallel>, #tpu.dimension_semantics<subcore_parallel>], iteration_bounds = array<i64: 2, 16>, scalar_prefetch = 0 : i64, scratch_operands = 4 : i64, tpu.core_type = #tpu.core_type<sc_vector_subcore>, window_params = [{transform_indices = #map}, {transform_indices = #map}, {transform_indices = #map}, {transform_indices = #map}]} {
    %mul3A = arith.constant 16 : i32
    %mul3A_0 = arith.muli %arg0, %mul3A : i32
    %add3A = arith.addi %mul3A_0, %arg1 : i32
    %mul3A_1 = arith.constant 632 : i32
    %mul3A_2 = arith.muli %arg1, %mul3A_1 : i32
    %mul3A_3 = arith.constant 80 : i32
    %mul3A_4 = arith.muli %add3A, %mul3A_3 : i32
    "tpu.region"() ({
      %run_scoped3A = tpu.sem_alloc : memref<!tpu.dma_semaphore, #tpu.memory_space<semaphore_mem>>
      %dma_start3A = arith.constant 0 : i32
      %dma_start3A_26 = tpu.memref_slice %arg2[%mul3A_4, %dma_start3A] : memref<2560x128xi32, #tpu.memory_space<hbm>> -> memref<80x128xi32, #tpu.memory_space<hbm>>
      %dma_start3A_27 = arith.constant 0 : i32
      %dma_start3A_28 = tpu.memref_slice %arg2[%mul3A_4, %dma_start3A_27] : memref<2560x128xi32, #tpu.memory_space<hbm>> -> memref<80x128xi32, #tpu.memory_space<hbm>>
      tpu.enqueue_dma source(%dma_start3A_28 : memref<80x128xi32, #tpu.memory_space<hbm>>) target(%arg7 : memref<80x128xi32, #tpu.memory_space<vmem>>) target_semaphore(%run_scoped3A : memref<!tpu.dma_semaphore, #tpu.memory_space<semaphore_mem>>)
      %dma_wait3A = arith.constant 0 : i32
      %dma_wait3A_29 = tpu.memref_slice %arg2[%mul3A_4, %dma_wait3A] : memref<2560x128xi32, #tpu.memory_space<hbm>> -> memref<80x128xi32, #tpu.memory_space<hbm>>
      %dma_wait3A_30 = arith.constant 0 : i32
      %dma_wait3A_31 = tpu.memref_slice %arg2[%mul3A_4, %dma_wait3A_30] : memref<2560x128xi32, #tpu.memory_space<hbm>> -> memref<80x128xi32, #tpu.memory_space<hbm>>
      tpu.wait_dma2 semaphore(%run_scoped3A : memref<!tpu.dma_semaphore, #tpu.memory_space<semaphore_mem>>) src(%dma_wait3A_31 : memref<80x128xi32, #tpu.memory_space<hbm>>) dst(%arg7 : memref<80x128xi32, #tpu.memory_space<vmem>>)
      tpu.yield
    }) : () -> ()
    "tpu.region"() ({
      %run_scoped3A = tpu.sem_alloc : memref<!tpu.dma_semaphore, #tpu.memory_space<semaphore_mem>>
      tpu.enqueue_dma source(%arg3 : memref<128x128xf32, #tpu.memory_space<hbm>>) target(%arg8 : memref<128x128xf32, #tpu.memory_space<vmem>>) target_semaphore(%run_scoped3A : memref<!tpu.dma_semaphore, #tpu.memory_space<semaphore_mem>>)
      tpu.wait_dma2 semaphore(%run_scoped3A : memref<!tpu.dma_semaphore, #tpu.memory_space<semaphore_mem>>) src(%arg3 : memref<128x128xf32, #tpu.memory_space<hbm>>) dst(%arg8 : memref<128x128xf32, #tpu.memory_space<vmem>>)
      tpu.yield
    }) : () -> ()
    %lt3A = arith.constant 15 : i32
    %lt3A_5 = arith.cmpi slt, %arg1, %lt3A : i32
    %convert_element_type3A = arith.extui %lt3A_5 : i1 to i32
    %cond3A = arith.constant 0 : i32
    %cond3A_6 = arith.cmpi ne, %convert_element_type3A, %cond3A : i32
    scf.if %cond3A_6 {
      "tpu.region"() ({
        %run_scoped3A = tpu.sem_alloc : memref<!tpu.dma_semaphore, #tpu.memory_space<semaphore_mem>>
        %dma_start3A = arith.constant 0 : i32
        %dma_start3A_26 = tpu.memref_slice %arg6[%mul3A_2, %dma_start3A] : memref<10064x128xf32, #tpu.memory_space<vmem_shared>> -> memref<632x128xf32, #tpu.memory_space<vmem_shared>>
        tpu.enqueue_dma source(%arg4 : memref<632x128xf32, #tpu.memory_space<hbm>>) target(%dma_start3A_26 : memref<632x128xf32, #tpu.memory_space<vmem_shared>>) target_semaphore(%run_scoped3A : memref<!tpu.dma_semaphore, #tpu.memory_space<semaphore_mem>>)
        %dma_wait3A = arith.constant 0 : i32
        %dma_wait3A_27 = tpu.memref_slice %arg6[%mul3A_2, %dma_wait3A] : memref<10064x128xf32, #tpu.memory_space<vmem_shared>> -> memref<632x128xf32, #tpu.memory_space<vmem_shared>>
        tpu.wait_dma2 semaphore(%run_scoped3A : memref<!tpu.dma_semaphore, #tpu.memory_space<semaphore_mem>>) src(%arg4 : memref<632x128xf32, #tpu.memory_space<hbm>>) dst(%dma_wait3A_27 : memref<632x128xf32, #tpu.memory_space<vmem_shared>>)
        tpu.yield
      }) : () -> ()
    } else {
    }
    %eq3A = arith.constant 15 : i32
    %eq3A_7 = arith.cmpi eq, %arg1, %eq3A : i32
    %convert_element_type3A_8 = arith.extui %eq3A_7 : i1 to i32
    %cond3A_9 = arith.constant 0 : i32
    %cond3A_10 = arith.cmpi ne, %convert_element_type3A_8, %cond3A_9 : i32
    scf.if %cond3A_10 {
      "tpu.region"() ({
        %run_scoped3A = tpu.sem_alloc : memref<!tpu.dma_semaphore, #tpu.memory_space<semaphore_mem>>
        %dma_start3A = arith.constant 9480 : i32
        %dma_start3A_26 = arith.constant 0 : i32
        %dma_start3A_27 = tpu.memref_slice %arg6[%dma_start3A, %dma_start3A_26] : memref<10064x128xf32, #tpu.memory_space<vmem_shared>> -> memref<584x128xf32, #tpu.memory_space<vmem_shared>>
        %dma_start3A_28 = arith.constant 0 : i32
        %dma_start3A_29 = arith.constant 0 : i32
        %dma_start3A_30 = tpu.memref_slice %arg4[%dma_start3A_28, %dma_start3A_29] : memref<632x128xf32, #tpu.memory_space<hbm>> -> memref<584x128xf32, #tpu.memory_space<hbm>>
        tpu.enqueue_dma source(%dma_start3A_30 : memref<584x128xf32, #tpu.memory_space<hbm>>) target(%dma_start3A_27 : memref<584x128xf32, #tpu.memory_space<vmem_shared>>) target_semaphore(%run_scoped3A : memref<!tpu.dma_semaphore, #tpu.memory_space<semaphore_mem>>)
        %dma_wait3A = arith.constant 9480 : i32
        %dma_wait3A_31 = arith.constant 0 : i32
        %dma_wait3A_32 = tpu.memref_slice %arg6[%dma_wait3A, %dma_wait3A_31] : memref<10064x128xf32, #tpu.memory_space<vmem_shared>> -> memref<584x128xf32, #tpu.memory_space<vmem_shared>>
        %dma_wait3A_33 = arith.constant 0 : i32
        %dma_wait3A_34 = arith.constant 0 : i32
        %dma_wait3A_35 = tpu.memref_slice %arg4[%dma_wait3A_33, %dma_wait3A_34] : memref<632x128xf32, #tpu.memory_space<hbm>> -> memref<584x128xf32, #tpu.memory_space<hbm>>
        tpu.wait_dma2 semaphore(%run_scoped3A : memref<!tpu.dma_semaphore, #tpu.memory_space<semaphore_mem>>) src(%dma_wait3A_35 : memref<584x128xf32, #tpu.memory_space<hbm>>) dst(%dma_wait3A_32 : memref<584x128xf32, #tpu.memory_space<vmem_shared>>)
        tpu.yield
      }) : () -> ()
    } else {
    }
    %barrier3A = arith.constant 0 : index
    tpu.barrier barrier_id(%barrier3A)
    %scan3A = arith.constant 0 : i32
    %scan3A_11 = arith.constant 10 : i32
    %scan3A_12 = arith.addi %scan3A, %scan3A_11 : i32
    %scan3A_13 = arith.constant 1 : i32
    scf.for %scan3A_26 = %scan3A to %scan3A_12 step %scan3A_13  : i32 {
      %mul3A_27 = arith.constant 1 : i32
      %mul3A_28 = arith.muli %scan3A_26, %mul3A_27 : i32
      %add3A_29 = arith.constant 0 : i32
      %add3A_30 = arith.addi %add3A_29, %mul3A_28 : i32
      %mul3A_31 = arith.constant 8 : i32
      %mul3A_32 = arith.muli %add3A_30, %mul3A_31 : i32
      %add3A_33 = arith.constant 0 : i32
      %add3A_34 = arith.addi %mul3A_32, %add3A_33 : i32
      %dma_start3A = arith.constant 0 : i32
      %dma_start3A_35 = tpu.memref_slice %arg7[%add3A_34, %dma_start3A] : memref<80x128xi32, #tpu.memory_space<vmem>> -> memref<1x128xi32, #tpu.memory_space<vmem>>
      %dma_start3A_36 = tpu.memref_squeeze %dma_start3A_35 : memref<1x128xi32, #tpu.memory_space<vmem>> -> memref<128xi32, #tpu.memory_space<vmem>>
      %dma_start3A_37 = arith.constant 0 : i32
      %dma_start3A_38 = arith.constant 0 : i32
      %dma_start3A_39 = tpu.memref_slice %arg6[%dma_start3A_37, %dma_start3A_38] : memref<10064x128xf32, #tpu.memory_space<vmem_shared>> -> memref<10064x128xf32, #tpu.memory_space<vmem_shared>>
      tpu.enqueue_indirect_dma source(%arg8 : memref<128x128xf32, #tpu.memory_space<vmem>>) target(%dma_start3A_39 : memref<10064x128xf32, #tpu.memory_space<vmem_shared>>) offsets(%dma_start3A_36 : memref<128xi32, #tpu.memory_space<vmem>>) semaphore(%arg9 : memref<!tpu.dma_semaphore, #tpu.memory_space<semaphore_mem>>) {add = true}
      %add3A_40 = arith.constant 1 : i32
      %add3A_41 = arith.addi %mul3A_32, %add3A_40 : i32
      %dma_start3A_42 = arith.constant 0 : i32
      %dma_start3A_43 = tpu.memref_slice %arg7[%add3A_41, %dma_start3A_42] : memref<80x128xi32, #tpu.memory_space<vmem>> -> memref<1x128xi32, #tpu.memory_space<vmem>>
      %dma_start3A_44 = tpu.memref_squeeze %dma_start3A_43 : memref<1x128xi32, #tpu.memory_space<vmem>> -> memref<128xi32, #tpu.memory_space<vmem>>
      %dma_start3A_45 = arith.constant 0 : i32
      %dma_start3A_46 = arith.constant 0 : i32
      %dma_start3A_47 = tpu.memref_slice %arg6[%dma_start3A_45, %dma_start3A_46] : memref<10064x128xf32, #tpu.memory_space<vmem_shared>> -> memref<10064x128xf32, #tpu.memory_space<vmem_shared>>
      tpu.enqueue_indirect_dma source(%arg8 : memref<128x128xf32, #tpu.memory_space<vmem>>) target(%dma_start3A_47 : memref<10064x128xf32, #tpu.memory_space<vmem_shared>>) offsets(%dma_start3A_44 : memref<128xi32, #tpu.memory_space<vmem>>) semaphore(%arg9 : memref<!tpu.dma_semaphore, #tpu.memory_space<semaphore_mem>>) {add = true}
      %add3A_48 = arith.constant 2 : i32
      %add3A_49 = arith.addi %mul3A_32, %add3A_48 : i32
      %dma_start3A_50 = arith.constant 0 : i32
      %dma_start3A_51 = tpu.memref_slice %arg7[%add3A_49, %dma_start3A_50] : memref<80x128xi32, #tpu.memory_space<vmem>> -> memref<1x128xi32, #tpu.memory_space<vmem>>
      %dma_start3A_52 = tpu.memref_squeeze %dma_start3A_51 : memref<1x128xi32, #tpu.memory_space<vmem>> -> memref<128xi32, #tpu.memory_space<vmem>>
      %dma_start3A_53 = arith.constant 0 : i32
      %dma_start3A_54 = arith.constant 0 : i32
      %dma_start3A_55 = tpu.memref_slice %arg6[%dma_start3A_53, %dma_start3A_54] : memref<10064x128xf32, #tpu.memory_space<vmem_shared>> -> memref<10064x128xf32, #tpu.memory_space<vmem_shared>>
      tpu.enqueue_indirect_dma source(%arg8 : memref<128x128xf32, #tpu.memory_space<vmem>>) target(%dma_start3A_55 : memref<10064x128xf32, #tpu.memory_space<vmem_shared>>) offsets(%dma_start3A_52 : memref<128xi32, #tpu.memory_space<vmem>>) semaphore(%arg9 : memref<!tpu.dma_semaphore, #tpu.memory_space<semaphore_mem>>) {add = true}
      %add3A_56 = arith.constant 3 : i32
      %add3A_57 = arith.addi %mul3A_32, %add3A_56 : i32
      %dma_start3A_58 = arith.constant 0 : i32
      %dma_start3A_59 = tpu.memref_slice %arg7[%add3A_57, %dma_start3A_58] : memref<80x128xi32, #tpu.memory_space<vmem>> -> memref<1x128xi32, #tpu.memory_space<vmem>>
      %dma_start3A_60 = tpu.memref_squeeze %dma_start3A_59 : memref<1x128xi32, #tpu.memory_space<vmem>> -> memref<128xi32, #tpu.memory_space<vmem>>
      %dma_start3A_61 = arith.constant 0 : i32
      %dma_start3A_62 = arith.constant 0 : i32
      %dma_start3A_63 = tpu.memref_slice %arg6[%dma_start3A_61, %dma_start3A_62] : memref<10064x128xf32, #tpu.memory_space<vmem_shared>> -> memref<10064x128xf32, #tpu.memory_space<vmem_shared>>
      tpu.enqueue_indirect_dma source(%arg8 : memref<128x128xf32, #tpu.memory_space<vmem>>) target(%dma_start3A_63 : memref<10064x128xf32, #tpu.memory_space<vmem_shared>>) offsets(%dma_start3A_60 : memref<128xi32, #tpu.memory_space<vmem>>) semaphore(%arg9 : memref<!tpu.dma_semaphore, #tpu.memory_space<semaphore_mem>>) {add = true}
      %add3A_64 = arith.constant 4 : i32
      %add3A_65 = arith.addi %mul3A_32, %add3A_64 : i32
      %dma_start3A_66 = arith.constant 0 : i32
      %dma_start3A_67 = tpu.memref_slice %arg7[%add3A_65, %dma_start3A_66] : memref<80x128xi32, #tpu.memory_space<vmem>> -> memref<1x128xi32, #tpu.memory_space<vmem>>
      %dma_start3A_68 = tpu.memref_squeeze %dma_start3A_67 : memref<1x128xi32, #tpu.memory_space<vmem>> -> memref<128xi32, #tpu.memory_space<vmem>>
      %dma_start3A_69 = arith.constant 0 : i32
      %dma_start3A_70 = arith.constant 0 : i32
      %dma_start3A_71 = tpu.memref_slice %arg6[%dma_start3A_69, %dma_start3A_70] : memref<10064x128xf32, #tpu.memory_space<vmem_shared>> -> memref<10064x128xf32, #tpu.memory_space<vmem_shared>>
      tpu.enqueue_indirect_dma source(%arg8 : memref<128x128xf32, #tpu.memory_space<vmem>>) target(%dma_start3A_71 : memref<10064x128xf32, #tpu.memory_space<vmem_shared>>) offsets(%dma_start3A_68 : memref<128xi32, #tpu.memory_space<vmem>>) semaphore(%arg9 : memref<!tpu.dma_semaphore, #tpu.memory_space<semaphore_mem>>) {add = true}
      %add3A_72 = arith.constant 5 : i32
      %add3A_73 = arith.addi %mul3A_32, %add3A_72 : i32
      %dma_start3A_74 = arith.constant 0 : i32
      %dma_start3A_75 = tpu.memref_slice %arg7[%add3A_73, %dma_start3A_74] : memref<80x128xi32, #tpu.memory_space<vmem>> -> memref<1x128xi32, #tpu.memory_space<vmem>>
      %dma_start3A_76 = tpu.memref_squeeze %dma_start3A_75 : memref<1x128xi32, #tpu.memory_space<vmem>> -> memref<128xi32, #tpu.memory_space<vmem>>
      %dma_start3A_77 = arith.constant 0 : i32
      %dma_start3A_78 = arith.constant 0 : i32
      %dma_start3A_79 = tpu.memref_slice %arg6[%dma_start3A_77, %dma_start3A_78] : memref<10064x128xf32, #tpu.memory_space<vmem_shared>> -> memref<10064x128xf32, #tpu.memory_space<vmem_shared>>
      tpu.enqueue_indirect_dma source(%arg8 : memref<128x128xf32, #tpu.memory_space<vmem>>) target(%dma_start3A_79 : memref<10064x128xf32, #tpu.memory_space<vmem_shared>>) offsets(%dma_start3A_76 : memref<128xi32, #tpu.memory_space<vmem>>) semaphore(%arg9 : memref<!tpu.dma_semaphore, #tpu.memory_space<semaphore_mem>>) {add = true}
      %add3A_80 = arith.constant 6 : i32
      %add3A_81 = arith.addi %mul3A_32, %add3A_80 : i32
      %dma_start3A_82 = arith.constant 0 : i32
      %dma_start3A_83 = tpu.memref_slice %arg7[%add3A_81, %dma_start3A_82] : memref<80x128xi32, #tpu.memory_space<vmem>> -> memref<1x128xi32, #tpu.memory_space<vmem>>
      %dma_start3A_84 = tpu.memref_squeeze %dma_start3A_83 : memref<1x128xi32, #tpu.memory_space<vmem>> -> memref<128xi32, #tpu.memory_space<vmem>>
      %dma_start3A_85 = arith.constant 0 : i32
      %dma_start3A_86 = arith.constant 0 : i32
      %dma_start3A_87 = tpu.memref_slice %arg6[%dma_start3A_85, %dma_start3A_86] : memref<10064x128xf32, #tpu.memory_space<vmem_shared>> -> memref<10064x128xf32, #tpu.memory_space<vmem_shared>>
      tpu.enqueue_indirect_dma source(%arg8 : memref<128x128xf32, #tpu.memory_space<vmem>>) target(%dma_start3A_87 : memref<10064x128xf32, #tpu.memory_space<vmem_shared>>) offsets(%dma_start3A_84 : memref<128xi32, #tpu.memory_space<vmem>>) semaphore(%arg9 : memref<!tpu.dma_semaphore, #tpu.memory_space<semaphore_mem>>) {add = true}
      %add3A_88 = arith.constant 7 : i32
      %add3A_89 = arith.addi %mul3A_32, %add3A_88 : i32
      %dma_start3A_90 = arith.constant 0 : i32
      %dma_start3A_91 = tpu.memref_slice %arg7[%add3A_89, %dma_start3A_90] : memref<80x128xi32, #tpu.memory_space<vmem>> -> memref<1x128xi32, #tpu.memory_space<vmem>>
      %dma_start3A_92 = tpu.memref_squeeze %dma_start3A_91 : memref<1x128xi32, #tpu.memory_space<vmem>> -> memref<128xi32, #tpu.memory_space<vmem>>
      %dma_start3A_93 = arith.constant 0 : i32
      %dma_start3A_94 = arith.constant 0 : i32
      %dma_start3A_95 = tpu.memref_slice %arg6[%dma_start3A_93, %dma_start3A_94] : memref<10064x128xf32, #tpu.memory_space<vmem_shared>> -> memref<10064x128xf32, #tpu.memory_space<vmem_shared>>
      tpu.enqueue_indirect_dma source(%arg8 : memref<128x128xf32, #tpu.memory_space<vmem>>) target(%dma_start3A_95 : memref<10064x128xf32, #tpu.memory_space<vmem_shared>>) offsets(%dma_start3A_92 : memref<128xi32, #tpu.memory_space<vmem>>) semaphore(%arg9 : memref<!tpu.dma_semaphore, #tpu.memory_space<semaphore_mem>>) {add = true}
      %dma_wait3A = arith.constant 0 : i32
      %dma_wait3A_96 = tpu.memref_slice %arg7[%mul3A_32, %dma_wait3A] : memref<80x128xi32, #tpu.memory_space<vmem>> -> memref<1x128xi32, #tpu.memory_space<vmem>>
      %dma_wait3A_97 = tpu.memref_squeeze %dma_wait3A_96 : memref<1x128xi32, #tpu.memory_space<vmem>> -> memref<128xi32, #tpu.memory_space<vmem>>
      %dma_wait3A_98 = arith.constant 0 : i32
      %dma_wait3A_99 = arith.constant 0 : i32
      %dma_wait3A_100 = tpu.memref_slice %arg6[%dma_wait3A_98, %dma_wait3A_99] : memref<10064x128xf32, #tpu.memory_space<vmem_shared>> -> memref<10064x128xf32, #tpu.memory_space<vmem_shared>>
      tpu.wait_indirect_dma semaphore(%arg9 : memref<!tpu.dma_semaphore, #tpu.memory_space<semaphore_mem>>) src(%arg8 : memref<128x128xf32, #tpu.memory_space<vmem>>) dst(%dma_wait3A_100 : memref<10064x128xf32, #tpu.memory_space<vmem_shared>>)
      %dma_wait3A_101 = arith.constant 0 : i32
      %dma_wait3A_102 = tpu.memref_slice %arg7[%mul3A_32, %dma_wait3A_101] : memref<80x128xi32, #tpu.memory_space<vmem>> -> memref<1x128xi32, #tpu.memory_space<vmem>>
      %dma_wait3A_103 = tpu.memref_squeeze %dma_wait3A_102 : memref<1x128xi32, #tpu.memory_space<vmem>> -> memref<128xi32, #tpu.memory_space<vmem>>
      %dma_wait3A_104 = arith.constant 0 : i32
      %dma_wait3A_105 = arith.constant 0 : i32
      %dma_wait3A_106 = tpu.memref_slice %arg6[%dma_wait3A_104, %dma_wait3A_105] : memref<10064x128xf32, #tpu.memory_space<vmem_shared>> -> memref<10064x128xf32, #tpu.memory_space<vmem_shared>>
      tpu.wait_indirect_dma semaphore(%arg9 : memref<!tpu.dma_semaphore, #tpu.memory_space<semaphore_mem>>) src(%arg8 : memref<128x128xf32, #tpu.memory_space<vmem>>) dst(%dma_wait3A_106 : memref<10064x128xf32, #tpu.memory_space<vmem_shared>>)
      %dma_wait3A_107 = arith.constant 0 : i32
      %dma_wait3A_108 = tpu.memref_slice %arg7[%mul3A_32, %dma_wait3A_107] : memref<80x128xi32, #tpu.memory_space<vmem>> -> memref<1x128xi32, #tpu.memory_space<vmem>>
      %dma_wait3A_109 = tpu.memref_squeeze %dma_wait3A_108 : memref<1x128xi32, #tpu.memory_space<vmem>> -> memref<128xi32, #tpu.memory_space<vmem>>
      %dma_wait3A_110 = arith.constant 0 : i32
      %dma_wait3A_111 = arith.constant 0 : i32
      %dma_wait3A_112 = tpu.memref_slice %arg6[%dma_wait3A_110, %dma_wait3A_111] : memref<10064x128xf32, #tpu.memory_space<vmem_shared>> -> memref<10064x128xf32, #tpu.memory_space<vmem_shared>>
      tpu.wait_indirect_dma semaphore(%arg9 : memref<!tpu.dma_semaphore, #tpu.memory_space<semaphore_mem>>) src(%arg8 : memref<128x128xf32, #tpu.memory_space<vmem>>) dst(%dma_wait3A_112 : memref<10064x128xf32, #tpu.memory_space<vmem_shared>>)
      %dma_wait3A_113 = arith.constant 0 : i32
      %dma_wait3A_114 = tpu.memref_slice %arg7[%mul3A_32, %dma_wait3A_113] : memref<80x128xi32, #tpu.memory_space<vmem>> -> memref<1x128xi32, #tpu.memory_space<vmem>>
      %dma_wait3A_115 = tpu.memref_squeeze %dma_wait3A_114 : memref<1x128xi32, #tpu.memory_space<vmem>> -> memref<128xi32, #tpu.memory_space<vmem>>
      %dma_wait3A_116 = arith.constant 0 : i32
      %dma_wait3A_117 = arith.constant 0 : i32
      %dma_wait3A_118 = tpu.memref_slice %arg6[%dma_wait3A_116, %dma_wait3A_117] : memref<10064x128xf32, #tpu.memory_space<vmem_shared>> -> memref<10064x128xf32, #tpu.memory_space<vmem_shared>>
      tpu.wait_indirect_dma semaphore(%arg9 : memref<!tpu.dma_semaphore, #tpu.memory_space<semaphore_mem>>) src(%arg8 : memref<128x128xf32, #tpu.memory_space<vmem>>) dst(%dma_wait3A_118 : memref<10064x128xf32, #tpu.memory_space<vmem_shared>>)
      %dma_wait3A_119 = arith.constant 0 : i32
      %dma_wait3A_120 = tpu.memref_slice %arg7[%mul3A_32, %dma_wait3A_119] : memref<80x128xi32, #tpu.memory_space<vmem>> -> memref<1x128xi32, #tpu.memory_space<vmem>>
      %dma_wait3A_121 = tpu.memref_squeeze %dma_wait3A_120 : memref<1x128xi32, #tpu.memory_space<vmem>> -> memref<128xi32, #tpu.memory_space<vmem>>
      %dma_wait3A_122 = arith.constant 0 : i32
      %dma_wait3A_123 = arith.constant 0 : i32
      %dma_wait3A_124 = tpu.memref_slice %arg6[%dma_wait3A_122, %dma_wait3A_123] : memref<10064x128xf32, #tpu.memory_space<vmem_shared>> -> memref<10064x128xf32, #tpu.memory_space<vmem_shared>>
      tpu.wait_indirect_dma semaphore(%arg9 : memref<!tpu.dma_semaphore, #tpu.memory_space<semaphore_mem>>) src(%arg8 : memref<128x128xf32, #tpu.memory_space<vmem>>) dst(%dma_wait3A_124 : memref<10064x128xf32, #tpu.memory_space<vmem_shared>>)
      %dma_wait3A_125 = arith.constant 0 : i32
      %dma_wait3A_126 = tpu.memref_slice %arg7[%mul3A_32, %dma_wait3A_125] : memref<80x128xi32, #tpu.memory_space<vmem>> -> memref<1x128xi32, #tpu.memory_space<vmem>>
      %dma_wait3A_127 = tpu.memref_squeeze %dma_wait3A_126 : memref<1x128xi32, #tpu.memory_space<vmem>> -> memref<128xi32, #tpu.memory_space<vmem>>
      %dma_wait3A_128 = arith.constant 0 : i32
      %dma_wait3A_129 = arith.constant 0 : i32
      %dma_wait3A_130 = tpu.memref_slice %arg6[%dma_wait3A_128, %dma_wait3A_129] : memref<10064x128xf32, #tpu.memory_space<vmem_shared>> -> memref<10064x128xf32, #tpu.memory_space<vmem_shared>>
      tpu.wait_indirect_dma semaphore(%arg9 : memref<!tpu.dma_semaphore, #tpu.memory_space<semaphore_mem>>) src(%arg8 : memref<128x128xf32, #tpu.memory_space<vmem>>) dst(%dma_wait3A_130 : memref<10064x128xf32, #tpu.memory_space<vmem_shared>>)
      %dma_wait3A_131 = arith.constant 0 : i32
      %dma_wait3A_132 = tpu.memref_slice %arg7[%mul3A_32, %dma_wait3A_131] : memref<80x128xi32, #tpu.memory_space<vmem>> -> memref<1x128xi32, #tpu.memory_space<vmem>>
      %dma_wait3A_133 = tpu.memref_squeeze %dma_wait3A_132 : memref<1x128xi32, #tpu.memory_space<vmem>> -> memref<128xi32, #tpu.memory_space<vmem>>
      %dma_wait3A_134 = arith.constant 0 : i32
      %dma_wait3A_135 = arith.constant 0 : i32
      %dma_wait3A_136 = tpu.memref_slice %arg6[%dma_wait3A_134, %dma_wait3A_135] : memref<10064x128xf32, #tpu.memory_space<vmem_shared>> -> memref<10064x128xf32, #tpu.memory_space<vmem_shared>>
      tpu.wait_indirect_dma semaphore(%arg9 : memref<!tpu.dma_semaphore, #tpu.memory_space<semaphore_mem>>) src(%arg8 : memref<128x128xf32, #tpu.memory_space<vmem>>) dst(%dma_wait3A_136 : memref<10064x128xf32, #tpu.memory_space<vmem_shared>>)
      %dma_wait3A_137 = arith.constant 0 : i32
      %dma_wait3A_138 = tpu.memref_slice %arg7[%mul3A_32, %dma_wait3A_137] : memref<80x128xi32, #tpu.memory_space<vmem>> -> memref<1x128xi32, #tpu.memory_space<vmem>>
      %dma_wait3A_139 = tpu.memref_squeeze %dma_wait3A_138 : memref<1x128xi32, #tpu.memory_space<vmem>> -> memref<128xi32, #tpu.memory_space<vmem>>
      %dma_wait3A_140 = arith.constant 0 : i32
      %dma_wait3A_141 = arith.constant 0 : i32
      %dma_wait3A_142 = tpu.memref_slice %arg6[%dma_wait3A_140, %dma_wait3A_141] : memref<10064x128xf32, #tpu.memory_space<vmem_shared>> -> memref<10064x128xf32, #tpu.memory_space<vmem_shared>>
      tpu.wait_indirect_dma semaphore(%arg9 : memref<!tpu.dma_semaphore, #tpu.memory_space<semaphore_mem>>) src(%arg8 : memref<128x128xf32, #tpu.memory_space<vmem>>) dst(%dma_wait3A_142 : memref<10064x128xf32, #tpu.memory_space<vmem_shared>>)
    }
    %scan3A_14 = arith.constant 10 : i32
    %barrier3A_15 = arith.constant 0 : index
    tpu.barrier barrier_id(%barrier3A_15)
    %lt3A_16 = arith.constant 15 : i32
    %lt3A_17 = arith.cmpi slt, %arg1, %lt3A_16 : i32
    %convert_element_type3A_18 = arith.extui %lt3A_17 : i1 to i32
    %cond3A_19 = arith.constant 0 : i32
    %cond3A_20 = arith.cmpi ne, %convert_element_type3A_18, %cond3A_19 : i32
    scf.if %cond3A_20 {
      %mul3A_26 = arith.constant 10000 : i32
      %mul3A_27 = arith.muli %arg0, %mul3A_26 : i32
      %add3A_28 = arith.addi %mul3A_27, %mul3A_2 : i32
      "tpu.region"() ({
        %run_scoped3A = tpu.sem_alloc : memref<!tpu.dma_semaphore, #tpu.memory_space<semaphore_mem>>
        %dma_start3A = arith.constant 0 : i32
        %dma_start3A_29 = tpu.memref_slice %arg5[%add3A_28, %dma_start3A] : memref<20000x128xf32, #tpu.memory_space<hbm>> -> memref<632x128xf32, #tpu.memory_space<hbm>>
        %dma_start3A_30 = arith.constant 0 : i32
        %dma_start3A_31 = tpu.memref_slice %arg6[%mul3A_2, %dma_start3A_30] : memref<10064x128xf32, #tpu.memory_space<vmem_shared>> -> memref<632x128xf32, #tpu.memory_space<vmem_shared>>
        tpu.enqueue_dma source(%dma_start3A_31 : memref<632x128xf32, #tpu.memory_space<vmem_shared>>) target(%dma_start3A_29 : memref<632x128xf32, #tpu.memory_space<hbm>>) target_semaphore(%run_scoped3A : memref<!tpu.dma_semaphore, #tpu.memory_space<semaphore_mem>>)
        %dma_wait3A = arith.constant 0 : i32
        %dma_wait3A_32 = tpu.memref_slice %arg5[%add3A_28, %dma_wait3A] : memref<20000x128xf32, #tpu.memory_space<hbm>> -> memref<632x128xf32, #tpu.memory_space<hbm>>
        %dma_wait3A_33 = arith.constant 0 : i32
        %dma_wait3A_34 = tpu.memref_slice %arg6[%mul3A_2, %dma_wait3A_33] : memref<10064x128xf32, #tpu.memory_space<vmem_shared>> -> memref<632x128xf32, #tpu.memory_space<vmem_shared>>
        tpu.wait_dma2 semaphore(%run_scoped3A : memref<!tpu.dma_semaphore, #tpu.memory_space<semaphore_mem>>) src(%dma_wait3A_34 : memref<632x128xf32, #tpu.memory_space<vmem_shared>>) dst(%dma_wait3A_32 : memref<632x128xf32, #tpu.memory_space<hbm>>)
        tpu.yield
      }) : () -> ()
    } else {
    }
    %eq3A_21 = arith.constant 15 : i32
    %eq3A_22 = arith.cmpi eq, %arg1, %eq3A_21 : i32
    %convert_element_type3A_23 = arith.extui %eq3A_22 : i1 to i32
    %cond3A_24 = arith.constant 0 : i32
    %cond3A_25 = arith.cmpi ne, %convert_element_type3A_23, %cond3A_24 : i32
    scf.if %cond3A_25 {
      %mul3A_26 = arith.constant 10000 : i32
      %mul3A_27 = arith.muli %arg0, %mul3A_26 : i32
      %add3A_28 = arith.constant 9480 : i32
      %add3A_29 = arith.addi %mul3A_27, %add3A_28 : i32
      "tpu.region"() ({
        %run_scoped3A = tpu.sem_alloc : memref<!tpu.dma_semaphore, #tpu.memory_space<semaphore_mem>>
        %dma_start3A = arith.constant 0 : i32
        %dma_start3A_30 = tpu.memref_slice %arg5[%add3A_29, %dma_start3A] : memref<20000x128xf32, #tpu.memory_space<hbm>> -> memref<520x128xf32, #tpu.memory_space<hbm>>
        %dma_start3A_31 = arith.constant 9480 : i32
        %dma_start3A_32 = arith.constant 0 : i32
        %dma_start3A_33 = tpu.memref_slice %arg6[%dma_start3A_31, %dma_start3A_32] : memref<10064x128xf32, #tpu.memory_space<vmem_shared>> -> memref<520x128xf32, #tpu.memory_space<vmem_shared>>
        tpu.enqueue_dma source(%dma_start3A_33 : memref<520x128xf32, #tpu.memory_space<vmem_shared>>) target(%dma_start3A_30 : memref<520x128xf32, #tpu.memory_space<hbm>>) target_semaphore(%run_scoped3A : memref<!tpu.dma_semaphore, #tpu.memory_space<semaphore_mem>>)
        %dma_wait3A = arith.constant 0 : i32
        %dma_wait3A_34 = tpu.memref_slice %arg5[%add3A_29, %dma_wait3A] : memref<20000x128xf32, #tpu.memory_space<hbm>> -> memref<520x128xf32, #tpu.memory_space<hbm>>
        %dma_wait3A_35 = arith.constant 9480 : i32
        %dma_wait3A_36 = arith.constant 0 : i32
        %dma_wait3A_37 = tpu.memref_slice %arg6[%dma_wait3A_35, %dma_wait3A_36] : memref<10064x128xf32, #tpu.memory_space<vmem_shared>> -> memref<520x128xf32, #tpu.memory_space<vmem_shared>>
        tpu.wait_dma2 semaphore(%run_scoped3A : memref<!tpu.dma_semaphore, #tpu.memory_space<semaphore_mem>>) src(%dma_wait3A_37 : memref<520x128xf32, #tpu.memory_space<vmem_shared>>) dst(%dma_wait3A_34 : memref<520x128xf32, #tpu.memory_space<hbm>>)
        tpu.yield
      }) : () -> ()
    } else {
    }
    return
  }
}

#map = affine_map<(d0, d1) -> (0, 0)>
module attributes {stable_mosaic.version = 14 : i64} {
  func.func @_prop_body(%arg0: i32, %arg1: i32, %arg2: memref<10000x128xf32, #tpu.memory_space<hbm>>, %arg3: memref<2560x128xi32, #tpu.memory_space<hbm>>, %arg4: memref<2560x128xi32, #tpu.memory_space<hbm>>, %arg5: memref<632x128xf32, #tpu.memory_space<hbm>>, %arg6: memref<20000x128xf32, #tpu.memory_space<hbm>>, %arg7: memref<10064x128xf32, #tpu.memory_space<vmem_shared>>, %arg8: memref<1x128xi32, #tpu.memory_space<vmem>>, %arg9: memref<1x128xi32, #tpu.memory_space<vmem>>, %arg10: memref<1x128xi32, #tpu.memory_space<vmem>>, %arg11: memref<1x128xi32, #tpu.memory_space<vmem>>, %arg12: memref<1x128xi32, #tpu.memory_space<vmem>>, %arg13: memref<1x128xi32, #tpu.memory_space<vmem>>, %arg14: memref<1x128xi32, #tpu.memory_space<vmem>>, %arg15: memref<1x128xi32, #tpu.memory_space<vmem>>, %arg16: memref<128x128xf32, #tpu.memory_space<vmem>>, %arg17: memref<128x128xf32, #tpu.memory_space<vmem>>, %arg18: memref<!tpu.dma_semaphore, #tpu.memory_space<semaphore_mem>>, %arg19: memref<!tpu.dma_semaphore, #tpu.memory_space<semaphore_mem>>, %arg20: memref<!tpu.dma_semaphore, #tpu.memory_space<semaphore_mem>>, %arg21: memref<!tpu.dma_semaphore, #tpu.memory_space<semaphore_mem>>, %arg22: memref<!tpu.dma_semaphore, #tpu.memory_space<semaphore_mem>>, %arg23: memref<!tpu.dma_semaphore, #tpu.memory_space<semaphore_mem>>, %arg24: memref<!tpu.dma_semaphore, #tpu.memory_space<semaphore_mem>>, %arg25: memref<!tpu.dma_semaphore, #tpu.memory_space<semaphore_mem>>) attributes {dimension_semantics = [#tpu.dimension_semantics<core_parallel>, #tpu.dimension_semantics<subcore_parallel>], iteration_bounds = array<i64: 2, 16>, scalar_prefetch = 0 : i64, scratch_operands = 19 : i64, tpu.core_type = #tpu.core_type<sc_vector_subcore>, window_params = [{transform_indices = #map}, {transform_indices = #map}, {transform_indices = #map}, {transform_indices = #map}, {transform_indices = #map}]} {
    %mul3A = arith.constant 16 : i32
    %mul3A_0 = arith.muli %arg0, %mul3A : i32
    %add3A = arith.addi %mul3A_0, %arg1 : i32
    %mul3A_1 = arith.constant 632 : i32
    %mul3A_2 = arith.muli %arg1, %mul3A_1 : i32
    %mul3A_3 = arith.constant 80 : i32
    %mul3A_4 = arith.muli %add3A, %mul3A_3 : i32
    %add3A_5 = arith.constant 0 : i32
    %add3A_6 = arith.addi %mul3A_4, %add3A_5 : i32
    %dma_start3A = arith.constant 0 : i32
    %dma_start3A_7 = tpu.memref_slice %arg3[%add3A_6, %dma_start3A] : memref<2560x128xi32, #tpu.memory_space<hbm>> -> memref<1x128xi32, #tpu.memory_space<hbm>>
    %dma_start3A_8 = arith.constant 0 : i32
    %dma_start3A_9 = tpu.memref_slice %arg3[%add3A_6, %dma_start3A_8] : memref<2560x128xi32, #tpu.memory_space<hbm>> -> memref<1x128xi32, #tpu.memory_space<hbm>>
    tpu.enqueue_dma source(%dma_start3A_9 : memref<1x128xi32, #tpu.memory_space<hbm>>) target(%arg8 : memref<1x128xi32, #tpu.memory_space<vmem>>) target_semaphore(%arg18 : memref<!tpu.dma_semaphore, #tpu.memory_space<semaphore_mem>>)
    %add3A_10 = arith.constant 0 : i32
    %add3A_11 = arith.addi %mul3A_4, %add3A_10 : i32
    %dma_start3A_12 = arith.constant 0 : i32
    %dma_start3A_13 = tpu.memref_slice %arg4[%add3A_11, %dma_start3A_12] : memref<2560x128xi32, #tpu.memory_space<hbm>> -> memref<1x128xi32, #tpu.memory_space<hbm>>
    %dma_start3A_14 = arith.constant 0 : i32
    %dma_start3A_15 = tpu.memref_slice %arg4[%add3A_11, %dma_start3A_14] : memref<2560x128xi32, #tpu.memory_space<hbm>> -> memref<1x128xi32, #tpu.memory_space<hbm>>
    tpu.enqueue_dma source(%dma_start3A_15 : memref<1x128xi32, #tpu.memory_space<hbm>>) target(%arg12 : memref<1x128xi32, #tpu.memory_space<vmem>>) target_semaphore(%arg18 : memref<!tpu.dma_semaphore, #tpu.memory_space<semaphore_mem>>)
    %add3A_16 = arith.constant 1 : i32
    %add3A_17 = arith.addi %mul3A_4, %add3A_16 : i32
    %dma_start3A_18 = arith.constant 0 : i32
    %dma_start3A_19 = tpu.memref_slice %arg3[%add3A_17, %dma_start3A_18] : memref<2560x128xi32, #tpu.memory_space<hbm>> -> memref<1x128xi32, #tpu.memory_space<hbm>>
    %dma_start3A_20 = arith.constant 0 : i32
    %dma_start3A_21 = tpu.memref_slice %arg3[%add3A_17, %dma_start3A_20] : memref<2560x128xi32, #tpu.memory_space<hbm>> -> memref<1x128xi32, #tpu.memory_space<hbm>>
    tpu.enqueue_dma source(%dma_start3A_21 : memref<1x128xi32, #tpu.memory_space<hbm>>) target(%arg9 : memref<1x128xi32, #tpu.memory_space<vmem>>) target_semaphore(%arg19 : memref<!tpu.dma_semaphore, #tpu.memory_space<semaphore_mem>>)
    %add3A_22 = arith.constant 1 : i32
    %add3A_23 = arith.addi %mul3A_4, %add3A_22 : i32
    %dma_start3A_24 = arith.constant 0 : i32
    %dma_start3A_25 = tpu.memref_slice %arg4[%add3A_23, %dma_start3A_24] : memref<2560x128xi32, #tpu.memory_space<hbm>> -> memref<1x128xi32, #tpu.memory_space<hbm>>
    %dma_start3A_26 = arith.constant 0 : i32
    %dma_start3A_27 = tpu.memref_slice %arg4[%add3A_23, %dma_start3A_26] : memref<2560x128xi32, #tpu.memory_space<hbm>> -> memref<1x128xi32, #tpu.memory_space<hbm>>
    tpu.enqueue_dma source(%dma_start3A_27 : memref<1x128xi32, #tpu.memory_space<hbm>>) target(%arg13 : memref<1x128xi32, #tpu.memory_space<vmem>>) target_semaphore(%arg19 : memref<!tpu.dma_semaphore, #tpu.memory_space<semaphore_mem>>)
    %add3A_28 = arith.constant 2 : i32
    %add3A_29 = arith.addi %mul3A_4, %add3A_28 : i32
    %dma_start3A_30 = arith.constant 0 : i32
    %dma_start3A_31 = tpu.memref_slice %arg3[%add3A_29, %dma_start3A_30] : memref<2560x128xi32, #tpu.memory_space<hbm>> -> memref<1x128xi32, #tpu.memory_space<hbm>>
    %dma_start3A_32 = arith.constant 0 : i32
    %dma_start3A_33 = tpu.memref_slice %arg3[%add3A_29, %dma_start3A_32] : memref<2560x128xi32, #tpu.memory_space<hbm>> -> memref<1x128xi32, #tpu.memory_space<hbm>>
    tpu.enqueue_dma source(%dma_start3A_33 : memref<1x128xi32, #tpu.memory_space<hbm>>) target(%arg10 : memref<1x128xi32, #tpu.memory_space<vmem>>) target_semaphore(%arg20 : memref<!tpu.dma_semaphore, #tpu.memory_space<semaphore_mem>>)
    %add3A_34 = arith.constant 2 : i32
    %add3A_35 = arith.addi %mul3A_4, %add3A_34 : i32
    %dma_start3A_36 = arith.constant 0 : i32
    %dma_start3A_37 = tpu.memref_slice %arg4[%add3A_35, %dma_start3A_36] : memref<2560x128xi32, #tpu.memory_space<hbm>> -> memref<1x128xi32, #tpu.memory_space<hbm>>
    %dma_start3A_38 = arith.constant 0 : i32
    %dma_start3A_39 = tpu.memref_slice %arg4[%add3A_35, %dma_start3A_38] : memref<2560x128xi32, #tpu.memory_space<hbm>> -> memref<1x128xi32, #tpu.memory_space<hbm>>
    tpu.enqueue_dma source(%dma_start3A_39 : memref<1x128xi32, #tpu.memory_space<hbm>>) target(%arg14 : memref<1x128xi32, #tpu.memory_space<vmem>>) target_semaphore(%arg20 : memref<!tpu.dma_semaphore, #tpu.memory_space<semaphore_mem>>)
    %lt3A = arith.constant 15 : i32
    %lt3A_40 = arith.cmpi slt, %arg1, %lt3A : i32
    %convert_element_type3A = arith.extui %lt3A_40 : i1 to i32
    %cond3A = arith.constant 0 : i32
    %cond3A_41 = arith.cmpi ne, %convert_element_type3A, %cond3A : i32
    scf.if %cond3A_41 {
      "tpu.region"() ({
        %run_scoped3A = tpu.sem_alloc : memref<!tpu.dma_semaphore, #tpu.memory_space<semaphore_mem>>
        %dma_start3A_86 = arith.constant 0 : i32
        %dma_start3A_87 = tpu.memref_slice %arg7[%mul3A_2, %dma_start3A_86] : memref<10064x128xf32, #tpu.memory_space<vmem_shared>> -> memref<632x128xf32, #tpu.memory_space<vmem_shared>>
        tpu.enqueue_dma source(%arg5 : memref<632x128xf32, #tpu.memory_space<hbm>>) target(%dma_start3A_87 : memref<632x128xf32, #tpu.memory_space<vmem_shared>>) target_semaphore(%run_scoped3A : memref<!tpu.dma_semaphore, #tpu.memory_space<semaphore_mem>>)
        %dma_wait3A_88 = arith.constant 0 : i32
        %dma_wait3A_89 = tpu.memref_slice %arg7[%mul3A_2, %dma_wait3A_88] : memref<10064x128xf32, #tpu.memory_space<vmem_shared>> -> memref<632x128xf32, #tpu.memory_space<vmem_shared>>
        tpu.wait_dma2 semaphore(%run_scoped3A : memref<!tpu.dma_semaphore, #tpu.memory_space<semaphore_mem>>) src(%arg5 : memref<632x128xf32, #tpu.memory_space<hbm>>) dst(%dma_wait3A_89 : memref<632x128xf32, #tpu.memory_space<vmem_shared>>)
        tpu.yield
      }) : () -> ()
    } else {
    }
    %eq3A = arith.constant 15 : i32
    %eq3A_42 = arith.cmpi eq, %arg1, %eq3A : i32
    %convert_element_type3A_43 = arith.extui %eq3A_42 : i1 to i32
    %cond3A_44 = arith.constant 0 : i32
    %cond3A_45 = arith.cmpi ne, %convert_element_type3A_43, %cond3A_44 : i32
    scf.if %cond3A_45 {
      "tpu.region"() ({
        %run_scoped3A = tpu.sem_alloc : memref<!tpu.dma_semaphore, #tpu.memory_space<semaphore_mem>>
        %dma_start3A_86 = arith.constant 9480 : i32
        %dma_start3A_87 = arith.constant 0 : i32
        %dma_start3A_88 = tpu.memref_slice %arg7[%dma_start3A_86, %dma_start3A_87] : memref<10064x128xf32, #tpu.memory_space<vmem_shared>> -> memref<584x128xf32, #tpu.memory_space<vmem_shared>>
        %dma_start3A_89 = arith.constant 0 : i32
        %dma_start3A_90 = arith.constant 0 : i32
        %dma_start3A_91 = tpu.memref_slice %arg5[%dma_start3A_89, %dma_start3A_90] : memref<632x128xf32, #tpu.memory_space<hbm>> -> memref<584x128xf32, #tpu.memory_space<hbm>>
        tpu.enqueue_dma source(%dma_start3A_91 : memref<584x128xf32, #tpu.memory_space<hbm>>) target(%dma_start3A_88 : memref<584x128xf32, #tpu.memory_space<vmem_shared>>) target_semaphore(%run_scoped3A : memref<!tpu.dma_semaphore, #tpu.memory_space<semaphore_mem>>)
        %dma_wait3A_92 = arith.constant 9480 : i32
        %dma_wait3A_93 = arith.constant 0 : i32
        %dma_wait3A_94 = tpu.memref_slice %arg7[%dma_wait3A_92, %dma_wait3A_93] : memref<10064x128xf32, #tpu.memory_space<vmem_shared>> -> memref<584x128xf32, #tpu.memory_space<vmem_shared>>
        %dma_wait3A_95 = arith.constant 0 : i32
        %dma_wait3A_96 = arith.constant 0 : i32
        %dma_wait3A_97 = tpu.memref_slice %arg5[%dma_wait3A_95, %dma_wait3A_96] : memref<632x128xf32, #tpu.memory_space<hbm>> -> memref<584x128xf32, #tpu.memory_space<hbm>>
        tpu.wait_dma2 semaphore(%run_scoped3A : memref<!tpu.dma_semaphore, #tpu.memory_space<semaphore_mem>>) src(%dma_wait3A_97 : memref<584x128xf32, #tpu.memory_space<hbm>>) dst(%dma_wait3A_94 : memref<584x128xf32, #tpu.memory_space<vmem_shared>>)
        tpu.yield
      }) : () -> ()
    } else {
    }
    %barrier3A = arith.constant 0 : index
    tpu.barrier barrier_id(%barrier3A)
    %dma_wait3A = arith.constant 0 : i32
    %dma_wait3A_46 = arith.constant 0 : i32
    %dma_wait3A_47 = tpu.memref_slice %arg3[%dma_wait3A, %dma_wait3A_46] : memref<2560x128xi32, #tpu.memory_space<hbm>> -> memref<1x128xi32, #tpu.memory_space<hbm>>
    %dma_wait3A_48 = arith.constant 0 : i32
    %dma_wait3A_49 = arith.constant 0 : i32
    %dma_wait3A_50 = tpu.memref_slice %arg3[%dma_wait3A_48, %dma_wait3A_49] : memref<2560x128xi32, #tpu.memory_space<hbm>> -> memref<1x128xi32, #tpu.memory_space<hbm>>
    tpu.wait_dma2 semaphore(%arg18 : memref<!tpu.dma_semaphore, #tpu.memory_space<semaphore_mem>>) src(%dma_wait3A_50 : memref<1x128xi32, #tpu.memory_space<hbm>>) dst(%arg8 : memref<1x128xi32, #tpu.memory_space<vmem>>)
    %dma_wait3A_51 = arith.constant 0 : i32
    %dma_wait3A_52 = arith.constant 0 : i32
    %dma_wait3A_53 = tpu.memref_slice %arg4[%dma_wait3A_51, %dma_wait3A_52] : memref<2560x128xi32, #tpu.memory_space<hbm>> -> memref<1x128xi32, #tpu.memory_space<hbm>>
    %dma_wait3A_54 = arith.constant 0 : i32
    %dma_wait3A_55 = arith.constant 0 : i32
    %dma_wait3A_56 = tpu.memref_slice %arg4[%dma_wait3A_54, %dma_wait3A_55] : memref<2560x128xi32, #tpu.memory_space<hbm>> -> memref<1x128xi32, #tpu.memory_space<hbm>>
    tpu.wait_dma2 semaphore(%arg18 : memref<!tpu.dma_semaphore, #tpu.memory_space<semaphore_mem>>) src(%dma_wait3A_56 : memref<1x128xi32, #tpu.memory_space<hbm>>) dst(%arg12 : memref<1x128xi32, #tpu.memory_space<vmem>>)
    %dma_start3A_57 = arith.constant 0 : i32
    %dma_start3A_58 = arith.constant 0 : i32
    %dma_start3A_59 = tpu.memref_slice %arg8[%dma_start3A_57, %dma_start3A_58] : memref<1x128xi32, #tpu.memory_space<vmem>> -> memref<1x128xi32, #tpu.memory_space<vmem>>
    %dma_start3A_60 = tpu.memref_squeeze %dma_start3A_59 : memref<1x128xi32, #tpu.memory_space<vmem>> -> memref<128xi32, #tpu.memory_space<vmem>>
    %dma_start3A_61 = arith.constant 0 : i32
    %dma_start3A_62 = arith.constant 0 : i32
    %dma_start3A_63 = tpu.memref_slice %arg2[%dma_start3A_61, %dma_start3A_62] : memref<10000x128xf32, #tpu.memory_space<hbm>> -> memref<10000x128xf32, #tpu.memory_space<hbm>>
    tpu.enqueue_indirect_dma source(%dma_start3A_63 : memref<10000x128xf32, #tpu.memory_space<hbm>>) target(%arg16 : memref<128x128xf32, #tpu.memory_space<vmem>>) offsets(%dma_start3A_60 : memref<128xi32, #tpu.memory_space<vmem>>) semaphore(%arg22 : memref<!tpu.dma_semaphore, #tpu.memory_space<semaphore_mem>>)
    %scan3A = arith.constant 0 : i32
    %scan3A_64 = arith.constant 20 : i32
    %scan3A_65 = arith.addi %scan3A, %scan3A_64 : i32
    %scan3A_66 = arith.constant 1 : i32
    scf.for %scan3A_86 = %scan3A to %scan3A_65 step %scan3A_66  : i32 {
      %mul3A_87 = arith.constant 1 : i32
      %mul3A_88 = arith.muli %scan3A_86, %mul3A_87 : i32
      %add3A_89 = arith.constant 0 : i32
      %add3A_90 = arith.addi %add3A_89, %mul3A_88 : i32
      %mul3A_91 = arith.constant 4 : i32
      %mul3A_92 = arith.muli %add3A_90, %mul3A_91 : i32
      %add3A_93 = arith.constant 0 : i32
      %add3A_94 = arith.addi %mul3A_92, %add3A_93 : i32
      %ge3A = arith.constant 1 : i32
      %ge3A_95 = arith.cmpi sge, %add3A_94, %ge3A : i32
      %convert_element_type3A_96 = arith.extui %ge3A_95 : i1 to i32
      %cond3A_97 = arith.constant 0 : i32
      %cond3A_98 = arith.cmpi ne, %convert_element_type3A_96, %cond3A_97 : i32
      scf.if %cond3A_98 {
        %dma_wait3A_232 = arith.constant 0 : i32
        %dma_wait3A_233 = arith.constant 0 : i32
        %dma_wait3A_234 = tpu.memref_slice %arg15[%dma_wait3A_232, %dma_wait3A_233] : memref<1x128xi32, #tpu.memory_space<vmem>> -> memref<1x128xi32, #tpu.memory_space<vmem>>
        %dma_wait3A_235 = tpu.memref_squeeze %dma_wait3A_234 : memref<1x128xi32, #tpu.memory_space<vmem>> -> memref<128xi32, #tpu.memory_space<vmem>>
        %dma_wait3A_236 = arith.constant 0 : i32
        %dma_wait3A_237 = arith.constant 0 : i32
        %dma_wait3A_238 = tpu.memref_slice %arg7[%dma_wait3A_236, %dma_wait3A_237] : memref<10064x128xf32, #tpu.memory_space<vmem_shared>> -> memref<10064x128xf32, #tpu.memory_space<vmem_shared>>
        tpu.wait_indirect_dma semaphore(%arg25 : memref<!tpu.dma_semaphore, #tpu.memory_space<semaphore_mem>>) src(%arg17 : memref<128x128xf32, #tpu.memory_space<vmem>>) dst(%dma_wait3A_238 : memref<10064x128xf32, #tpu.memory_space<vmem_shared>>)
      } else {
      }
      %add3A_99 = arith.constant 1 : i32
      %add3A_100 = arith.addi %add3A_94, %add3A_99 : i32
      %lt3A_101 = arith.constant 80 : i32
      %lt3A_102 = arith.cmpi slt, %add3A_100, %lt3A_101 : i32
      %convert_element_type3A_103 = arith.extui %lt3A_102 : i1 to i32
      %cond3A_104 = arith.constant 0 : i32
      %cond3A_105 = arith.cmpi ne, %convert_element_type3A_103, %cond3A_104 : i32
      scf.if %cond3A_105 {
        %dma_wait3A_232 = arith.constant 0 : i32
        %dma_wait3A_233 = arith.constant 0 : i32
        %dma_wait3A_234 = tpu.memref_slice %arg3[%dma_wait3A_232, %dma_wait3A_233] : memref<2560x128xi32, #tpu.memory_space<hbm>> -> memref<1x128xi32, #tpu.memory_space<hbm>>
        %dma_wait3A_235 = arith.constant 0 : i32
        %dma_wait3A_236 = arith.constant 0 : i32
        %dma_wait3A_237 = tpu.memref_slice %arg3[%dma_wait3A_235, %dma_wait3A_236] : memref<2560x128xi32, #tpu.memory_space<hbm>> -> memref<1x128xi32, #tpu.memory_space<hbm>>
        tpu.wait_dma2 semaphore(%arg19 : memref<!tpu.dma_semaphore, #tpu.memory_space<semaphore_mem>>) src(%dma_wait3A_237 : memref<1x128xi32, #tpu.memory_space<hbm>>) dst(%arg9 : memref<1x128xi32, #tpu.memory_space<vmem>>)
        %dma_wait3A_238 = arith.constant 0 : i32
        %dma_wait3A_239 = arith.constant 0 : i32
        %dma_wait3A_240 = tpu.memref_slice %arg4[%dma_wait3A_238, %dma_wait3A_239] : memref<2560x128xi32, #tpu.memory_space<hbm>> -> memref<1x128xi32, #tpu.memory_space<hbm>>
        %dma_wait3A_241 = arith.constant 0 : i32
        %dma_wait3A_242 = arith.constant 0 : i32
        %dma_wait3A_243 = tpu.memref_slice %arg4[%dma_wait3A_241, %dma_wait3A_242] : memref<2560x128xi32, #tpu.memory_space<hbm>> -> memref<1x128xi32, #tpu.memory_space<hbm>>
        tpu.wait_dma2 semaphore(%arg19 : memref<!tpu.dma_semaphore, #tpu.memory_space<semaphore_mem>>) src(%dma_wait3A_243 : memref<1x128xi32, #tpu.memory_space<hbm>>) dst(%arg13 : memref<1x128xi32, #tpu.memory_space<vmem>>)
        %dma_start3A_244 = arith.constant 0 : i32
        %dma_start3A_245 = arith.constant 0 : i32
        %dma_start3A_246 = tpu.memref_slice %arg9[%dma_start3A_244, %dma_start3A_245] : memref<1x128xi32, #tpu.memory_space<vmem>> -> memref<1x128xi32, #tpu.memory_space<vmem>>
        %dma_start3A_247 = tpu.memref_squeeze %dma_start3A_246 : memref<1x128xi32, #tpu.memory_space<vmem>> -> memref<128xi32, #tpu.memory_space<vmem>>
        %dma_start3A_248 = arith.constant 0 : i32
        %dma_start3A_249 = arith.constant 0 : i32
        %dma_start3A_250 = tpu.memref_slice %arg2[%dma_start3A_248, %dma_start3A_249] : memref<10000x128xf32, #tpu.memory_space<hbm>> -> memref<10000x128xf32, #tpu.memory_space<hbm>>
        tpu.enqueue_indirect_dma source(%dma_start3A_250 : memref<10000x128xf32, #tpu.memory_space<hbm>>) target(%arg17 : memref<128x128xf32, #tpu.memory_space<vmem>>) offsets(%dma_start3A_247 : memref<128xi32, #tpu.memory_space<vmem>>) semaphore(%arg23 : memref<!tpu.dma_semaphore, #tpu.memory_space<semaphore_mem>>)
      } else {
      }
      %dma_wait3A_106 = arith.constant 0 : i32
      %dma_wait3A_107 = arith.constant 0 : i32
      %dma_wait3A_108 = tpu.memref_slice %arg8[%dma_wait3A_106, %dma_wait3A_107] : memref<1x128xi32, #tpu.memory_space<vmem>> -> memref<1x128xi32, #tpu.memory_space<vmem>>
      %dma_wait3A_109 = tpu.memref_squeeze %dma_wait3A_108 : memref<1x128xi32, #tpu.memory_space<vmem>> -> memref<128xi32, #tpu.memory_space<vmem>>
      %dma_wait3A_110 = arith.constant 0 : i32
      %dma_wait3A_111 = arith.constant 0 : i32
      %dma_wait3A_112 = tpu.memref_slice %arg2[%dma_wait3A_110, %dma_wait3A_111] : memref<10000x128xf32, #tpu.memory_space<hbm>> -> memref<10000x128xf32, #tpu.memory_space<hbm>>
      tpu.wait_indirect_dma semaphore(%arg22 : memref<!tpu.dma_semaphore, #tpu.memory_space<semaphore_mem>>) src(%dma_wait3A_112 : memref<10000x128xf32, #tpu.memory_space<hbm>>) dst(%arg16 : memref<128x128xf32, #tpu.memory_space<vmem>>)
      %dma_start3A_113 = arith.constant 0 : i32
      %dma_start3A_114 = arith.constant 0 : i32
      %dma_start3A_115 = tpu.memref_slice %arg12[%dma_start3A_113, %dma_start3A_114] : memref<1x128xi32, #tpu.memory_space<vmem>> -> memref<1x128xi32, #tpu.memory_space<vmem>>
      %dma_start3A_116 = tpu.memref_squeeze %dma_start3A_115 : memref<1x128xi32, #tpu.memory_space<vmem>> -> memref<128xi32, #tpu.memory_space<vmem>>
      %dma_start3A_117 = arith.constant 0 : i32
      %dma_start3A_118 = arith.constant 0 : i32
      %dma_start3A_119 = tpu.memref_slice %arg7[%dma_start3A_117, %dma_start3A_118] : memref<10064x128xf32, #tpu.memory_space<vmem_shared>> -> memref<10064x128xf32, #tpu.memory_space<vmem_shared>>
      tpu.enqueue_indirect_dma source(%arg16 : memref<128x128xf32, #tpu.memory_space<vmem>>) target(%dma_start3A_119 : memref<10064x128xf32, #tpu.memory_space<vmem_shared>>) offsets(%dma_start3A_116 : memref<128xi32, #tpu.memory_space<vmem>>) semaphore(%arg24 : memref<!tpu.dma_semaphore, #tpu.memory_space<semaphore_mem>>) {add = true}
      %add3A_120 = arith.constant 3 : i32
      %add3A_121 = arith.addi %add3A_94, %add3A_120 : i32
      %lt3A_122 = arith.constant 80 : i32
      %lt3A_123 = arith.cmpi slt, %add3A_121, %lt3A_122 : i32
      %convert_element_type3A_124 = arith.extui %lt3A_123 : i1 to i32
      %cond3A_125 = arith.constant 0 : i32
      %cond3A_126 = arith.cmpi ne, %convert_element_type3A_124, %cond3A_125 : i32
      scf.if %cond3A_126 {
        %add3A_232 = arith.constant 3 : i32
        %add3A_233 = arith.addi %add3A_94, %add3A_232 : i32
        %add3A_234 = arith.addi %mul3A_4, %add3A_233 : i32
        %dma_start3A_235 = arith.constant 0 : i32
        %dma_start3A_236 = tpu.memref_slice %arg3[%add3A_234, %dma_start3A_235] : memref<2560x128xi32, #tpu.memory_space<hbm>> -> memref<1x128xi32, #tpu.memory_space<hbm>>
        %dma_start3A_237 = arith.constant 0 : i32
        %dma_start3A_238 = tpu.memref_slice %arg3[%add3A_234, %dma_start3A_237] : memref<2560x128xi32, #tpu.memory_space<hbm>> -> memref<1x128xi32, #tpu.memory_space<hbm>>
        tpu.enqueue_dma source(%dma_start3A_238 : memref<1x128xi32, #tpu.memory_space<hbm>>) target(%arg11 : memref<1x128xi32, #tpu.memory_space<vmem>>) target_semaphore(%arg21 : memref<!tpu.dma_semaphore, #tpu.memory_space<semaphore_mem>>)
        %add3A_239 = arith.addi %mul3A_4, %add3A_233 : i32
        %dma_start3A_240 = arith.constant 0 : i32
        %dma_start3A_241 = tpu.memref_slice %arg4[%add3A_239, %dma_start3A_240] : memref<2560x128xi32, #tpu.memory_space<hbm>> -> memref<1x128xi32, #tpu.memory_space<hbm>>
        %dma_start3A_242 = arith.constant 0 : i32
        %dma_start3A_243 = tpu.memref_slice %arg4[%add3A_239, %dma_start3A_242] : memref<2560x128xi32, #tpu.memory_space<hbm>> -> memref<1x128xi32, #tpu.memory_space<hbm>>
        tpu.enqueue_dma source(%dma_start3A_243 : memref<1x128xi32, #tpu.memory_space<hbm>>) target(%arg15 : memref<1x128xi32, #tpu.memory_space<vmem>>) target_semaphore(%arg21 : memref<!tpu.dma_semaphore, #tpu.memory_space<semaphore_mem>>)
      } else {
      }
      %add3A_127 = arith.constant 1 : i32
      %add3A_128 = arith.addi %mul3A_92, %add3A_127 : i32
      %ge3A_129 = arith.constant 1 : i32
      %ge3A_130 = arith.cmpi sge, %add3A_128, %ge3A_129 : i32
      %convert_element_type3A_131 = arith.extui %ge3A_130 : i1 to i32
      %cond3A_132 = arith.constant 0 : i32
      %cond3A_133 = arith.cmpi ne, %convert_element_type3A_131, %cond3A_132 : i32
      scf.if %cond3A_133 {
        %dma_wait3A_232 = arith.constant 0 : i32
        %dma_wait3A_233 = arith.constant 0 : i32
        %dma_wait3A_234 = tpu.memref_slice %arg12[%dma_wait3A_232, %dma_wait3A_233] : memref<1x128xi32, #tpu.memory_space<vmem>> -> memref<1x128xi32, #tpu.memory_space<vmem>>
        %dma_wait3A_235 = tpu.memref_squeeze %dma_wait3A_234 : memref<1x128xi32, #tpu.memory_space<vmem>> -> memref<128xi32, #tpu.memory_space<vmem>>
        %dma_wait3A_236 = arith.constant 0 : i32
        %dma_wait3A_237 = arith.constant 0 : i32
        %dma_wait3A_238 = tpu.memref_slice %arg7[%dma_wait3A_236, %dma_wait3A_237] : memref<10064x128xf32, #tpu.memory_space<vmem_shared>> -> memref<10064x128xf32, #tpu.memory_space<vmem_shared>>
        tpu.wait_indirect_dma semaphore(%arg24 : memref<!tpu.dma_semaphore, #tpu.memory_space<semaphore_mem>>) src(%arg16 : memref<128x128xf32, #tpu.memory_space<vmem>>) dst(%dma_wait3A_238 : memref<10064x128xf32, #tpu.memory_space<vmem_shared>>)
      } else {
      }
      %add3A_134 = arith.constant 1 : i32
      %add3A_135 = arith.addi %add3A_128, %add3A_134 : i32
      %lt3A_136 = arith.constant 80 : i32
      %lt3A_137 = arith.cmpi slt, %add3A_135, %lt3A_136 : i32
      %convert_element_type3A_138 = arith.extui %lt3A_137 : i1 to i32
      %cond3A_139 = arith.constant 0 : i32
      %cond3A_140 = arith.cmpi ne, %convert_element_type3A_138, %cond3A_139 : i32
      scf.if %cond3A_140 {
        %dma_wait3A_232 = arith.constant 0 : i32
        %dma_wait3A_233 = arith.constant 0 : i32
        %dma_wait3A_234 = tpu.memref_slice %arg3[%dma_wait3A_232, %dma_wait3A_233] : memref<2560x128xi32, #tpu.memory_space<hbm>> -> memref<1x128xi32, #tpu.memory_space<hbm>>
        %dma_wait3A_235 = arith.constant 0 : i32
        %dma_wait3A_236 = arith.constant 0 : i32
        %dma_wait3A_237 = tpu.memref_slice %arg3[%dma_wait3A_235, %dma_wait3A_236] : memref<2560x128xi32, #tpu.memory_space<hbm>> -> memref<1x128xi32, #tpu.memory_space<hbm>>
        tpu.wait_dma2 semaphore(%arg20 : memref<!tpu.dma_semaphore, #tpu.memory_space<semaphore_mem>>) src(%dma_wait3A_237 : memref<1x128xi32, #tpu.memory_space<hbm>>) dst(%arg10 : memref<1x128xi32, #tpu.memory_space<vmem>>)
        %dma_wait3A_238 = arith.constant 0 : i32
        %dma_wait3A_239 = arith.constant 0 : i32
        %dma_wait3A_240 = tpu.memref_slice %arg4[%dma_wait3A_238, %dma_wait3A_239] : memref<2560x128xi32, #tpu.memory_space<hbm>> -> memref<1x128xi32, #tpu.memory_space<hbm>>
        %dma_wait3A_241 = arith.constant 0 : i32
        %dma_wait3A_242 = arith.constant 0 : i32
        %dma_wait3A_243 = tpu.memref_slice %arg4[%dma_wait3A_241, %dma_wait3A_242] : memref<2560x128xi32, #tpu.memory_space<hbm>> -> memref<1x128xi32, #tpu.memory_space<hbm>>
        tpu.wait_dma2 semaphore(%arg20 : memref<!tpu.dma_semaphore, #tpu.memory_space<semaphore_mem>>) src(%dma_wait3A_243 : memref<1x128xi32, #tpu.memory_space<hbm>>) dst(%arg14 : memref<1x128xi32, #tpu.memory_space<vmem>>)
        %dma_start3A_244 = arith.constant 0 : i32
        %dma_start3A_245 = arith.constant 0 : i32
        %dma_start3A_246 = tpu.memref_slice %arg10[%dma_start3A_244, %dma_start3A_245] : memref<1x128xi32, #tpu.memory_space<vmem>> -> memref<1x128xi32, #tpu.memory_space<vmem>>
        %dma_start3A_247 = tpu.memref_squeeze %dma_start3A_246 : memref<1x128xi32, #tpu.memory_space<vmem>> -> memref<128xi32, #tpu.memory_space<vmem>>
        %dma_start3A_248 = arith.constant 0 : i32
        %dma_start3A_249 = arith.constant 0 : i32
        %dma_start3A_250 = tpu.memref_slice %arg2[%dma_start3A_248, %dma_start3A_249] : memref<10000x128xf32, #tpu.memory_space<hbm>> -> memref<10000x128xf32, #tpu.memory_space<hbm>>
        tpu.enqueue_indirect_dma source(%dma_start3A_250 : memref<10000x128xf32, #tpu.memory_space<hbm>>) target(%arg16 : memref<128x128xf32, #tpu.memory_space<vmem>>) offsets(%dma_start3A_247 : memref<128xi32, #tpu.memory_space<vmem>>) semaphore(%arg22 : memref<!tpu.dma_semaphore, #tpu.memory_space<semaphore_mem>>)
      } else {
      }
      %dma_wait3A_141 = arith.constant 0 : i32
      %dma_wait3A_142 = arith.constant 0 : i32
      %dma_wait3A_143 = tpu.memref_slice %arg9[%dma_wait3A_141, %dma_wait3A_142] : memref<1x128xi32, #tpu.memory_space<vmem>> -> memref<1x128xi32, #tpu.memory_space<vmem>>
      %dma_wait3A_144 = tpu.memref_squeeze %dma_wait3A_143 : memref<1x128xi32, #tpu.memory_space<vmem>> -> memref<128xi32, #tpu.memory_space<vmem>>
      %dma_wait3A_145 = arith.constant 0 : i32
      %dma_wait3A_146 = arith.constant 0 : i32
      %dma_wait3A_147 = tpu.memref_slice %arg2[%dma_wait3A_145, %dma_wait3A_146] : memref<10000x128xf32, #tpu.memory_space<hbm>> -> memref<10000x128xf32, #tpu.memory_space<hbm>>
      tpu.wait_indirect_dma semaphore(%arg23 : memref<!tpu.dma_semaphore, #tpu.memory_space<semaphore_mem>>) src(%dma_wait3A_147 : memref<10000x128xf32, #tpu.memory_space<hbm>>) dst(%arg17 : memref<128x128xf32, #tpu.memory_space<vmem>>)
      %dma_start3A_148 = arith.constant 0 : i32
      %dma_start3A_149 = arith.constant 0 : i32
      %dma_start3A_150 = tpu.memref_slice %arg13[%dma_start3A_148, %dma_start3A_149] : memref<1x128xi32, #tpu.memory_space<vmem>> -> memref<1x128xi32, #tpu.memory_space<vmem>>
      %dma_start3A_151 = tpu.memref_squeeze %dma_start3A_150 : memref<1x128xi32, #tpu.memory_space<vmem>> -> memref<128xi32, #tpu.memory_space<vmem>>
      %dma_start3A_152 = arith.constant 0 : i32
      %dma_start3A_153 = arith.constant 0 : i32
      %dma_start3A_154 = tpu.memref_slice %arg7[%dma_start3A_152, %dma_start3A_153] : memref<10064x128xf32, #tpu.memory_space<vmem_shared>> -> memref<10064x128xf32, #tpu.memory_space<vmem_shared>>
      tpu.enqueue_indirect_dma source(%arg17 : memref<128x128xf32, #tpu.memory_space<vmem>>) target(%dma_start3A_154 : memref<10064x128xf32, #tpu.memory_space<vmem_shared>>) offsets(%dma_start3A_151 : memref<128xi32, #tpu.memory_space<vmem>>) semaphore(%arg25 : memref<!tpu.dma_semaphore, #tpu.memory_space<semaphore_mem>>) {add = true}
      %add3A_155 = arith.constant 3 : i32
      %add3A_156 = arith.addi %add3A_128, %add3A_155 : i32
      %lt3A_157 = arith.constant 80 : i32
      %lt3A_158 = arith.cmpi slt, %add3A_156, %lt3A_157 : i32
      %convert_element_type3A_159 = arith.extui %lt3A_158 : i1 to i32
      %cond3A_160 = arith.constant 0 : i32
      %cond3A_161 = arith.cmpi ne, %convert_element_type3A_159, %cond3A_160 : i32
      scf.if %cond3A_161 {
        %add3A_232 = arith.constant 3 : i32
        %add3A_233 = arith.addi %add3A_128, %add3A_232 : i32
        %add3A_234 = arith.addi %mul3A_4, %add3A_233 : i32
        %dma_start3A_235 = arith.constant 0 : i32
        %dma_start3A_236 = tpu.memref_slice %arg3[%add3A_234, %dma_start3A_235] : memref<2560x128xi32, #tpu.memory_space<hbm>> -> memref<1x128xi32, #tpu.memory_space<hbm>>
        %dma_start3A_237 = arith.constant 0 : i32
        %dma_start3A_238 = tpu.memref_slice %arg3[%add3A_234, %dma_start3A_237] : memref<2560x128xi32, #tpu.memory_space<hbm>> -> memref<1x128xi32, #tpu.memory_space<hbm>>
        tpu.enqueue_dma source(%dma_start3A_238 : memref<1x128xi32, #tpu.memory_space<hbm>>) target(%arg8 : memref<1x128xi32, #tpu.memory_space<vmem>>) target_semaphore(%arg18 : memref<!tpu.dma_semaphore, #tpu.memory_space<semaphore_mem>>)
        %add3A_239 = arith.addi %mul3A_4, %add3A_233 : i32
        %dma_start3A_240 = arith.constant 0 : i32
        %dma_start3A_241 = tpu.memref_slice %arg4[%add3A_239, %dma_start3A_240] : memref<2560x128xi32, #tpu.memory_space<hbm>> -> memref<1x128xi32, #tpu.memory_space<hbm>>
        %dma_start3A_242 = arith.constant 0 : i32
        %dma_start3A_243 = tpu.memref_slice %arg4[%add3A_239, %dma_start3A_242] : memref<2560x128xi32, #tpu.memory_space<hbm>> -> memref<1x128xi32, #tpu.memory_space<hbm>>
        tpu.enqueue_dma source(%dma_start3A_243 : memref<1x128xi32, #tpu.memory_space<hbm>>) target(%arg12 : memref<1x128xi32, #tpu.memory_space<vmem>>) target_semaphore(%arg18 : memref<!tpu.dma_semaphore, #tpu.memory_space<semaphore_mem>>)
      } else {
      }
      %add3A_162 = arith.constant 2 : i32
      %add3A_163 = arith.addi %mul3A_92, %add3A_162 : i32
      %ge3A_164 = arith.constant 1 : i32
      %ge3A_165 = arith.cmpi sge, %add3A_163, %ge3A_164 : i32
      %convert_element_type3A_166 = arith.extui %ge3A_165 : i1 to i32
      %cond3A_167 = arith.constant 0 : i32
      %cond3A_168 = arith.cmpi ne, %convert_element_type3A_166, %cond3A_167 : i32
      scf.if %cond3A_168 {
        %dma_wait3A_232 = arith.constant 0 : i32
        %dma_wait3A_233 = arith.constant 0 : i32
        %dma_wait3A_234 = tpu.memref_slice %arg13[%dma_wait3A_232, %dma_wait3A_233] : memref<1x128xi32, #tpu.memory_space<vmem>> -> memref<1x128xi32, #tpu.memory_space<vmem>>
        %dma_wait3A_235 = tpu.memref_squeeze %dma_wait3A_234 : memref<1x128xi32, #tpu.memory_space<vmem>> -> memref<128xi32, #tpu.memory_space<vmem>>
        %dma_wait3A_236 = arith.constant 0 : i32
        %dma_wait3A_237 = arith.constant 0 : i32
        %dma_wait3A_238 = tpu.memref_slice %arg7[%dma_wait3A_236, %dma_wait3A_237] : memref<10064x128xf32, #tpu.memory_space<vmem_shared>> -> memref<10064x128xf32, #tpu.memory_space<vmem_shared>>
        tpu.wait_indirect_dma semaphore(%arg25 : memref<!tpu.dma_semaphore, #tpu.memory_space<semaphore_mem>>) src(%arg17 : memref<128x128xf32, #tpu.memory_space<vmem>>) dst(%dma_wait3A_238 : memref<10064x128xf32, #tpu.memory_space<vmem_shared>>)
      } else {
      }
      %add3A_169 = arith.constant 1 : i32
      %add3A_170 = arith.addi %add3A_163, %add3A_169 : i32
      %lt3A_171 = arith.constant 80 : i32
      %lt3A_172 = arith.cmpi slt, %add3A_170, %lt3A_171 : i32
      %convert_element_type3A_173 = arith.extui %lt3A_172 : i1 to i32
      %cond3A_174 = arith.constant 0 : i32
      %cond3A_175 = arith.cmpi ne, %convert_element_type3A_173, %cond3A_174 : i32
      scf.if %cond3A_175 {
        %dma_wait3A_232 = arith.constant 0 : i32
        %dma_wait3A_233 = arith.constant 0 : i32
        %dma_wait3A_234 = tpu.memref_slice %arg3[%dma_wait3A_232, %dma_wait3A_233] : memref<2560x128xi32, #tpu.memory_space<hbm>> -> memref<1x128xi32, #tpu.memory_space<hbm>>
        %dma_wait3A_235 = arith.constant 0 : i32
        %dma_wait3A_236 = arith.constant 0 : i32
        %dma_wait3A_237 = tpu.memref_slice %arg3[%dma_wait3A_235, %dma_wait3A_236] : memref<2560x128xi32, #tpu.memory_space<hbm>> -> memref<1x128xi32, #tpu.memory_space<hbm>>
        tpu.wait_dma2 semaphore(%arg21 : memref<!tpu.dma_semaphore, #tpu.memory_space<semaphore_mem>>) src(%dma_wait3A_237 : memref<1x128xi32, #tpu.memory_space<hbm>>) dst(%arg11 : memref<1x128xi32, #tpu.memory_space<vmem>>)
        %dma_wait3A_238 = arith.constant 0 : i32
        %dma_wait3A_239 = arith.constant 0 : i32
        %dma_wait3A_240 = tpu.memref_slice %arg4[%dma_wait3A_238, %dma_wait3A_239] : memref<2560x128xi32, #tpu.memory_space<hbm>> -> memref<1x128xi32, #tpu.memory_space<hbm>>
        %dma_wait3A_241 = arith.constant 0 : i32
        %dma_wait3A_242 = arith.constant 0 : i32
        %dma_wait3A_243 = tpu.memref_slice %arg4[%dma_wait3A_241, %dma_wait3A_242] : memref<2560x128xi32, #tpu.memory_space<hbm>> -> memref<1x128xi32, #tpu.memory_space<hbm>>
        tpu.wait_dma2 semaphore(%arg21 : memref<!tpu.dma_semaphore, #tpu.memory_space<semaphore_mem>>) src(%dma_wait3A_243 : memref<1x128xi32, #tpu.memory_space<hbm>>) dst(%arg15 : memref<1x128xi32, #tpu.memory_space<vmem>>)
        %dma_start3A_244 = arith.constant 0 : i32
        %dma_start3A_245 = arith.constant 0 : i32
        %dma_start3A_246 = tpu.memref_slice %arg11[%dma_start3A_244, %dma_start3A_245] : memref<1x128xi32, #tpu.memory_space<vmem>> -> memref<1x128xi32, #tpu.memory_space<vmem>>
        %dma_start3A_247 = tpu.memref_squeeze %dma_start3A_246 : memref<1x128xi32, #tpu.memory_space<vmem>> -> memref<128xi32, #tpu.memory_space<vmem>>
        %dma_start3A_248 = arith.constant 0 : i32
        %dma_start3A_249 = arith.constant 0 : i32
        %dma_start3A_250 = tpu.memref_slice %arg2[%dma_start3A_248, %dma_start3A_249] : memref<10000x128xf32, #tpu.memory_space<hbm>> -> memref<10000x128xf32, #tpu.memory_space<hbm>>
        tpu.enqueue_indirect_dma source(%dma_start3A_250 : memref<10000x128xf32, #tpu.memory_space<hbm>>) target(%arg17 : memref<128x128xf32, #tpu.memory_space<vmem>>) offsets(%dma_start3A_247 : memref<128xi32, #tpu.memory_space<vmem>>) semaphore(%arg23 : memref<!tpu.dma_semaphore, #tpu.memory_space<semaphore_mem>>)
      } else {
      }
      %dma_wait3A_176 = arith.constant 0 : i32
      %dma_wait3A_177 = arith.constant 0 : i32
      %dma_wait3A_178 = tpu.memref_slice %arg10[%dma_wait3A_176, %dma_wait3A_177] : memref<1x128xi32, #tpu.memory_space<vmem>> -> memref<1x128xi32, #tpu.memory_space<vmem>>
      %dma_wait3A_179 = tpu.memref_squeeze %dma_wait3A_178 : memref<1x128xi32, #tpu.memory_space<vmem>> -> memref<128xi32, #tpu.memory_space<vmem>>
      %dma_wait3A_180 = arith.constant 0 : i32
      %dma_wait3A_181 = arith.constant 0 : i32
      %dma_wait3A_182 = tpu.memref_slice %arg2[%dma_wait3A_180, %dma_wait3A_181] : memref<10000x128xf32, #tpu.memory_space<hbm>> -> memref<10000x128xf32, #tpu.memory_space<hbm>>
      tpu.wait_indirect_dma semaphore(%arg22 : memref<!tpu.dma_semaphore, #tpu.memory_space<semaphore_mem>>) src(%dma_wait3A_182 : memref<10000x128xf32, #tpu.memory_space<hbm>>) dst(%arg16 : memref<128x128xf32, #tpu.memory_space<vmem>>)
      %dma_start3A_183 = arith.constant 0 : i32
      %dma_start3A_184 = arith.constant 0 : i32
      %dma_start3A_185 = tpu.memref_slice %arg14[%dma_start3A_183, %dma_start3A_184] : memref<1x128xi32, #tpu.memory_space<vmem>> -> memref<1x128xi32, #tpu.memory_space<vmem>>
      %dma_start3A_186 = tpu.memref_squeeze %dma_start3A_185 : memref<1x128xi32, #tpu.memory_space<vmem>> -> memref<128xi32, #tpu.memory_space<vmem>>
      %dma_start3A_187 = arith.constant 0 : i32
      %dma_start3A_188 = arith.constant 0 : i32
      %dma_start3A_189 = tpu.memref_slice %arg7[%dma_start3A_187, %dma_start3A_188] : memref<10064x128xf32, #tpu.memory_space<vmem_shared>> -> memref<10064x128xf32, #tpu.memory_space<vmem_shared>>
      tpu.enqueue_indirect_dma source(%arg16 : memref<128x128xf32, #tpu.memory_space<vmem>>) target(%dma_start3A_189 : memref<10064x128xf32, #tpu.memory_space<vmem_shared>>) offsets(%dma_start3A_186 : memref<128xi32, #tpu.memory_space<vmem>>) semaphore(%arg24 : memref<!tpu.dma_semaphore, #tpu.memory_space<semaphore_mem>>) {add = true}
      %add3A_190 = arith.constant 3 : i32
      %add3A_191 = arith.addi %add3A_163, %add3A_190 : i32
      %lt3A_192 = arith.constant 80 : i32
      %lt3A_193 = arith.cmpi slt, %add3A_191, %lt3A_192 : i32
      %convert_element_type3A_194 = arith.extui %lt3A_193 : i1 to i32
      %cond3A_195 = arith.constant 0 : i32
      %cond3A_196 = arith.cmpi ne, %convert_element_type3A_194, %cond3A_195 : i32
      scf.if %cond3A_196 {
        %add3A_232 = arith.constant 3 : i32
        %add3A_233 = arith.addi %add3A_163, %add3A_232 : i32
        %add3A_234 = arith.addi %mul3A_4, %add3A_233 : i32
        %dma_start3A_235 = arith.constant 0 : i32
        %dma_start3A_236 = tpu.memref_slice %arg3[%add3A_234, %dma_start3A_235] : memref<2560x128xi32, #tpu.memory_space<hbm>> -> memref<1x128xi32, #tpu.memory_space<hbm>>
        %dma_start3A_237 = arith.constant 0 : i32
        %dma_start3A_238 = tpu.memref_slice %arg3[%add3A_234, %dma_start3A_237] : memref<2560x128xi32, #tpu.memory_space<hbm>> -> memref<1x128xi32, #tpu.memory_space<hbm>>
        tpu.enqueue_dma source(%dma_start3A_238 : memref<1x128xi32, #tpu.memory_space<hbm>>) target(%arg9 : memref<1x128xi32, #tpu.memory_space<vmem>>) target_semaphore(%arg19 : memref<!tpu.dma_semaphore, #tpu.memory_space<semaphore_mem>>)
        %add3A_239 = arith.addi %mul3A_4, %add3A_233 : i32
        %dma_start3A_240 = arith.constant 0 : i32
        %dma_start3A_241 = tpu.memref_slice %arg4[%add3A_239, %dma_start3A_240] : memref<2560x128xi32, #tpu.memory_space<hbm>> -> memref<1x128xi32, #tpu.memory_space<hbm>>
        %dma_start3A_242 = arith.constant 0 : i32
        %dma_start3A_243 = tpu.memref_slice %arg4[%add3A_239, %dma_start3A_242] : memref<2560x128xi32, #tpu.memory_space<hbm>> -> memref<1x128xi32, #tpu.memory_space<hbm>>
        tpu.enqueue_dma source(%dma_start3A_243 : memref<1x128xi32, #tpu.memory_space<hbm>>) target(%arg13 : memref<1x128xi32, #tpu.memory_space<vmem>>) target_semaphore(%arg19 : memref<!tpu.dma_semaphore, #tpu.memory_space<semaphore_mem>>)
      } else {
      }
      %add3A_197 = arith.constant 3 : i32
      %add3A_198 = arith.addi %mul3A_92, %add3A_197 : i32
      %ge3A_199 = arith.constant 1 : i32
      %ge3A_200 = arith.cmpi sge, %add3A_198, %ge3A_199 : i32
      %convert_element_type3A_201 = arith.extui %ge3A_200 : i1 to i32
      %cond3A_202 = arith.constant 0 : i32
      %cond3A_203 = arith.cmpi ne, %convert_element_type3A_201, %cond3A_202 : i32
      scf.if %cond3A_203 {
        %dma_wait3A_232 = arith.constant 0 : i32
        %dma_wait3A_233 = arith.constant 0 : i32
        %dma_wait3A_234 = tpu.memref_slice %arg14[%dma_wait3A_232, %dma_wait3A_233] : memref<1x128xi32, #tpu.memory_space<vmem>> -> memref<1x128xi32, #tpu.memory_space<vmem>>
        %dma_wait3A_235 = tpu.memref_squeeze %dma_wait3A_234 : memref<1x128xi32, #tpu.memory_space<vmem>> -> memref<128xi32, #tpu.memory_space<vmem>>
        %dma_wait3A_236 = arith.constant 0 : i32
        %dma_wait3A_237 = arith.constant 0 : i32
        %dma_wait3A_238 = tpu.memref_slice %arg7[%dma_wait3A_236, %dma_wait3A_237] : memref<10064x128xf32, #tpu.memory_space<vmem_shared>> -> memref<10064x128xf32, #tpu.memory_space<vmem_shared>>
        tpu.wait_indirect_dma semaphore(%arg24 : memref<!tpu.dma_semaphore, #tpu.memory_space<semaphore_mem>>) src(%arg16 : memref<128x128xf32, #tpu.memory_space<vmem>>) dst(%dma_wait3A_238 : memref<10064x128xf32, #tpu.memory_space<vmem_shared>>)
      } else {
      }
      %add3A_204 = arith.constant 1 : i32
      %add3A_205 = arith.addi %add3A_198, %add3A_204 : i32
      %lt3A_206 = arith.constant 80 : i32
      %lt3A_207 = arith.cmpi slt, %add3A_205, %lt3A_206 : i32
      %convert_element_type3A_208 = arith.extui %lt3A_207 : i1 to i32
      %cond3A_209 = arith.constant 0 : i32
      %cond3A_210 = arith.cmpi ne, %convert_element_type3A_208, %cond3A_209 : i32
      scf.if %cond3A_210 {
        %dma_wait3A_232 = arith.constant 0 : i32
        %dma_wait3A_233 = arith.constant 0 : i32
        %dma_wait3A_234 = tpu.memref_slice %arg3[%dma_wait3A_232, %dma_wait3A_233] : memref<2560x128xi32, #tpu.memory_space<hbm>> -> memref<1x128xi32, #tpu.memory_space<hbm>>
        %dma_wait3A_235 = arith.constant 0 : i32
        %dma_wait3A_236 = arith.constant 0 : i32
        %dma_wait3A_237 = tpu.memref_slice %arg3[%dma_wait3A_235, %dma_wait3A_236] : memref<2560x128xi32, #tpu.memory_space<hbm>> -> memref<1x128xi32, #tpu.memory_space<hbm>>
        tpu.wait_dma2 semaphore(%arg18 : memref<!tpu.dma_semaphore, #tpu.memory_space<semaphore_mem>>) src(%dma_wait3A_237 : memref<1x128xi32, #tpu.memory_space<hbm>>) dst(%arg8 : memref<1x128xi32, #tpu.memory_space<vmem>>)
        %dma_wait3A_238 = arith.constant 0 : i32
        %dma_wait3A_239 = arith.constant 0 : i32
        %dma_wait3A_240 = tpu.memref_slice %arg4[%dma_wait3A_238, %dma_wait3A_239] : memref<2560x128xi32, #tpu.memory_space<hbm>> -> memref<1x128xi32, #tpu.memory_space<hbm>>
        %dma_wait3A_241 = arith.constant 0 : i32
        %dma_wait3A_242 = arith.constant 0 : i32
        %dma_wait3A_243 = tpu.memref_slice %arg4[%dma_wait3A_241, %dma_wait3A_242] : memref<2560x128xi32, #tpu.memory_space<hbm>> -> memref<1x128xi32, #tpu.memory_space<hbm>>
        tpu.wait_dma2 semaphore(%arg18 : memref<!tpu.dma_semaphore, #tpu.memory_space<semaphore_mem>>) src(%dma_wait3A_243 : memref<1x128xi32, #tpu.memory_space<hbm>>) dst(%arg12 : memref<1x128xi32, #tpu.memory_space<vmem>>)
        %dma_start3A_244 = arith.constant 0 : i32
        %dma_start3A_245 = arith.constant 0 : i32
        %dma_start3A_246 = tpu.memref_slice %arg8[%dma_start3A_244, %dma_start3A_245] : memref<1x128xi32, #tpu.memory_space<vmem>> -> memref<1x128xi32, #tpu.memory_space<vmem>>
        %dma_start3A_247 = tpu.memref_squeeze %dma_start3A_246 : memref<1x128xi32, #tpu.memory_space<vmem>> -> memref<128xi32, #tpu.memory_space<vmem>>
        %dma_start3A_248 = arith.constant 0 : i32
        %dma_start3A_249 = arith.constant 0 : i32
        %dma_start3A_250 = tpu.memref_slice %arg2[%dma_start3A_248, %dma_start3A_249] : memref<10000x128xf32, #tpu.memory_space<hbm>> -> memref<10000x128xf32, #tpu.memory_space<hbm>>
        tpu.enqueue_indirect_dma source(%dma_start3A_250 : memref<10000x128xf32, #tpu.memory_space<hbm>>) target(%arg16 : memref<128x128xf32, #tpu.memory_space<vmem>>) offsets(%dma_start3A_247 : memref<128xi32, #tpu.memory_space<vmem>>) semaphore(%arg22 : memref<!tpu.dma_semaphore, #tpu.memory_space<semaphore_mem>>)
      } else {
      }
      %dma_wait3A_211 = arith.constant 0 : i32
      %dma_wait3A_212 = arith.constant 0 : i32
      %dma_wait3A_213 = tpu.memref_slice %arg11[%dma_wait3A_211, %dma_wait3A_212] : memref<1x128xi32, #tpu.memory_space<vmem>> -> memref<1x128xi32, #tpu.memory_space<vmem>>
      %dma_wait3A_214 = tpu.memref_squeeze %dma_wait3A_213 : memref<1x128xi32, #tpu.memory_space<vmem>> -> memref<128xi32, #tpu.memory_space<vmem>>
      %dma_wait3A_215 = arith.constant 0 : i32
      %dma_wait3A_216 = arith.constant 0 : i32
      %dma_wait3A_217 = tpu.memref_slice %arg2[%dma_wait3A_215, %dma_wait3A_216] : memref<10000x128xf32, #tpu.memory_space<hbm>> -> memref<10000x128xf32, #tpu.memory_space<hbm>>
      tpu.wait_indirect_dma semaphore(%arg23 : memref<!tpu.dma_semaphore, #tpu.memory_space<semaphore_mem>>) src(%dma_wait3A_217 : memref<10000x128xf32, #tpu.memory_space<hbm>>) dst(%arg17 : memref<128x128xf32, #tpu.memory_space<vmem>>)
      %dma_start3A_218 = arith.constant 0 : i32
      %dma_start3A_219 = arith.constant 0 : i32
      %dma_start3A_220 = tpu.memref_slice %arg15[%dma_start3A_218, %dma_start3A_219] : memref<1x128xi32, #tpu.memory_space<vmem>> -> memref<1x128xi32, #tpu.memory_space<vmem>>
      %dma_start3A_221 = tpu.memref_squeeze %dma_start3A_220 : memref<1x128xi32, #tpu.memory_space<vmem>> -> memref<128xi32, #tpu.memory_space<vmem>>
      %dma_start3A_222 = arith.constant 0 : i32
      %dma_start3A_223 = arith.constant 0 : i32
      %dma_start3A_224 = tpu.memref_slice %arg7[%dma_start3A_222, %dma_start3A_223] : memref<10064x128xf32, #tpu.memory_space<vmem_shared>> -> memref<10064x128xf32, #tpu.memory_space<vmem_shared>>
      tpu.enqueue_indirect_dma source(%arg17 : memref<128x128xf32, #tpu.memory_space<vmem>>) target(%dma_start3A_224 : memref<10064x128xf32, #tpu.memory_space<vmem_shared>>) offsets(%dma_start3A_221 : memref<128xi32, #tpu.memory_space<vmem>>) semaphore(%arg25 : memref<!tpu.dma_semaphore, #tpu.memory_space<semaphore_mem>>) {add = true}
      %add3A_225 = arith.constant 3 : i32
      %add3A_226 = arith.addi %add3A_198, %add3A_225 : i32
      %lt3A_227 = arith.constant 80 : i32
      %lt3A_228 = arith.cmpi slt, %add3A_226, %lt3A_227 : i32
      %convert_element_type3A_229 = arith.extui %lt3A_228 : i1 to i32
      %cond3A_230 = arith.constant 0 : i32
      %cond3A_231 = arith.cmpi ne, %convert_element_type3A_229, %cond3A_230 : i32
      scf.if %cond3A_231 {
        %add3A_232 = arith.constant 3 : i32
        %add3A_233 = arith.addi %add3A_198, %add3A_232 : i32
        %add3A_234 = arith.addi %mul3A_4, %add3A_233 : i32
        %dma_start3A_235 = arith.constant 0 : i32
        %dma_start3A_236 = tpu.memref_slice %arg3[%add3A_234, %dma_start3A_235] : memref<2560x128xi32, #tpu.memory_space<hbm>> -> memref<1x128xi32, #tpu.memory_space<hbm>>
        %dma_start3A_237 = arith.constant 0 : i32
        %dma_start3A_238 = tpu.memref_slice %arg3[%add3A_234, %dma_start3A_237] : memref<2560x128xi32, #tpu.memory_space<hbm>> -> memref<1x128xi32, #tpu.memory_space<hbm>>
        tpu.enqueue_dma source(%dma_start3A_238 : memref<1x128xi32, #tpu.memory_space<hbm>>) target(%arg10 : memref<1x128xi32, #tpu.memory_space<vmem>>) target_semaphore(%arg20 : memref<!tpu.dma_semaphore, #tpu.memory_space<semaphore_mem>>)
        %add3A_239 = arith.addi %mul3A_4, %add3A_233 : i32
        %dma_start3A_240 = arith.constant 0 : i32
        %dma_start3A_241 = tpu.memref_slice %arg4[%add3A_239, %dma_start3A_240] : memref<2560x128xi32, #tpu.memory_space<hbm>> -> memref<1x128xi32, #tpu.memory_space<hbm>>
        %dma_start3A_242 = arith.constant 0 : i32
        %dma_start3A_243 = tpu.memref_slice %arg4[%add3A_239, %dma_start3A_242] : memref<2560x128xi32, #tpu.memory_space<hbm>> -> memref<1x128xi32, #tpu.memory_space<hbm>>
        tpu.enqueue_dma source(%dma_start3A_243 : memref<1x128xi32, #tpu.memory_space<hbm>>) target(%arg14 : memref<1x128xi32, #tpu.memory_space<vmem>>) target_semaphore(%arg20 : memref<!tpu.dma_semaphore, #tpu.memory_space<semaphore_mem>>)
      } else {
      }
    }
    %scan3A_67 = arith.constant 20 : i32
    %dma_wait3A_68 = arith.constant 0 : i32
    %dma_wait3A_69 = arith.constant 0 : i32
    %dma_wait3A_70 = tpu.memref_slice %arg15[%dma_wait3A_68, %dma_wait3A_69] : memref<1x128xi32, #tpu.memory_space<vmem>> -> memref<1x128xi32, #tpu.memory_space<vmem>>
    %dma_wait3A_71 = tpu.memref_squeeze %dma_wait3A_70 : memref<1x128xi32, #tpu.memory_space<vmem>> -> memref<128xi32, #tpu.memory_space<vmem>>
    %dma_wait3A_72 = arith.constant 0 : i32
    %dma_wait3A_73 = arith.constant 0 : i32
    %dma_wait3A_74 = tpu.memref_slice %arg7[%dma_wait3A_72, %dma_wait3A_73] : memref<10064x128xf32, #tpu.memory_space<vmem_shared>> -> memref<10064x128xf32, #tpu.memory_space<vmem_shared>>
    tpu.wait_indirect_dma semaphore(%arg25 : memref<!tpu.dma_semaphore, #tpu.memory_space<semaphore_mem>>) src(%arg17 : memref<128x128xf32, #tpu.memory_space<vmem>>) dst(%dma_wait3A_74 : memref<10064x128xf32, #tpu.memory_space<vmem_shared>>)
    %barrier3A_75 = arith.constant 0 : index
    tpu.barrier barrier_id(%barrier3A_75)
    %lt3A_76 = arith.constant 15 : i32
    %lt3A_77 = arith.cmpi slt, %arg1, %lt3A_76 : i32
    %convert_element_type3A_78 = arith.extui %lt3A_77 : i1 to i32
    %cond3A_79 = arith.constant 0 : i32
    %cond3A_80 = arith.cmpi ne, %convert_element_type3A_78, %cond3A_79 : i32
    scf.if %cond3A_80 {
      %mul3A_86 = arith.constant 10000 : i32
      %mul3A_87 = arith.muli %arg0, %mul3A_86 : i32
      %add3A_88 = arith.addi %mul3A_87, %mul3A_2 : i32
      "tpu.region"() ({
        %run_scoped3A = tpu.sem_alloc : memref<!tpu.dma_semaphore, #tpu.memory_space<semaphore_mem>>
        %dma_start3A_89 = arith.constant 0 : i32
        %dma_start3A_90 = tpu.memref_slice %arg6[%add3A_88, %dma_start3A_89] : memref<20000x128xf32, #tpu.memory_space<hbm>> -> memref<632x128xf32, #tpu.memory_space<hbm>>
        %dma_start3A_91 = arith.constant 0 : i32
        %dma_start3A_92 = tpu.memref_slice %arg7[%mul3A_2, %dma_start3A_91] : memref<10064x128xf32, #tpu.memory_space<vmem_shared>> -> memref<632x128xf32, #tpu.memory_space<vmem_shared>>
        tpu.enqueue_dma source(%dma_start3A_92 : memref<632x128xf32, #tpu.memory_space<vmem_shared>>) target(%dma_start3A_90 : memref<632x128xf32, #tpu.memory_space<hbm>>) target_semaphore(%run_scoped3A : memref<!tpu.dma_semaphore, #tpu.memory_space<semaphore_mem>>)
        %dma_wait3A_93 = arith.constant 0 : i32
        %dma_wait3A_94 = tpu.memref_slice %arg6[%add3A_88, %dma_wait3A_93] : memref<20000x128xf32, #tpu.memory_space<hbm>> -> memref<632x128xf32, #tpu.memory_space<hbm>>
        %dma_wait3A_95 = arith.constant 0 : i32
        %dma_wait3A_96 = tpu.memref_slice %arg7[%mul3A_2, %dma_wait3A_95] : memref<10064x128xf32, #tpu.memory_space<vmem_shared>> -> memref<632x128xf32, #tpu.memory_space<vmem_shared>>
        tpu.wait_dma2 semaphore(%run_scoped3A : memref<!tpu.dma_semaphore, #tpu.memory_space<semaphore_mem>>) src(%dma_wait3A_96 : memref<632x128xf32, #tpu.memory_space<vmem_shared>>) dst(%dma_wait3A_94 : memref<632x128xf32, #tpu.memory_space<hbm>>)
        tpu.yield
      }) : () -> ()
    } else {
    }
    %eq3A_81 = arith.constant 15 : i32
    %eq3A_82 = arith.cmpi eq, %arg1, %eq3A_81 : i32
    %convert_element_type3A_83 = arith.extui %eq3A_82 : i1 to i32
    %cond3A_84 = arith.constant 0 : i32
    %cond3A_85 = arith.cmpi ne, %convert_element_type3A_83, %cond3A_84 : i32
    scf.if %cond3A_85 {
      %mul3A_86 = arith.constant 10000 : i32
      %mul3A_87 = arith.muli %arg0, %mul3A_86 : i32
      %add3A_88 = arith.constant 9480 : i32
      %add3A_89 = arith.addi %mul3A_87, %add3A_88 : i32
      "tpu.region"() ({
        %run_scoped3A = tpu.sem_alloc : memref<!tpu.dma_semaphore, #tpu.memory_space<semaphore_mem>>
        %dma_start3A_90 = arith.constant 0 : i32
        %dma_start3A_91 = tpu.memref_slice %arg6[%add3A_89, %dma_start3A_90] : memref<20000x128xf32, #tpu.memory_space<hbm>> -> memref<520x128xf32, #tpu.memory_space<hbm>>
        %dma_start3A_92 = arith.constant 9480 : i32
        %dma_start3A_93 = arith.constant 0 : i32
        %dma_start3A_94 = tpu.memref_slice %arg7[%dma_start3A_92, %dma_start3A_93] : memref<10064x128xf32, #tpu.memory_space<vmem_shared>> -> memref<520x128xf32, #tpu.memory_space<vmem_shared>>
        tpu.enqueue_dma source(%dma_start3A_94 : memref<520x128xf32, #tpu.memory_space<vmem_shared>>) target(%dma_start3A_91 : memref<520x128xf32, #tpu.memory_space<hbm>>) target_semaphore(%run_scoped3A : memref<!tpu.dma_semaphore, #tpu.memory_space<semaphore_mem>>)
        %dma_wait3A_95 = arith.constant 0 : i32
        %dma_wait3A_96 = tpu.memref_slice %arg6[%add3A_89, %dma_wait3A_95] : memref<20000x128xf32, #tpu.memory_space<hbm>> -> memref<520x128xf32, #tpu.memory_space<hbm>>
        %dma_wait3A_97 = arith.constant 9480 : i32
        %dma_wait3A_98 = arith.constant 0 : i32
        %dma_wait3A_99 = tpu.memref_slice %arg7[%dma_wait3A_97, %dma_wait3A_98] : memref<10064x128xf32, #tpu.memory_space<vmem_shared>> -> memref<520x128xf32, #tpu.memory_space<vmem_shared>>
        tpu.wait_dma2 semaphore(%run_scoped3A : memref<!tpu.dma_semaphore, #tpu.memory_space<semaphore_mem>>) src(%dma_wait3A_99 : memref<520x128xf32, #tpu.memory_space<vmem_shared>>) dst(%dma_wait3A_96 : memref<520x128xf32, #tpu.memory_space<hbm>>)
        tpu.yield
      }) : () -> ()
    } else {
    }
    return
  }
}

module attributes {stable_mosaic.version = 14 : i64} {
  func.func @_scale0_body(%arg0: i32, %arg1: memref<1000x128xf32, #tpu.memory_space<vmem>>, %arg2: memref<1000x128xf32, #tpu.memory_space<vmem>>, %arg3: memref<1000x128xf32, #tpu.memory_space<vmem>>, %arg4: memref<1000x128xf32, #tpu.memory_space<vmem>>) attributes {dimension_semantics = [#tpu.dimension_semantics<arbitrary>], iteration_bounds = array<i64: 10>, scalar_prefetch = 0 : i64, scratch_operands = 0 : i64, tpu.core_type = #tpu.core_type<tc>, window_params = [{transform_indices = @transform_0, window_bounds = array<i64: 1000, 128>}, {transform_indices = @transform_1, window_bounds = array<i64: 1000, 128>}, {transform_indices = @transform_2, window_bounds = array<i64: 1000, 128>}, {transform_indices = @transform_3, window_bounds = array<i64: 1000, 128>}]} {
    %get3A = arith.constant 0 : index
    %get3A_0 = arith.constant 0 : index
    %get3A_1 = vector.load %arg3[%get3A, %get3A_0] : memref<1000x128xf32, #tpu.memory_space<vmem>>, vector<1000x128xf32>
    %get3A_2 = arith.constant 0 : index
    %get3A_3 = arith.constant 0 : index
    %get3A_4 = vector.load %arg1[%get3A_2, %get3A_3] : memref<1000x128xf32, #tpu.memory_space<vmem>>, vector<1000x1xf32>
    %get3A_5 = arith.constant 0 : index
    %get3A_6 = arith.constant 0 : index
    %get3A_7 = vector.load %arg2[%get3A_5, %get3A_6] : memref<1000x128xf32, #tpu.memory_space<vmem>>, vector<1000x1xf32>
    %add3A = arith.addf %get3A_4, %get3A_7 : vector<1000x1xf32>
    %max3A = arith.constant 1.000000e+00 : f32
    %max3A_8 = vector.broadcast %max3A : f32 to vector<1000x1xf32>
    %max3A_9 = arith.maximumf %add3A, %max3A_8 : vector<1000x1xf32>
    %rsqrt3A = math.rsqrt %max3A_9 : vector<1000x1xf32>
    %mul3A = vector.broadcast %rsqrt3A : vector<1000x1xf32> to vector<1000x128xf32>
    %mul3A_10 = arith.mulf %get3A_1, %mul3A : vector<1000x128xf32>
    %swap3A = arith.constant 0 : index
    %swap3A_11 = arith.constant 0 : index
    %swap3A_12 = vector.load %arg4[%swap3A, %swap3A_11] : memref<1000x128xf32, #tpu.memory_space<vmem>>, vector<1000x128xf32>
    tpu.vector_store %arg4[%swap3A, %swap3A_11], %mul3A_10 {strides = array<i32>} : memref<1000x128xf32, #tpu.memory_space<vmem>>, vector<1000x128xf32>,
    return
  }
  func.func @transform_0(%arg0: i32) -> (i32, i32) {
    %c0_i32 = arith.constant 0 : i32
    %c0_i32_0 = arith.constant 0 : i32
    return %arg0, %c0_i32 : i32, i32
  }
  func.func @transform_1(%arg0: i32) -> (i32, i32) {
    %add3A = arith.constant 10 : i32
    %add3A_0 = arith.addi %arg0, %add3A : i32
    %c0_i32 = arith.constant 0 : i32
    %c0_i32_1 = arith.constant 0 : i32
    return %add3A_0, %c0_i32 : i32, i32
  }
  func.func @transform_2(%arg0: i32) -> (i32, i32) {
    %c0_i32 = arith.constant 0 : i32
    %c0_i32_0 = arith.constant 0 : i32
    return %arg0, %c0_i32 : i32, i32
  }
  func.func @transform_3(%arg0: i32) -> (i32, i32) {
    %c0_i32 = arith.constant 0 : i32
    %c0_i32_0 = arith.constant 0 : i32
    return %arg0, %c0_i32 : i32, i32
  }
}

module attributes {stable_mosaic.version = 14 : i64} {
  func.func @_matmul_body(%arg0: i32, %arg1: memref<1000x128xf32, #tpu.memory_space<vmem>>, %arg2: memref<128x128xf32, #tpu.memory_space<vmem>>, %arg3: memref<1000x128xf32, #tpu.memory_space<vmem>>) attributes {dimension_semantics = [#tpu.dimension_semantics<arbitrary>], iteration_bounds = array<i64: 10>, scalar_prefetch = 0 : i64, scratch_operands = 0 : i64, tpu.core_type = #tpu.core_type<tc>, window_params = [{transform_indices = @transform_0, window_bounds = array<i64: 1000, 128>}, {pipeline_mode = #tpu.pipeline_mode<synchronous>, transform_indices = @transform_1, window_bounds = array<i64: 128, 128>}, {transform_indices = @transform_2, window_bounds = array<i64: 1000, 128>}]} {
    %get3A = arith.constant 0 : index
    %get3A_0 = arith.constant 0 : index
    %get3A_1 = vector.load %arg1[%get3A, %get3A_0] : memref<1000x128xf32, #tpu.memory_space<vmem>>, vector<1000x128xf32>
    %get3A_2 = arith.constant 0 : index
    %get3A_3 = arith.constant 0 : index
    %get3A_4 = vector.load %arg2[%get3A_2, %get3A_3] : memref<128x128xf32, #tpu.memory_space<vmem>>, vector<128x128xf32>
    %dot_general3A = arith.constant dense<0.000000e+00> : vector<1000x128xf32>
    %dot_general3A_5 = tpu.matmul %get3A_1, %get3A_4, %dot_general3A {dimension_numbers = #tpu.dot_dimension_numbers<[1], [1], [0], [0], [0, 0, 1, 0], [], []>, precision = #tpu.contract_precision<fp32>, transpose_lhs_hint = false} : vector<1000x128xf32>, vector<128x128xf32>, vector<1000x128xf32> -> vector<1000x128xf32>
    %swap3A = arith.constant 0 : index
    %swap3A_6 = arith.constant 0 : index
    %swap3A_7 = vector.load %arg3[%swap3A, %swap3A_6] : memref<1000x128xf32, #tpu.memory_space<vmem>>, vector<1000x128xf32>
    tpu.vector_store %arg3[%swap3A, %swap3A_6], %dot_general3A_5 {strides = array<i32>} : memref<1000x128xf32, #tpu.memory_space<vmem>>, vector<1000x128xf32>,
    return
  }
  func.func @transform_0(%arg0: i32) -> (i32, i32) {
    %c0_i32 = arith.constant 0 : i32
    %c0_i32_0 = arith.constant 0 : i32
    return %arg0, %c0_i32 : i32, i32
  }
  func.func @transform_1(%arg0: i32) -> (i32, i32) {
    %c0_i32 = arith.constant 0 : i32
    %c0_i32_0 = arith.constant 0 : i32
    %c0_i32_1 = arith.constant 0 : i32
    return %c0_i32, %c0_i32_0 : i32, i32
  }
  func.func @transform_2(%arg0: i32) -> (i32, i32) {
    %c0_i32 = arith.constant 0 : i32
    %c0_i32_0 = arith.constant 0 : i32
    return %arg0, %c0_i32 : i32, i32
  }
}

module attributes {stable_mosaic.version = 14 : i64} {
  func.func @_scale_mid_body(%arg0: i32, %arg1: memref<1000x128xf32, #tpu.memory_space<vmem>>, %arg2: memref<1000x128xf32, #tpu.memory_space<vmem>>, %arg3: memref<1000x128xf32, #tpu.memory_space<vmem>>, %arg4: memref<1000x128xf32, #tpu.memory_space<vmem>>, %arg5: memref<1000x128xf32, #tpu.memory_space<vmem>>) attributes {dimension_semantics = [#tpu.dimension_semantics<arbitrary>], iteration_bounds = array<i64: 10>, scalar_prefetch = 0 : i64, scratch_operands = 0 : i64, tpu.core_type = #tpu.core_type<tc>, window_params = [{transform_indices = @transform_0, window_bounds = array<i64: 1000, 128>}, {transform_indices = @transform_1, window_bounds = array<i64: 1000, 128>}, {transform_indices = @transform_2, window_bounds = array<i64: 1000, 128>}, {transform_indices = @transform_3, window_bounds = array<i64: 1000, 128>}, {transform_indices = @transform_4, window_bounds = array<i64: 1000, 128>}]} {
    %get3A = arith.constant 0 : index
    %get3A_0 = arith.constant 0 : index
    %get3A_1 = vector.load %arg3[%get3A, %get3A_0] : memref<1000x128xf32, #tpu.memory_space<vmem>>, vector<1000x128xf32>
    %get3A_2 = arith.constant 0 : index
    %get3A_3 = arith.constant 0 : index
    %get3A_4 = vector.load %arg4[%get3A_2, %get3A_3] : memref<1000x128xf32, #tpu.memory_space<vmem>>, vector<1000x128xf32>
    %add3A = arith.addf %get3A_1, %get3A_4 : vector<1000x128xf32>
    %get3A_5 = arith.constant 0 : index
    %get3A_6 = arith.constant 0 : index
    %get3A_7 = vector.load %arg1[%get3A_5, %get3A_6] : memref<1000x128xf32, #tpu.memory_space<vmem>>, vector<1000x1xf32>
    %get3A_8 = arith.constant 0 : index
    %get3A_9 = arith.constant 0 : index
    %get3A_10 = vector.load %arg2[%get3A_8, %get3A_9] : memref<1000x128xf32, #tpu.memory_space<vmem>>, vector<1000x1xf32>
    %add3A_11 = arith.addf %get3A_7, %get3A_10 : vector<1000x1xf32>
    %max3A = arith.constant 1.000000e+00 : f32
    %max3A_12 = vector.broadcast %max3A : f32 to vector<1000x1xf32>
    %max3A_13 = arith.maximumf %add3A_11, %max3A_12 : vector<1000x1xf32>
    %div3A = vector.broadcast %max3A_13 : vector<1000x1xf32> to vector<1000x128xf32>
    %div3A_14 = arith.divf %add3A, %div3A : vector<1000x128xf32>
    %swap3A = arith.constant 0 : index
    %swap3A_15 = arith.constant 0 : index
    %swap3A_16 = vector.load %arg5[%swap3A, %swap3A_15] : memref<1000x128xf32, #tpu.memory_space<vmem>>, vector<1000x128xf32>
    tpu.vector_store %arg5[%swap3A, %swap3A_15], %div3A_14 {strides = array<i32>} : memref<1000x128xf32, #tpu.memory_space<vmem>>, vector<1000x128xf32>,
    return
  }
  func.func @transform_0(%arg0: i32) -> (i32, i32) {
    %c0_i32 = arith.constant 0 : i32
    %c0_i32_0 = arith.constant 0 : i32
    return %arg0, %c0_i32 : i32, i32
  }
  func.func @transform_1(%arg0: i32) -> (i32, i32) {
    %add3A = arith.constant 10 : i32
    %add3A_0 = arith.addi %arg0, %add3A : i32
    %c0_i32 = arith.constant 0 : i32
    %c0_i32_1 = arith.constant 0 : i32
    return %add3A_0, %c0_i32 : i32, i32
  }
  func.func @transform_2(%arg0: i32) -> (i32, i32) {
    %c0_i32 = arith.constant 0 : i32
    %c0_i32_0 = arith.constant 0 : i32
    return %arg0, %c0_i32 : i32, i32
  }
  func.func @transform_3(%arg0: i32) -> (i32, i32) {
    %add3A = arith.constant 10 : i32
    %add3A_0 = arith.addi %arg0, %add3A : i32
    %c0_i32 = arith.constant 0 : i32
    %c0_i32_1 = arith.constant 0 : i32
    return %add3A_0, %c0_i32 : i32, i32
  }
  func.func @transform_4(%arg0: i32) -> (i32, i32) {
    %c0_i32 = arith.constant 0 : i32
    %c0_i32_0 = arith.constant 0 : i32
    return %arg0, %c0_i32 : i32, i32
  }
}

module attributes {stable_mosaic.version = 14 : i64} {
  func.func @_final_body(%arg0: i32, %arg1: memref<1000x128xf32, #tpu.memory_space<vmem>>, %arg2: memref<1000x128xf32, #tpu.memory_space<vmem>>, %arg3: memref<1000x128xf32, #tpu.memory_space<vmem>>, %arg4: memref<1000x128xf32, #tpu.memory_space<vmem>>, %arg5: memref<1x128xf32, #tpu.memory_space<vmem>>, %arg6: memref<1000x128xf32, #tpu.memory_space<vmem>>) attributes {dimension_semantics = [#tpu.dimension_semantics<arbitrary>], iteration_bounds = array<i64: 10>, scalar_prefetch = 0 : i64, scratch_operands = 0 : i64, tpu.core_type = #tpu.core_type<tc>, window_params = [{transform_indices = @transform_0, window_bounds = array<i64: 1000, 128>}, {transform_indices = @transform_1, window_bounds = array<i64: 1000, 128>}, {transform_indices = @transform_2, window_bounds = array<i64: 1000, 128>}, {transform_indices = @transform_3, window_bounds = array<i64: 1000, 128>}, {pipeline_mode = #tpu.pipeline_mode<synchronous>, transform_indices = @transform_4, window_bounds = array<i64: 1, 128>}, {transform_indices = @transform_5, window_bounds = array<i64: 1000, 128>}]} {
    %get3A = arith.constant 0 : index
    %get3A_0 = arith.constant 0 : index
    %get3A_1 = vector.load %arg3[%get3A, %get3A_0] : memref<1000x128xf32, #tpu.memory_space<vmem>>, vector<1000x128xf32>
    %get3A_2 = arith.constant 0 : index
    %get3A_3 = arith.constant 0 : index
    %get3A_4 = vector.load %arg4[%get3A_2, %get3A_3] : memref<1000x128xf32, #tpu.memory_space<vmem>>, vector<1000x128xf32>
    %add3A = arith.addf %get3A_1, %get3A_4 : vector<1000x128xf32>
    %get3A_5 = arith.constant 0 : index
    %get3A_6 = arith.constant 0 : index
    %get3A_7 = vector.load %arg1[%get3A_5, %get3A_6] : memref<1000x128xf32, #tpu.memory_space<vmem>>, vector<1000x1xf32>
    %get3A_8 = arith.constant 0 : index
    %get3A_9 = arith.constant 0 : index
    %get3A_10 = vector.load %arg2[%get3A_8, %get3A_9] : memref<1000x128xf32, #tpu.memory_space<vmem>>, vector<1000x1xf32>
    %add3A_11 = arith.addf %get3A_7, %get3A_10 : vector<1000x1xf32>
    %max3A = arith.constant 1.000000e+00 : f32
    %max3A_12 = vector.broadcast %max3A : f32 to vector<1000x1xf32>
    %max3A_13 = arith.maximumf %add3A_11, %max3A_12 : vector<1000x1xf32>
    %rsqrt3A = math.rsqrt %max3A_13 : vector<1000x1xf32>
    %mul3A = vector.broadcast %rsqrt3A : vector<1000x1xf32> to vector<1000x128xf32>
    %mul3A_14 = arith.mulf %add3A, %mul3A : vector<1000x128xf32>
    %get3A_15 = arith.constant 0 : index
    %get3A_16 = arith.constant 0 : index
    %get3A_17 = vector.load %arg5[%get3A_15, %get3A_16] : memref<1x128xf32, #tpu.memory_space<vmem>>, vector<1x128xf32>
    %add3A_18 = vector.broadcast %get3A_17 : vector<1x128xf32> to vector<1000x128xf32>
    %add3A_19 = arith.addf %mul3A_14, %add3A_18 : vector<1000x128xf32>
    %swap3A = arith.constant 0 : index
    %swap3A_20 = arith.constant 0 : index
    %swap3A_21 = vector.load %arg6[%swap3A, %swap3A_20] : memref<1000x128xf32, #tpu.memory_space<vmem>>, vector<1000x128xf32>
    tpu.vector_store %arg6[%swap3A, %swap3A_20], %add3A_19 {strides = array<i32>} : memref<1000x128xf32, #tpu.memory_space<vmem>>, vector<1000x128xf32>,
    return
  }
  func.func @transform_0(%arg0: i32) -> (i32, i32) {
    %c0_i32 = arith.constant 0 : i32
    %c0_i32_0 = arith.constant 0 : i32
    return %arg0, %c0_i32 : i32, i32
  }
  func.func @transform_1(%arg0: i32) -> (i32, i32) {
    %add3A = arith.constant 10 : i32
    %add3A_0 = arith.addi %arg0, %add3A : i32
    %c0_i32 = arith.constant 0 : i32
    %c0_i32_1 = arith.constant 0 : i32
    return %add3A_0, %c0_i32 : i32, i32
  }
  func.func @transform_2(%arg0: i32) -> (i32, i32) {
    %c0_i32 = arith.constant 0 : i32
    %c0_i32_0 = arith.constant 0 : i32
    return %arg0, %c0_i32 : i32, i32
  }
  func.func @transform_3(%arg0: i32) -> (i32, i32) {
    %add3A = arith.constant 10 : i32
    %add3A_0 = arith.addi %arg0, %add3A : i32
    %c0_i32 = arith.constant 0 : i32
    %c0_i32_1 = arith.constant 0 : i32
    return %add3A_0, %c0_i32 : i32, i32
  }
  func.func @transform_4(%arg0: i32) -> (i32, i32) {
    %c0_i32 = arith.constant 0 : i32
    %c0_i32_0 = arith.constant 0 : i32
    %c0_i32_1 = arith.constant 0 : i32
    return %c0_i32, %c0_i32_0 : i32, i32
  }
  func.func @transform_5(%arg0: i32) -> (i32, i32) {
    %c0_i32 = arith.constant 0 : i32
    %c0_i32_0 = arith.constant 0 : i32
    return %arg0, %c0_i32 : i32, i32
  }
}

</mosaic_0001>

<sc_bundles>
// kernel: kernel.12.cloned.1.call-start
scs
__scs_entry_jumppad:
0x0: {  	(pc) =	sbr.rel $0x88, $3  }
0x1: {  	(tag) =	ssettag $0x0;
	lr =	simm.s32 $0x1  }
0x2: {  	[smem:$0x3F9D] =	sst lr;
	_ =	strace $0xD0000000  }
0x3: {  	_ = 	snop  }
0x4: {  	_ = 	snop  }
0x5: {  	_ = 	snop  }
0x6: {  	_ = 	snop  }
0x7: {  	_ = 	snop  }
__scs_overlays_trampoline_lowered:
0x8: {  	[smem:$0x3FAC] =	sst s0  }
0x9: {  	[smem:$0x3FAD] =	sst s1  }
0xa: {  	[smem:$0x3FAE] =	sst s2  }
0xb: {  	[smem:$0x3FAF] =	sst s3  }
0xc: {  	[smem:$0x3FB0] =	sst s4  }
0xd: {  	[smem:$0x3FB1] =	sst s5  }
0xe: {  	[smem:$0x3FB2] =	sst s6  }
0xf: {  	[smem:$0x3FB3] =	sst s7  }
0x10: {  	[smem:$0x3FB4] =	sst s8  }
0x11: {  	[smem:$0x3FB5] =	sst s9;
	s0 =	simm.s32 @!p0 $0x0  }
0x12: {  	s1 =	sld [smem:$0x3F9B];
	s0 =	simm.s32 @p0 $0x1  }
0x13: {  	[smem:$0x3FB6] =	sst s0;
	s0 =	simm.s32 @!p1 $0x0  }
0x14: {  	s2 =	sld [smem:$0x3F9A];
	s0 =	simm.s32 @p1 $0x1  }
0x15: {  	[smem:$0x3FB7] =	sst s0;
	s0 =	simm.s32 @!p2 $0x0  }
0x16: {  	s3 =	sld [smem:$0x3FDB];
	s0 =	simm.s32 @p2 $0x1  }
0x17: {  	s4 =	simm.s32 $0x1BF5;
	[smem:$0x3FB9] =	sst s0  }
0x18: {  	s0 =	sld [smem:$0x3F9C];
	_ =	swait.ge [sflag:s4], $0x0  }
0x19: {  	s7 =	sld [smem:$0x3F9D]  }
0x1a: {  	s8 =	sadd.s32 $0xFFFFE003, lr  }
0x1b: {  	s9 =	sadd.s32 $0xFFFFFEF7, lr;
	s5 =	simm.s32 $0xFFFFFFFF;
	p2 =	slt.u32 s8, $0xFFFFF086  }
0x1c: {  	p1 =	slt.u32 s9, $0xF7A;
	s5 =	simm.s32 @!p2 $0x0  }
0x1d: {  	s5 =	simm.s32 @p1 $0x1;
	p0 =	seq.s32 s7, s2  }
0x1e: {  	s7 =	smul.u32 @!p0 $0xF7A, s2;
	p2 =	seq.s32 @!p0 s5, $0x0  }
0x1f: {  	s9 =	smul.u32 $0xF7A, s1;
	s8 =	simm.s32 @!p0 $0x1BF5;
	p2 =	por !p2, p0  }
0x20: {  	[sflag:s8] =	ssyncset.s32 @!p0 $0xFFFFF086;
	s6 =	sadd.s32 @!p0 s3, s7;
	s7 =	simm.s32 @!p0 $0x108  }
0x21: {  	s3 =	sadd.s32 s3, s9;
	s6 =	sadd.s32 @!p0 $0x88, s6;
	s7 =	simm.s32 @p2 $0x1082  }
0x22: {  	[simem:s7], [sflag:s8] =	dma.local @!p0 [hbm:s6], $0xF7A  }
0x23: {  	s9 =	sor.u32 $0xD0000000, s2;
	s6 =	simm.s32 $0x108;
	_ =	swait.ge @!p0 [sflag:s8], $0x0  }
0x24: {  	s3 =	sadd.s32 $0x88, s3;
	s6 =	simm.s32 @!p1 $0x1082;
	[sflag:s4] =	ssyncset.s32 $0xFFFFF086  }
0x25: {  	[simem:s6], [sflag:s4] =	dma.local [hbm:s3], $0xF7A  }
0x26: {  	[smem:$0x3F9D] =	sst s1;
	(tag) =	ssettag s2;
	_ =	strace s9  }
0x27: {  	s1 =	sld [smem:$0x3FAD]  }
0x28: {  	s2 =	sld [smem:$0x3FAE]  }
0x29: {  	s4 =	sld [smem:$0x3FB0]  }
0x2a: {  	p0 =	seq.s32 s5, $0x0;
	s5 =	sld [smem:$0x3FB1]  }
0x2b: {  	s6 =	sld [smem:$0x3FB2]  }
0x2c: {  	s7 =	sld [smem:$0x3FB3]  }
0x2d: {  	s3 =	simm.s32 $0x108;
	s8 =	sld [smem:$0x3FB4]  }
0x2e: {  	s3 =	simm.s32 @!p0 $0x1082;
	s9 =	sld [smem:$0x3FB5]  }
0x2f: {  	lr =	sadd.s32 s0, s3;
	s0 =	sld [smem:$0x3FAC]  }
0x30: {  	s3 =	sld [smem:$0x3FAF]  }
0x31: {  	[smem:$0x3FB8] =	sst s10  }
0x32: {  	s10 =	sld [smem:$0x3FB6];
	_ =	sdelay $0x3  }
0x33: {  	p0 =	seq.s32 s10, $0x1;
	s10 =	sld [smem:$0x3FB8];
	_ =	sdelay $0x3  }
0x34: {  	[smem:$0x3FB8] =	sst s10  }
0x35: {  	s10 =	sld [smem:$0x3FB7];
	_ =	sdelay $0x3  }
0x36: {  	p1 =	seq.s32 s10, $0x1;
	s10 =	sld [smem:$0x3FB8];
	_ =	sdelay $0x3  }
0x37: {  	[smem:$0x3FB8] =	sst s10  }
0x38: {  	s10 =	sld [smem:$0x3FB9]  }
0x39: {  	_ = 	snop;
	(pc) =	sbr.ind lr, $3  }
0x3a: {  	_ = 	snop  }
0x3b: {  	_ = 	snop  }
0x3c: {  	p2 =	seq.s32 s10, $0x1;
	s10 =	sld [smem:$0x3FB8]  }
0x3d: {  	_ =	shalt  }
0x3e: {  	_ =	shalt  }
0x3f: {  	_ =	shalt  }
0x40: {  	_ =	shalt  }
0x41: {  	_ =	shalt  }
0x42: {  	_ =	shalt  }
0x43: {  	_ =	shalt  }
0x44: {  	_ =	shalt  }
0x45: {  	_ =	shalt  }
0x46: {  	_ =	shalt  }
0x47: {  	_ =	shalt  }
0x48: {  	_ =	shalt  }
0x49: {  	_ =	shalt  }
0x4a: {  	_ =	shalt  }
0x4b: {  	_ =	shalt  }
0x4c: {  	_ =	shalt  }
0x4d: {  	_ =	shalt  }
0x4e: {  	_ =	shalt  }
0x4f: {  	_ =	shalt  }
0x50: {  	_ =	shalt  }
0x51: {  	_ =	shalt  }
0x52: {  	_ =	shalt  }
0x53: {  	_ =	shalt  }
0x54: {  	_ =	shalt  }
0x55: {  	_ =	shalt  }
0x56: {  	_ =	shalt  }
0x57: {  	_ =	shalt  }
0x58: {  	_ =	shalt  }
0x59: {  	_ =	shalt  }
0x5a: {  	_ =	shalt  }
0x5b: {  	_ =	shalt  }
0x5c: {  	_ =	shalt  }
0x5d: {  	_ =	shalt  }
0x5e: {  	_ =	shalt  }
0x5f: {  	_ =	shalt  }
0x60: {  	_ =	shalt  }
0x61: {  	_ =	shalt  }
0x62: {  	_ =	shalt  }
0x63: {  	_ =	shalt  }
0x64: {  	_ =	shalt  }
0x65: {  	_ =	shalt  }
0x66: {  	_ =	shalt  }
0x67: {  	_ =	shalt  }
0x68: {  	_ =	shalt  }
0x69: {  	_ =	shalt  }
0x6a: {  	_ =	shalt  }
0x6b: {  	_ =	shalt  }
0x6c: {  	_ =	shalt  }
0x6d: {  	_ =	shalt  }
0x6e: {  	_ =	shalt  }
0x6f: {  	_ =	shalt  }
0x70: {  	_ =	shalt  }
0x71: {  	_ =	shalt  }
0x72: {  	_ =	shalt  }
0x73: {  	_ =	shalt  }
0x74: {  	_ =	shalt  }
0x75: {  	_ =	shalt  }
0x76: {  	_ =	shalt  }
0x77: {  	_ =	shalt  }
0x78: {  	_ =	shalt  }
0x79: {  	_ =	shalt  }
0x7a: {  	_ =	shalt  }
0x7b: {  	_ =	shalt  }
0x7c: {  	_ =	shalt  }
0x7d: {  	_ =	shalt  }
0x7e: {  	_ =	shalt  }
0x7f: {  	_ =	shalt  }
0x80: {  	_ =	shalt  }
0x81: {  	_ =	shalt  }
0x82: {  	_ =	shalt  }
0x83: {  	_ =	shalt  }
0x84: {  	_ =	shalt  }
0x85: {  	_ =	shalt  }
0x86: {  	_ =	shalt  }
0x87: {  	_ =	shalt  }
.Lfunc_end0:
.L_simem_size_0:
called_computation.1_lowered:
.L_overlay_start_0:
0x88: {  	s2 =	sld [smem:$0x3FD9]  }
0x89: {  	s3 =	sld [smem:$0x3FFE];
	_ =	sdelay $0x1  }
0x8a: {  	s1 =	srdreg.scid  }
0x8b: {  	s0 =	sand.u32 $0x1, s1  }
0x8c: {  	s17 =	sshll.u32 s0, $0xA;
	s2 =	sadd.s32 s3, s2  }
0x8d: {  	s2 =	sadd.s32 s2, s17  }
0x8e: {  	[smem:$0x3FC4] =	sst s2  }
0x8f: {  	_ = 	snop  }
0x90: {  	s2 =	sld [smem:$0x3FD0];
	(tm) =	ssettm $0x1  }
0x91: {  	s18 =	sld [smem:$0x3FFB];
	_ =	sdelay $0x3  }
0x92: {  	_ =	strace s18  }
0x93: {  	s3 =	sld [smem:$0x3FFC];
	_ =	sdelay $0x3  }
0x94: {  	_ =	strace s3  }
0x95: {  	s3 =	sld [smem:$0x3FFD];
	_ =	sdelay $0x3  }
0x96: {  	_ =	strace s3  }
0x97: {  	_ =	strace $0x8FFFFFFF  }
0x98: {  	s19 =	sld [smem:$0x3FDB];
	_ =	sdelay $0x1  }
0x99: {  	s4 =	simm.s32 $_scs_section_size  }
0x9a: {  	s5 =	simm.s32 $_size__tile_overlayer_lowered;
	s6 =	simm.s32 $_tile_overlayer_lowered  }
0x9b: {  	s22 =	simm.s32 $0x1BFF;
	s21 =	sshll.u32 s6, $0x1;
	s3 =	sadd.s32 s4, s19  }
0x9c: {  	s7 =	simm.s32 $0x0;
	s20 =	sshll.u32 s5, $0x1;
	s5 =	sadd.s32 s21, s3  }
0x9d: {  	[timem:s7], [sflag:s22] =	dma.local [hbm:s5], s20  }
0x9e: {  	_ =	swait.ge [sflag:s22], s20  }
0x9f: {  	s4 =	ssub.s32 $0x0, s20;
	[sflag:s22] =	ssyncset.done $0x0  }
0xa0: {  	[sflag:s22] =	ssyncadd.s32 s4;
	_ =	sdelay $0x1  }
0xa1: {  	s23 =	simm.s32 $0x1B8B  }
0xa2: {  	_ =	swait.ge [sflag:s23], $0x1  }
0xa3: {  	[sflag:s23] =	ssyncset.done $0x0  }
0xa4: {  	s25 =	simm.s32 $0x1B8E;
	s24 =	sld [smem:$0x3FFE];
	[sflag:s23] =	ssyncadd.s32 $0xFFFFFFFF  }
0xa5: {  	s26 =	simm.s32 $execute0_lowered;
	[smem:$0x3FD2] =	sst s25  }
0xa6: {  	s5 =	sshll.u32 s26, $0x1;
	_ =	strace $0x80000049;
	[dreg:$0x1] =	wrdreg $0xFFFFFFFF  }
0xa7: {  	s28 =	simm.s32 $_size_execute0_lowered;
	s3 =	sadd.s32 s3, s5;
	[dreg:$0x0] =	wrdreg $0x0  }
0xa8: {  	s5 =	sshll.u32 s28, $0x1;
	[dreg:$0x2] =	wrdreg s3  }
0xa9: {  	[dreg:$0x3] =	wrdreg s5  }
0xaa: {  	[dreg:$0x4] =	wrdreg $0xC0  }
0xab: {  	_ =	task [dreg:s7], $0x5FFFF  }
0xac: {  	[dreg:$0x1] =	wrdreg $0xFFFFFFFF  }
0xad: {  	[dreg:$0x0] =	wrdreg $0x60  }
0xae: {  	[dreg:$0x2] =	wrdreg s2  }
0xaf: {  	[dreg:$0x3] =	wrdreg s24  }
0xb0: {  	[dreg:$0x4] =	wrdreg $0x0  }
0xb1: {  	[dreg:$0x5] =	wrdreg $0x9  }
0xb2: {  	_ =	task.clear_ibuf [dreg:s7], $0x6FFFF;
	_ =	strace $0x90000049  }
0xb3: {  	s29 =	simm.s32 $0x9;
	_ =	strace $0x8000004B  }
0xb4: {  	_ =	swait.ge [sflag:s29], $0x1  }
0xb5: {  	[sflag:s29] =	ssyncadd.s32 $0xFFFFFFFF  }
0xb6: {  	_ =	strace $0x9000004B  }
0xb7: {  	_ =	sfence  }
0xb8: {  	s30 =	sld [smem:$0x0];
	_ =	sdelay $0x2  }
0xb9: {  	s31 =	sshll.u32 s1, $0xD;
	s1 =	sshrl.u32 s1, $0x2  }
0xba: {  	s3 =	sand.u32 $0x4000, s31;
	s1 =	sadd.s32 s1, s30  }
0xbb: {  	s0 =	sor.u32 s3, s0;
	s1 =	sshll.u32 s1, $0x11  }
0xbc: {  	s0 =	sor.u32 s1, s0  }
0xbd: {  	s0 =	sadd.s32 $0x8F2B, s0  }
0xbe: {  	[sflag:s0] =	ssyncadd.remote.s32 $0x1  }
0xbf: {  	_ =	sfence.sel $0xFFFF  }
0xc0: {  	[dreg:$0x0] =	wrdreg $0xFFFFFFFF;
	(pc) =	sbr.abs _section_cstart, $3  }
0xc1: {  	[dreg:$0x1] =	wrdreg $0xFFFFFFFF  }
0xc2: {  	_ =	task.clear_ibuf [dreg:s7], $0x2FFFF;
	_ =	strace $0x9FFFFFFF  }
0xc3: {  	(tm) =	ssettm $0x7FFFFFFF  }
tec
execute0_lowered:
.L_overlay_start_1:
0x0: {  	(tag) =	ssettag $0x1  }
0x1: {  	s1 =	rddreg [dreg:$0x0]  }
0x2: {  	s0 =	rddreg [dreg:$0x1]  }
0x3: {  	s2 =	rddreg [dreg:$0x2]  }
0x4: {  	s3 =	simm.s32 $0x0;
	s4 =	srdreg.scid;
	s14 =	stileid.u32  }
0x5: {  	s28 =	simm.s32 $0x80;
	s29 =	simm.s32 $0x13E80;
	s30 =	simm.s32 $0x2  }
0x6: {  	s31 =	simm.s32 $0x17E80;
	[smem:$0x7FF] =	sst s3;
	s26 =	smul.u32 $0x2780, s14  }
0x7: {  	s4 =	sand.u32 $0x1, s4;
	s5 =	sadd.s32 $0xBA00, s0;
	s12 =	smul.u32 $0x4F000, s14  }
0x8: {  	s25 =	sadd.s32 $0x15A00, s0;
	s23 =	smul.u32 $0x500, s14;
	s24 =	sadd.s32 $0x128400, s2  }
0x9: {  	p0 =	seq.s32 s14, $0xF;
	_ =	strace $0x8000004A;
	s6 =	sshll.u32 s4, $0x4  }
0xa: {  	s8 =	ssub.s32 $0x2, s4;
	[dreg:$0x4] =	wrdreg s25;
	s18 =	smul.u32 $0x27100, s4  }
0xb: {  	[dreg:$0xc] =	wrdreg s24;
	s24 =	simm.s32 $0x13B80;
	s7 =	sor.u32 s14, s6  }
0xc: {  	s6 =	sadd.s32 $0x1A00, s0;
	s9 =	sshrl.u32 s8, $0x1;
	s0 =	sadd.s32 $0x18200, s0  }
0xd: {  	s12 =	sshrl.u32 s12, $0x2;
	s14 =	simm.s32 $0x0;
	s10 =	smul.u32 $0x500, s7  }
0xe: {  	s8 =	ssub.s32 s8, s9;
	s21 =	sadd.s32 s12, s2;
	s9 =	sadd.s32 s26, s18  }
0xf: {  	s12 =	simm.s32 $0x8;
	[dreg:$0xb] =	wrdreg s21;
	s25 =	sadd.s32 s0, s9  }
0x10: {  	s26 =	smax.u32 s8, $0x1;
	s21 =	simm.s32 $0x13C80;
	s8 =	simm.s32 $0x13E00  }
0x11: {  	s9 =	simm.s32 $0x7;
	s13 =	sadd.s32 s5, s10;
	[dreg:$0xd] =	wrdreg s25  }
0x12: {  	s11 =	sor.u32 $0x10, s10;
	s15 =	sadd.s32 s6, s10;
	[dreg:$0xf] =	wrdreg s26  }
0x13: {  	s10 =	sor.u32 $0x20, s10;
	s25 =	simm.s32 $0x13D80;
	[dreg:$0x5] =	wrdreg s13  }
0x14: {  	[dreg:$0x6] =	wrdreg s15;
	s16 =	sadd.s32 s5, s11;
	s17 =	sadd.s32 s6, s11  }
0x15: {  	s19 =	sadd.s32 s5, s10;
	s13 =	smul.u32 $0x138800, s4;
	[dreg:$0x7] =	wrdreg s16  }
0x16: {  	s20 =	sadd.s32 s6, s10;
	s4 =	smul.u32 $0x5000, s4;
	[dreg:$0x8] =	wrdreg s17  }
.Ltmp0:
0x17: {  	s10 =	simm.s32 $0x3;
	[dreg:$0x9] =	wrdreg s19;
	(pc) =	sbr.rel .LBB2_1-.Ltmp0, $4  }
0x18: {  	s11 =	simm.s32 $0x6;
	[dreg:$0xa] =	wrdreg s20;
	s22 =	sshrl.u32 s13, $0x3  }
0x19: {  	s19 =	sadd.s32 s23, s4;
	s23 =	simm.s32 $0x13D00;
	s0 =	sadd.s32 s0, s22  }
0x1a: {  	s4 =	simm.s32 $0x13C00;
	s13 =	simm.s32 $0x4;
	s0 =	sadd.s32 $0x25080, s0  }
0x1b: {  	s22 =	simm.s32 $0x13B00;
	[dreg:$0xe] =	wrdreg s0;
	s0 =	simm.s32 $0x5  }
.LBB2_4:
0x1c: {  	_ =	swait.ge [sflag:s12], $0x4000  }
0x1d: {  	[sflag:s12] =	ssyncset.done $0x0  }
0x1e: {  	[sflag:s12] =	ssyncadd.s32 $0xFFFFC000  }
0x1f: {  	[bflag:$0x0] =	sbarrier.arrive $0xFFFF  }
0x20: {  	s15 =	rddreg [dreg:$0xe]  }
0x21: {  	s7 =	simm.s32 @p0 $0x1FC9;
	s18 =	rddreg [dreg:$0x10]  }
0x22: {  	[hbm:s15], [sflag:s7] =	dma.local @p0 [spmem:s18], $0x2080  }
0x23: {  	s7 =	simm.s32 @p0 $0x9  }
0x24: {  	_ =	swait.ge @p0 [sflag:s7], $0x2080  }
0x25: {  	[sflag:s7] =	ssyncset.done @p0 $0x0  }
0x26: {  	[sflag:s7] =	ssyncadd.s32 @p0 $0xFFFFDF80;
	s7 =	rddreg [dreg:$0xd]  }
0x27: {  	[hbm:s7], [sflag:s16] =	dma.local @!p0 [spmem:s17], $0x2780  }
0x28: {  	s7 =	simm.s32 @!p0 $0x9  }
0x29: {  	_ =	swait.ge @!p0 [sflag:s7], $0x2780  }
0x2a: {  	s14 =	sadd.s32 $0x1, s14;
	s26 =	rddreg [dreg:$0xf]  }
0x2b: {  	p1 =	sne.s32 s14, s26  }
.Ltmp1:
0x2c: {  	_ = 	snop;
	(pc) =	sbr.rel @!p1 .LBB2_5-.Ltmp1, $3  }
0x2d: {  	_ =	sdelay $0x1  }
0x2e: {  	[sflag:s7] =	ssyncset.done @!p0 $0x0  }
0x2f: {  	[sflag:s7] =	ssyncadd.s32 @!p0 $0xFFFFD880  }
.LBB2_1:
0x30: {  	s7 =	rddreg [dreg:$0x5]  }
0x31: {  	s26 =	rddreg [dreg:$0x6]  }
0x32: {  	s15 =	rddreg [dreg:$0x7]  }
0x33: {  	s18 =	simm.s32 $0x13A80;
	s16 =	rddreg [dreg:$0x8]  }
0x34: {  	[tilespmem:s18], [sflag:$0x1] =	stream.linear.gather [hbm4b:s7+s3], $0x80, $0x38;
	[tilespmem:$0x1BE80] =	vst v63  }
0x35: {  	s17 =	rddreg [dreg:$0x9]  }
0x36: {  	[tilespmem:s21], [sflag:$0x1] =	stream.linear.gather [hbm4b:s26+s3], $0x80, $0x38;
	[tilespmem:$0x1BE80] =	vst v63  }
0x37: {  	s7 =	rddreg [dreg:$0xc]  }
0x38: {  	[tilespmem:s22], [sflag:$0x2] =	stream.linear.gather [hbm4b:s15+s3], $0x80, $0x38;
	[tilespmem:$0x1BE80] =	vst v63  }
0x39: {  	s20 =	rddreg [dreg:$0xa];
	s7 =	sshrl.u32 @p0 s7, $0x3  }
0x3a: {  	[tilespmem:s23], [sflag:$0x2] =	stream.linear.gather [hbm4b:s16+s3], $0x80, $0x38;
	[tilespmem:$0x1BE80] =	vst v63  }
0x3b: {  	[dreg:$0x10] =	wrdreg s7  }
0x3c: {  	[tilespmem:s24], [sflag:$0x3] =	stream.linear.gather [hbm4b:s17+s3], $0x80, $0x38;
	[tilespmem:$0x1BE80] =	vst v63  }
0x3d: {  	s15 =	rddreg [dreg:$0x4];
	s16 =	simm.s32 @p0 $0x1FC9  }
0x3e: {  	[tilespmem:s25], [sflag:$0x3] =	stream.linear.gather [hbm4b:s20+s3], $0x80, $0x38;
	[tilespmem:$0x1BE80] =	vst v63  }
0x3f: {  	[spmem:s7], [sflag:s16] =	dma.local @p0 [hbm:s15], $0x2480  }
0x40: {  	s16 =	simm.s32 @p0 $0x9  }
0x41: {  	s20 =	simm.s32 @!p0 $0x9;
	s7 =	stileid.u32;
	_ =	swait.ge @p0 [sflag:s16], $0x2480  }
0x42: {  	s17 =	sshll.u32 @!p0 s7, $0x6;
	[sflag:s16] =	ssyncset.done @p0 $0x0;
	s7 =	rddreg [dreg:$0xb]  }
0x43: {  	[sflag:s16] =	ssyncadd.s32 @p0 $0xFFFFDB80;
	s16 =	sor.u32 @!p0 $0x1C09, s17;
	s17 =	sshrl.u32 @!p0 s7, $0x3  }
0x44: {  	[spmem:s17], [sflag:s16] =	dma.local @!p0 [hbm:s15], $0x2780  }
0x45: {  	_ =	swait.ge @!p0 [sflag:s20], $0x2780  }
0x46: {  	[sflag:s20] =	ssyncset.done @!p0 $0x0  }
0x47: {  	[sflag:s20] =	ssyncadd.s32 @!p0 $0xFFFFD880  }
0x48: {  	s26 =	simm.s32 $0x1;
	[bflag:$0x0] =	sbarrier.arrive $0xFFFF  }
0x49: {  	_ =	swait.ge [sflag:s26], $0x80  }
0x4a: {  	[sflag:s26] =	ssyncset.done $0x0  }
0x4b: {  	[sflag:s26] =	ssyncadd.s32 $0xFFFFFF80  }
0x4c: {  	_ =	swait.ge [sflag:s26], $0x80  }
0x4d: {  	[sflag:s26] =	ssyncset.done $0x0  }
0x4e: {  	s20 =	simm.s32 $0x0;
	[sflag:s26] =	ssyncadd.s32 $0xFFFFFF80  }
0x4f: {  	[tilespmem:s29], [sflag:$0x5] =	stream.indirect.gather [hbm4b:s1+s28], $0x80, s18, s28, $0xb8;
	[tilespmem:$0x1BE80] =	vst v63  }
.LBB2_2:
0x50: {  	p1 =	seq.s32 s20, $0x0  }
0x51: {  	s18 =	simm.s32 @!p1 $0x8  }
0x52: {  	_ =	swait.ge @!p1 [sflag:s18], $0x4000  }
0x53: {  	[sflag:s18] =	ssyncset.done @!p1 $0x0  }
0x54: {  	[sflag:s18] =	ssyncadd.s32 @!p1 $0xFFFFC000  }
0x55: {  	_ =	swait.ge [sflag:s30], $0x80  }
0x56: {  	[sflag:s30] =	ssyncset.done $0x0  }
0x57: {  	[sflag:s30] =	ssyncadd.s32 $0xFFFFFF80  }
0x58: {  	_ =	swait.ge [sflag:s30], $0x80  }
0x59: {  	[sflag:s30] =	ssyncset.done $0x0  }
0x5a: {  	s15 =	sadd.s32 s20, s19;
	[sflag:s30] =	ssyncadd.s32 $0xFFFFFF80  }
0x5b: {  	[tilespmem:s31], [sflag:$0x6] =	stream.indirect.gather [hbm4b:s1+s28], $0x80, s22, s28, $0xb8;
	[tilespmem:$0x1BE80] =	vst v63  }
0x5c: {  	s7 =	sand.u32 $0x40, s20;
	s18 =	sand.u32 $0xFFFFF80, s15;
	_ =	swait.ge [sflag:s0], $0x4000  }
0x5d: {  	s7 =	sor.u32 s18, s7;
	[sflag:s0] =	ssyncset.done $0x0  }
0x5e: {  	s7 =	sor.u32 $0x30, s7;
	[sflag:s0] =	ssyncadd.s32 $0xFFFFC000  }
0x5f: {  	[spmem:s2] =	stream.indirect.scatter.add.f32 [tilespmem:s29], [sflag:$0x7], $0x80, s21, s28, $0xb8;
	[tilespmem:$0x1BE80] =	vst v63  }
0x60: {  	s26 =	sadd.s32 s5, s7  }
0x61: {  	[tilespmem:s4], [sflag:$0x4] =	stream.linear.gather [hbm4b:s26+s3], $0x80, $0x38;
	[tilespmem:$0x1BE80] =	vst v63  }
0x62: {  	s7 =	sadd.s32 s6, s7  }
0x63: {  	[tilespmem:s8], [sflag:$0x4] =	stream.linear.gather [hbm4b:s7+s3], $0x80, $0x38;
	[tilespmem:$0x1BE80] =	vst v63  }
0x64: {  	_ =	swait.ge [sflag:s9], $0x4000  }
0x65: {  	[sflag:s9] =	ssyncset.done $0x0  }
0x66: {  	[sflag:s9] =	ssyncadd.s32 $0xFFFFC000  }
0x67: {  	_ =	swait.ge [sflag:s10], $0x80  }
0x68: {  	[sflag:s10] =	ssyncset.done $0x0  }
0x69: {  	[sflag:s10] =	ssyncadd.s32 $0xFFFFFF80  }
0x6a: {  	_ =	swait.ge [sflag:s10], $0x80  }
0x6b: {  	p1 =	seq.s32 s20, $0x4C0;
	[sflag:s10] =	ssyncset.done $0x0  }
0x6c: {  	s7 =	sadd.s32 @!p1 s20, s19;
	[sflag:s10] =	ssyncadd.s32 $0xFFFFFF80  }
0x6d: {  	[tilespmem:s29], [sflag:$0x5] =	stream.indirect.gather [hbm4b:s1+s28], $0x80, s24, s28, $0xb8;
	[tilespmem:$0x1BE80] =	vst v63  }
0x6e: {  	s18 =	sxor.u32 @!p1 $0xFFFFFFFF, s20;
	s7 =	sadd.s32 @!p1 $0x40, s7;
	_ =	swait.ge [sflag:s11], $0x4000  }
0x6f: {  	s18 =	sand.u32 @!p1 $0x40, s18;
	s7 =	sand.u32 @!p1 $0xFFFFF80, s7;
	[sflag:s11] =	ssyncset.done $0x0  }
0x70: {  	s7 =	sor.u32 @!p1 s18, s7;
	[sflag:s11] =	ssyncadd.s32 $0xFFFFC000  }
0x71: {  	[spmem:s2] =	stream.indirect.scatter.add.f32 [tilespmem:s31], [sflag:$0x8], $0x80, s23, s28, $0xb8;
	[tilespmem:$0x1BE80] =	vst v63  }
0x72: {  	s15 =	simm.s32 @!p1 $0x13A80;
	s26 =	simm.s32 @!p1 $0x0;
	s18 =	sadd.s32 @!p1 s5, s7  }
0x73: {  	[tilespmem:s15], [sflag:$0x1] =	stream.linear.gather @!p1 [hbm4b:s18+s26], $0x80, $0x38;
	[tilespmem:$0x1BE80] =	vst v63  }
0x74: {  	s7 =	sadd.s32 @!p1 s6, s7;
	s15 =	simm.s32 @!p1 $0x13C80  }
0x75: {  	[tilespmem:s15], [sflag:$0x1] =	stream.linear.gather @!p1 [hbm4b:s7+s26], $0x80, $0x38;
	[tilespmem:$0x1BE80] =	vst v63  }
0x76: {  	_ =	swait.ge [sflag:s12], $0x4000  }
0x77: {  	[sflag:s12] =	ssyncset.done $0x0  }
0x78: {  	[sflag:s12] =	ssyncadd.s32 $0xFFFFC000  }
0x79: {  	_ =	swait.ge [sflag:s13], $0x80  }
0x7a: {  	[sflag:s13] =	ssyncset.done $0x0  }
0x7b: {  	[sflag:s13] =	ssyncadd.s32 $0xFFFFFF80  }
0x7c: {  	_ =	swait.ge [sflag:s13], $0x80  }
0x7d: {  	p2 =	sne.s32 s20, $0x4C0;
	[sflag:s13] =	ssyncset.done $0x0  }
0x7e: {  	s7 =	sadd.s32 @p2 $0x50, s20;
	[sflag:s13] =	ssyncadd.s32 $0xFFFFFF80  }
0x7f: {  	[tilespmem:s31], [sflag:$0x6] =	stream.indirect.gather [hbm4b:s1+s28], $0x80, s4, s28, $0xb8;
	[tilespmem:$0x1BE80] =	vst v63  }
0x80: {  	s15 =	sadd.s32 @p2 s19, s7;
	_ =	swait.ge [sflag:s0], $0x4000  }
0x81: {  	s7 =	sand.u32 @p2 $0x50, s7;
	s15 =	sand.u32 @p2 $0xFFFFF80, s15;
	[sflag:s0] =	ssyncset.done $0x0  }
0x82: {  	s7 =	sor.u32 @p2 s7, s15;
	[sflag:s0] =	ssyncadd.s32 $0xFFFFC000  }
0x83: {  	[spmem:s2] =	stream.indirect.scatter.add.f32 [tilespmem:s29], [sflag:$0x7], $0x80, s25, s28, $0xb8;
	[tilespmem:$0x1BE80] =	vst v63  }
0x84: {  	s18 =	simm.s32 @p2 $0x0;
	s26 =	simm.s32 @p2 $0x13B00;
	s15 =	sadd.s32 @p2 s5, s7  }
0x85: {  	[tilespmem:s26], [sflag:$0x2] =	stream.linear.gather @p2 [hbm4b:s15+s18], $0x80, $0x38;
	[tilespmem:$0x1BE80] =	vst v63  }
0x86: {  	s7 =	sadd.s32 @p2 s6, s7;
	s15 =	simm.s32 @p2 $0x13D00  }
0x87: {  	[tilespmem:s15], [sflag:$0x2] =	stream.linear.gather @p2 [hbm4b:s7+s18], $0x80, $0x38;
	[tilespmem:$0x1BE80] =	vst v63  }
0x88: {  	s7 =	simm.s32 @p2 $0x7  }
0x89: {  	_ =	swait.ge @p2 [sflag:s7], $0x4000  }
0x8a: {  	[sflag:s7] =	ssyncset.done @p2 $0x0  }
0x8b: {  	[sflag:s7] =	ssyncadd.s32 @p2 $0xFFFFC000;
	s7 =	simm.s32 @p2 $0x1  }
0x8c: {  	_ =	swait.ge @p2 [sflag:s7], $0x80  }
0x8d: {  	[sflag:s7] =	ssyncset.done @p2 $0x0  }
0x8e: {  	[sflag:s7] =	ssyncadd.s32 @p2 $0xFFFFFF80  }
0x8f: {  	_ =	swait.ge @p2 [sflag:s7], $0x80  }
0x90: {  	s15 =	simm.s32 @p2 $0x13A80;
	[sflag:s7] =	ssyncset.done @p2 $0x0  }
0x91: {  	s18 =	simm.s32 @p2 $0x13E80;
	[sflag:s7] =	ssyncadd.s32 @p2 $0xFFFFFF80;
	s7 =	simm.s32 @p2 $0x80  }
0x92: {  	[tilespmem:s18], [sflag:$0x5] =	stream.indirect.gather @p2 [hbm4b:s1+s7], $0x80, s15, s7, $0xb8;
	[tilespmem:$0x1BE80] =	vst v63  }
0x93: {  	s7 =	simm.s32 @!p2 $0x7  }
0x94: {  	_ =	swait.ge @!p2 [sflag:s7], $0x4000  }
0x95: {  	[sflag:s7] =	ssyncset.done @!p2 $0x0  }
.Ltmp2:
0x96: {  	[sflag:s7] =	ssyncadd.s32 @!p2 $0xFFFFC000;
	(pc) =	sbr.rel @p1 .LBB2_4-.Ltmp2, $4  }
0x97: {  	_ =	swait.ge [sflag:s11], $0x4000  }
0x98: {  	[sflag:s11] =	ssyncset.done $0x0  }
0x99: {  	[sflag:s11] =	ssyncadd.s32 $0xFFFFC000  }
0x9a: {  	[spmem:s2] =	stream.indirect.scatter.add.f32 [tilespmem:s31], [sflag:$0x8], $0x80, s8, s28, $0xb8;
	[tilespmem:$0x1BE80] =	vst v63  }
0x9b: {  	s7 =	sadd.s32 $0x60, s20  }
0x9c: {  	s15 =	sadd.s32 s19, s7  }
0x9d: {  	s7 =	sand.u32 $0x60, s7;
	s15 =	sand.u32 $0xFFFFF80, s15  }
.Ltmp3:
0x9e: {  	s7 =	sor.u32 s7, s15;
	(pc) =	sbr.rel .LBB2_2-.Ltmp3, $4  }
0x9f: {  	s15 =	sadd.s32 s5, s7  }
0xa0: {  	[tilespmem:s24], [sflag:$0x3] =	stream.linear.gather [hbm4b:s15+s3], $0x80, $0x38;
	[tilespmem:$0x1BE80] =	vst v63  }
0xa1: {  	s20 =	sadd.s32 $0x40, s20;
	s7 =	sadd.s32 s6, s7  }
0xa2: {  	[tilespmem:s25], [sflag:$0x3] =	stream.linear.gather [hbm4b:s7+s3], $0x80, $0x38;
	[tilespmem:$0x1BE80] =	vst v63  }
.LBB2_5:
0xa3: {  	_ =	sfence.sel $0x180000  }
0xa4: {  	[bflag:$0x0] =	sbarrier.arrive $0xFFFF  }
0xa5: {  	_ =	strace $0x9000004A  }
0xa6: {  	s0 =	stileid.u32;
	[bflag:$0x2] =	sbarrier.arrive $0xFFFF  }
0xa7: {  	p0 =	sne.s32 s0, $0x0;
	s0 =	rddreg [dreg:$0x3]  }
0xa8: {  	s0 =	sadd.s32 @!p0 $0x100000, s0  }
0xa9: {  	[sflag:s0] =	ssyncadd.tile.s32 @!p0 $0x1;
	_ =	shalt  }
.Lfunc_end2:
_tile_overlayer_lowered:
.L_overlay_start_2:
0xaa: {  	(tag) =	ssettag $0x2  }
0xab: {  	s0 =	rddreg [dreg:$0x0];
	s2 =	stileid.u32  }
0xac: {  	s1 =	rddreg [dreg:$0x1];
	p0 =	sne.s32 s2, $0x0  }
0xad: {  	s3 =	rddreg [dreg:$0x2];
	[bflag:$0x3] =	sbarrier.arrive $0xFFFF;
	s2 =	simm.s32 @!p0 $0x1C09  }
0xae: {  	[timem:s3], [sflag:s2] =	dma.local @!p0 [hbm:s0], s1  }
0xaf: {  	s0 =	simm.s32 @!p0 $0x9  }
0xb0: {  	_ =	swait.ge @!p0 [sflag:s0], s1  }
0xb1: {  	s1 =	ssub.s32 @!p0 $0x0, s1;
	[sflag:s0] =	ssyncset.done @!p0 $0x0  }
0xb2: {  	[sflag:s0] =	ssyncadd.s32 @!p0 s1  }
0xb3: {  	[bflag:$0x3] =	sbarrier.arrive $0xFFFF  }
0xb4: {  	_ =	shalt  }

// kernel: kernel.15.cloned.1.call-start
scs
__scs_entry_jumppad:
0x0: {  	(pc) =	sbr.rel $0x88, $3  }
0x1: {  	(tag) =	ssettag $0x0;
	lr =	simm.s32 $0x1  }
0x2: {  	[smem:$0x3F9D] =	sst lr;
	_ =	strace $0xD0000000  }
0x3: {  	_ = 	snop  }
0x4: {  	_ = 	snop  }
0x5: {  	_ = 	snop  }
0x6: {  	_ = 	snop  }
0x7: {  	_ = 	snop  }
__scs_overlays_trampoline_lowered:
0x8: {  	[smem:$0x3FAC] =	sst s0  }
0x9: {  	[smem:$0x3FAD] =	sst s1  }
0xa: {  	[smem:$0x3FAE] =	sst s2  }
0xb: {  	[smem:$0x3FAF] =	sst s3  }
0xc: {  	[smem:$0x3FB0] =	sst s4  }
0xd: {  	[smem:$0x3FB1] =	sst s5  }
0xe: {  	[smem:$0x3FB2] =	sst s6  }
0xf: {  	[smem:$0x3FB3] =	sst s7  }
0x10: {  	[smem:$0x3FB4] =	sst s8  }
0x11: {  	[smem:$0x3FB5] =	sst s9;
	s0 =	simm.s32 @!p0 $0x0  }
0x12: {  	s1 =	sld [smem:$0x3F9B];
	s0 =	simm.s32 @p0 $0x1  }
0x13: {  	[smem:$0x3FB6] =	sst s0;
	s0 =	simm.s32 @!p1 $0x0  }
0x14: {  	s2 =	sld [smem:$0x3F9A];
	s0 =	simm.s32 @p1 $0x1  }
0x15: {  	[smem:$0x3FB7] =	sst s0;
	s0 =	simm.s32 @!p2 $0x0  }
0x16: {  	s3 =	sld [smem:$0x3FDB];
	s0 =	simm.s32 @p2 $0x1  }
0x17: {  	s4 =	simm.s32 $0x1BF5;
	[smem:$0x3FB9] =	sst s0  }
0x18: {  	s0 =	sld [smem:$0x3F9C];
	_ =	swait.ge [sflag:s4], $0x0  }
0x19: {  	s7 =	sld [smem:$0x3F9D]  }
0x1a: {  	s8 =	sadd.s32 $0xFFFFE003, lr  }
0x1b: {  	s9 =	sadd.s32 $0xFFFFFEF7, lr;
	s5 =	simm.s32 $0xFFFFFFFF;
	p2 =	slt.u32 s8, $0xFFFFF086  }
0x1c: {  	p1 =	slt.u32 s9, $0xF7A;
	s5 =	simm.s32 @!p2 $0x0  }
0x1d: {  	s5 =	simm.s32 @p1 $0x1;
	p0 =	seq.s32 s7, s2  }
0x1e: {  	s7 =	smul.u32 @!p0 $0xF7A, s2;
	p2 =	seq.s32 @!p0 s5, $0x0  }
0x1f: {  	s9 =	smul.u32 $0xF7A, s1;
	s8 =	simm.s32 @!p0 $0x1BF5;
	p2 =	por !p2, p0  }
0x20: {  	[sflag:s8] =	ssyncset.s32 @!p0 $0xFFFFF086;
	s6 =	sadd.s32 @!p0 s3, s7;
	s7 =	simm.s32 @!p0 $0x108  }
0x21: {  	s3 =	sadd.s32 s3, s9;
	s6 =	sadd.s32 @!p0 $0x88, s6;
	s7 =	simm.s32 @p2 $0x1082  }
0x22: {  	[simem:s7], [sflag:s8] =	dma.local @!p0 [hbm:s6], $0xF7A  }
0x23: {  	s9 =	sor.u32 $0xD0000000, s2;
	s6 =	simm.s32 $0x108;
	_ =	swait.ge @!p0 [sflag:s8], $0x0  }
0x24: {  	s3 =	sadd.s32 $0x88, s3;
	s6 =	simm.s32 @!p1 $0x1082;
	[sflag:s4] =	ssyncset.s32 $0xFFFFF086  }
0x25: {  	[simem:s6], [sflag:s4] =	dma.local [hbm:s3], $0xF7A  }
0x26: {  	[smem:$0x3F9D] =	sst s1;
	(tag) =	ssettag s2;
	_ =	strace s9  }
0x27: {  	s1 =	sld [smem:$0x3FAD]  }
0x28: {  	s2 =	sld [smem:$0x3FAE]  }
0x29: {  	s4 =	sld [smem:$0x3FB0]  }
0x2a: {  	p0 =	seq.s32 s5, $0x0;
	s5 =	sld [smem:$0x3FB1]  }
0x2b: {  	s6 =	sld [smem:$0x3FB2]  }
0x2c: {  	s7 =	sld [smem:$0x3FB3]  }
0x2d: {  	s3 =	simm.s32 $0x108;
	s8 =	sld [smem:$0x3FB4]  }
0x2e: {  	s3 =	simm.s32 @!p0 $0x1082;
	s9 =	sld [smem:$0x3FB5]  }
0x2f: {  	lr =	sadd.s32 s0, s3;
	s0 =	sld [smem:$0x3FAC]  }
0x30: {  	s3 =	sld [smem:$0x3FAF]  }
0x31: {  	[smem:$0x3FB8] =	sst s10  }
0x32: {  	s10 =	sld [smem:$0x3FB6];
	_ =	sdelay $0x3  }
0x33: {  	p0 =	seq.s32 s10, $0x1;
	s10 =	sld [smem:$0x3FB8];
	_ =	sdelay $0x3  }
0x34: {  	[smem:$0x3FB8] =	sst s10  }
0x35: {  	s10 =	sld [smem:$0x3FB7];
	_ =	sdelay $0x3  }
0x36: {  	p1 =	seq.s32 s10, $0x1;
	s10 =	sld [smem:$0x3FB8];
	_ =	sdelay $0x3  }
0x37: {  	[smem:$0x3FB8] =	sst s10  }
0x38: {  	s10 =	sld [smem:$0x3FB9]  }
0x39: {  	_ = 	snop;
	(pc) =	sbr.ind lr, $3  }
0x3a: {  	_ = 	snop  }
0x3b: {  	_ = 	snop  }
0x3c: {  	p2 =	seq.s32 s10, $0x1;
	s10 =	sld [smem:$0x3FB8]  }
0x3d: {  	_ =	shalt  }
0x3e: {  	_ =	shalt  }
0x3f: {  	_ =	shalt  }
0x40: {  	_ =	shalt  }
0x41: {  	_ =	shalt  }
0x42: {  	_ =	shalt  }
0x43: {  	_ =	shalt  }
0x44: {  	_ =	shalt  }
0x45: {  	_ =	shalt  }
0x46: {  	_ =	shalt  }
0x47: {  	_ =	shalt  }
0x48: {  	_ =	shalt  }
0x49: {  	_ =	shalt  }
0x4a: {  	_ =	shalt  }
0x4b: {  	_ =	shalt  }
0x4c: {  	_ =	shalt  }
0x4d: {  	_ =	shalt  }
0x4e: {  	_ =	shalt  }
0x4f: {  	_ =	shalt  }
0x50: {  	_ =	shalt  }
0x51: {  	_ =	shalt  }
0x52: {  	_ =	shalt  }
0x53: {  	_ =	shalt  }
0x54: {  	_ =	shalt  }
0x55: {  	_ =	shalt  }
0x56: {  	_ =	shalt  }
0x57: {  	_ =	shalt  }
0x58: {  	_ =	shalt  }
0x59: {  	_ =	shalt  }
0x5a: {  	_ =	shalt  }
0x5b: {  	_ =	shalt  }
0x5c: {  	_ =	shalt  }
0x5d: {  	_ =	shalt  }
0x5e: {  	_ =	shalt  }
0x5f: {  	_ =	shalt  }
0x60: {  	_ =	shalt  }
0x61: {  	_ =	shalt  }
0x62: {  	_ =	shalt  }
0x63: {  	_ =	shalt  }
0x64: {  	_ =	shalt  }
0x65: {  	_ =	shalt  }
0x66: {  	_ =	shalt  }
0x67: {  	_ =	shalt  }
0x68: {  	_ =	shalt  }
0x69: {  	_ =	shalt  }
0x6a: {  	_ =	shalt  }
0x6b: {  	_ =	shalt  }
0x6c: {  	_ =	shalt  }
0x6d: {  	_ =	shalt  }
0x6e: {  	_ =	shalt  }
0x6f: {  	_ =	shalt  }
0x70: {  	_ =	shalt  }
0x71: {  	_ =	shalt  }
0x72: {  	_ =	shalt  }
0x73: {  	_ =	shalt  }
0x74: {  	_ =	shalt  }
0x75: {  	_ =	shalt  }
0x76: {  	_ =	shalt  }
0x77: {  	_ =	shalt  }
0x78: {  	_ =	shalt  }
0x79: {  	_ =	shalt  }
0x7a: {  	_ =	shalt  }
0x7b: {  	_ =	shalt  }
0x7c: {  	_ =	shalt  }
0x7d: {  	_ =	shalt  }
0x7e: {  	_ =	shalt  }
0x7f: {  	_ =	shalt  }
0x80: {  	_ =	shalt  }
0x81: {  	_ =	shalt  }
0x82: {  	_ =	shalt  }
0x83: {  	_ =	shalt  }
0x84: {  	_ =	shalt  }
0x85: {  	_ =	shalt  }
0x86: {  	_ =	shalt  }
0x87: {  	_ =	shalt  }
.Lfunc_end0:
.L_simem_size_0:
called_computation.2_lowered:
.L_overlay_start_0:
0x88: {  	s2 =	sld [smem:$0x3FD9]  }
0x89: {  	s3 =	sld [smem:$0x3FFE];
	_ =	sdelay $0x1  }
0x8a: {  	s1 =	srdreg.scid  }
0x8b: {  	s0 =	sand.u32 $0x1, s1  }
0x8c: {  	s17 =	sshll.u32 s0, $0xA;
	s2 =	sadd.s32 s3, s2  }
0x8d: {  	s2 =	sadd.s32 s2, s17  }
0x8e: {  	[smem:$0x3FC4] =	sst s2  }
0x8f: {  	_ = 	snop  }
0x90: {  	s2 =	sld [smem:$0x3FD0];
	(tm) =	ssettm $0x1  }
0x91: {  	s18 =	sld [smem:$0x3FFB];
	_ =	sdelay $0x3  }
0x92: {  	_ =	strace s18  }
0x93: {  	s3 =	sld [smem:$0x3FFC];
	_ =	sdelay $0x3  }
0x94: {  	_ =	strace s3  }
0x95: {  	s3 =	sld [smem:$0x3FFD];
	_ =	sdelay $0x3  }
0x96: {  	_ =	strace s3  }
0x97: {  	_ =	strace $0x8FFFFFFF  }
0x98: {  	s19 =	sld [smem:$0x3FDB];
	_ =	sdelay $0x1  }
0x99: {  	s4 =	simm.s32 $_scs_section_size  }
0x9a: {  	s5 =	simm.s32 $_size__tile_overlayer_lowered;
	s6 =	simm.s32 $_tile_overlayer_lowered  }
0x9b: {  	s22 =	simm.s32 $0x1BFF;
	s21 =	sshll.u32 s6, $0x1;
	s3 =	sadd.s32 s4, s19  }
0x9c: {  	s7 =	simm.s32 $0x0;
	s20 =	sshll.u32 s5, $0x1;
	s5 =	sadd.s32 s21, s3  }
0x9d: {  	[timem:s7], [sflag:s22] =	dma.local [hbm:s5], s20  }
0x9e: {  	_ =	swait.ge [sflag:s22], s20  }
0x9f: {  	s4 =	ssub.s32 $0x0, s20;
	[sflag:s22] =	ssyncset.done $0x0  }
0xa0: {  	[sflag:s22] =	ssyncadd.s32 s4;
	_ =	sdelay $0x1  }
0xa1: {  	s23 =	simm.s32 $0x1B8B  }
0xa2: {  	_ =	swait.ge [sflag:s23], $0x1  }
0xa3: {  	[sflag:s23] =	ssyncset.done $0x0  }
0xa4: {  	s25 =	simm.s32 $0x1B8E;
	s24 =	sld [smem:$0x3FFE];
	[sflag:s23] =	ssyncadd.s32 $0xFFFFFFFF  }
0xa5: {  	s26 =	simm.s32 $execute0_lowered;
	[smem:$0x3FD2] =	sst s25  }
0xa6: {  	s5 =	sshll.u32 s26, $0x1;
	_ =	strace $0x8000004C;
	[dreg:$0x1] =	wrdreg $0xFFFFFFFF  }
0xa7: {  	s28 =	simm.s32 $_size_execute0_lowered;
	s3 =	sadd.s32 s3, s5;
	[dreg:$0x0] =	wrdreg $0x0  }
0xa8: {  	s5 =	sshll.u32 s28, $0x1;
	[dreg:$0x2] =	wrdreg s3  }
0xa9: {  	[dreg:$0x3] =	wrdreg s5  }
0xaa: {  	[dreg:$0x4] =	wrdreg $0xC0  }
0xab: {  	_ =	task [dreg:s7], $0x5FFFF  }
0xac: {  	[dreg:$0x1] =	wrdreg $0xFFFFFFFF  }
0xad: {  	[dreg:$0x0] =	wrdreg $0x60  }
0xae: {  	[dreg:$0x2] =	wrdreg s2  }
0xaf: {  	[dreg:$0x3] =	wrdreg s24  }
0xb0: {  	[dreg:$0x4] =	wrdreg $0x0  }
0xb1: {  	[dreg:$0x5] =	wrdreg $0x9  }
0xb2: {  	_ =	task.clear_ibuf [dreg:s7], $0x6FFFF;
	_ =	strace $0x9000004C  }
0xb3: {  	s29 =	simm.s32 $0x9;
	_ =	strace $0x8000004E  }
0xb4: {  	_ =	swait.ge [sflag:s29], $0x1  }
0xb5: {  	[sflag:s29] =	ssyncadd.s32 $0xFFFFFFFF  }
0xb6: {  	_ =	strace $0x9000004E  }
0xb7: {  	_ =	sfence  }
0xb8: {  	s30 =	sld [smem:$0x0];
	_ =	sdelay $0x2  }
0xb9: {  	s31 =	sshll.u32 s1, $0xD;
	s1 =	sshrl.u32 s1, $0x2  }
0xba: {  	s3 =	sand.u32 $0x4000, s31;
	s1 =	sadd.s32 s1, s30  }
0xbb: {  	s0 =	sor.u32 s3, s0;
	s1 =	sshll.u32 s1, $0x11  }
0xbc: {  	s0 =	sor.u32 s1, s0  }
0xbd: {  	s0 =	sadd.s32 $0x8F2B, s0  }
0xbe: {  	[sflag:s0] =	ssyncadd.remote.s32 $0x1  }
0xbf: {  	_ =	sfence.sel $0xFFFF  }
0xc0: {  	[dreg:$0x0] =	wrdreg $0xFFFFFFFF;
	(pc) =	sbr.abs _section_cstart, $3  }
0xc1: {  	[dreg:$0x1] =	wrdreg $0xFFFFFFFF  }
0xc2: {  	_ =	task.clear_ibuf [dreg:s7], $0x2FFFF;
	_ =	strace $0x9FFFFFFF  }
0xc3: {  	(tm) =	ssettm $0x7FFFFFFF  }
tec
execute0_lowered:
.L_overlay_start_1:
0x0: {  	(tag) =	ssettag $0x1  }
0x1: {  	s1 =	rddreg [dreg:$0x0]  }
0x2: {  	s0 =	rddreg [dreg:$0x1]  }
0x3: {  	s2 =	rddreg [dreg:$0x2]  }
0x4: {  	s3 =	simm.s32 $0x0;
	s4 =	srdreg.scid;
	s14 =	stileid.u32  }
0x5: {  	s28 =	simm.s32 $0x80;
	s29 =	simm.s32 $0x13E80;
	s30 =	simm.s32 $0x2  }
0x6: {  	s31 =	simm.s32 $0x17E80;
	[smem:$0x7FF] =	sst s3;
	s26 =	smul.u32 $0x2780, s14  }
0x7: {  	s4 =	sand.u32 $0x1, s4;
	s5 =	sadd.s32 $0xBA00, s0;
	s12 =	smul.u32 $0x4F000, s14  }
0x8: {  	s25 =	sadd.s32 $0x15A00, s0;
	s23 =	smul.u32 $0x500, s14;
	s24 =	sadd.s32 $0x128400, s2  }
0x9: {  	p0 =	seq.s32 s14, $0xF;
	_ =	strace $0x8000004D;
	s6 =	sshll.u32 s4, $0x4  }
0xa: {  	s8 =	ssub.s32 $0x2, s4;
	[dreg:$0x4] =	wrdreg s25;
	s18 =	smul.u32 $0x27100, s4  }
0xb: {  	[dreg:$0xc] =	wrdreg s24;
	s24 =	simm.s32 $0x13B80;
	s7 =	sor.u32 s14, s6  }
0xc: {  	s6 =	sadd.s32 $0x1A00, s0;
	s9 =	sshrl.u32 s8, $0x1;
	s0 =	sadd.s32 $0x18200, s0  }
0xd: {  	s12 =	sshrl.u32 s12, $0x2;
	s14 =	simm.s32 $0x0;
	s10 =	smul.u32 $0x500, s7  }
0xe: {  	s8 =	ssub.s32 s8, s9;
	s21 =	sadd.s32 s12, s2;
	s9 =	sadd.s32 s26, s18  }
0xf: {  	s12 =	simm.s32 $0x8;
	[dreg:$0xb] =	wrdreg s21;
	s25 =	sadd.s32 s0, s9  }
0x10: {  	s26 =	smax.u32 s8, $0x1;
	s21 =	simm.s32 $0x13C80;
	s8 =	simm.s32 $0x13E00  }
0x11: {  	s9 =	simm.s32 $0x7;
	s13 =	sadd.s32 s5, s10;
	[dreg:$0xd] =	wrdreg s25  }
0x12: {  	s11 =	sor.u32 $0x10, s10;
	s15 =	sadd.s32 s6, s10;
	[dreg:$0xf] =	wrdreg s26  }
0x13: {  	s10 =	sor.u32 $0x20, s10;
	s25 =	simm.s32 $0x13D80;
	[dreg:$0x5] =	wrdreg s13  }
0x14: {  	[dreg:$0x6] =	wrdreg s15;
	s16 =	sadd.s32 s5, s11;
	s17 =	sadd.s32 s6, s11  }
0x15: {  	s19 =	sadd.s32 s5, s10;
	s13 =	smul.u32 $0x138800, s4;
	[dreg:$0x7] =	wrdreg s16  }
0x16: {  	s20 =	sadd.s32 s6, s10;
	s4 =	smul.u32 $0x5000, s4;
	[dreg:$0x8] =	wrdreg s17  }
.Ltmp0:
0x17: {  	s10 =	simm.s32 $0x3;
	[dreg:$0x9] =	wrdreg s19;
	(pc) =	sbr.rel .LBB2_1-.Ltmp0, $4  }
0x18: {  	s11 =	simm.s32 $0x6;
	[dreg:$0xa] =	wrdreg s20;
	s22 =	sshrl.u32 s13, $0x3  }
0x19: {  	s19 =	sadd.s32 s23, s4;
	s23 =	simm.s32 $0x13D00;
	s0 =	sadd.s32 s0, s22  }
0x1a: {  	s4 =	simm.s32 $0x13C00;
	s13 =	simm.s32 $0x4;
	s0 =	sadd.s32 $0x25080, s0  }
0x1b: {  	s22 =	simm.s32 $0x13B00;
	[dreg:$0xe] =	wrdreg s0;
	s0 =	simm.s32 $0x5  }
.LBB2_4:
0x1c: {  	_ =	swait.ge [sflag:s12], $0x4000  }
0x1d: {  	[sflag:s12] =	ssyncset.done $0x0  }
0x1e: {  	[sflag:s12] =	ssyncadd.s32 $0xFFFFC000  }
0x1f: {  	[bflag:$0x0] =	sbarrier.arrive $0xFFFF  }
0x20: {  	s15 =	rddreg [dreg:$0xe]  }
0x21: {  	s7 =	simm.s32 @p0 $0x1FC9;
	s18 =	rddreg [dreg:$0x10]  }
0x22: {  	[hbm:s15], [sflag:s7] =	dma.local @p0 [spmem:s18], $0x2080  }
0x23: {  	s7 =	simm.s32 @p0 $0x9  }
0x24: {  	_ =	swait.ge @p0 [sflag:s7], $0x2080  }
0x25: {  	[sflag:s7] =	ssyncset.done @p0 $0x0  }
0x26: {  	[sflag:s7] =	ssyncadd.s32 @p0 $0xFFFFDF80;
	s7 =	rddreg [dreg:$0xd]  }
0x27: {  	[hbm:s7], [sflag:s16] =	dma.local @!p0 [spmem:s17], $0x2780  }
0x28: {  	s7 =	simm.s32 @!p0 $0x9  }
0x29: {  	_ =	swait.ge @!p0 [sflag:s7], $0x2780  }
0x2a: {  	s14 =	sadd.s32 $0x1, s14;
	s26 =	rddreg [dreg:$0xf]  }
0x2b: {  	p1 =	sne.s32 s14, s26  }
.Ltmp1:
0x2c: {  	_ = 	snop;
	(pc) =	sbr.rel @!p1 .LBB2_5-.Ltmp1, $3  }
0x2d: {  	_ =	sdelay $0x1  }
0x2e: {  	[sflag:s7] =	ssyncset.done @!p0 $0x0  }
0x2f: {  	[sflag:s7] =	ssyncadd.s32 @!p0 $0xFFFFD880  }
.LBB2_1:
0x30: {  	s7 =	rddreg [dreg:$0x5]  }
0x31: {  	s26 =	rddreg [dreg:$0x6]  }
0x32: {  	s15 =	rddreg [dreg:$0x7]  }
0x33: {  	s18 =	simm.s32 $0x13A80;
	s16 =	rddreg [dreg:$0x8]  }
0x34: {  	[tilespmem:s18], [sflag:$0x1] =	stream.linear.gather [hbm4b:s7+s3], $0x80, $0x38;
	[tilespmem:$0x1BE80] =	vst v63  }
0x35: {  	s17 =	rddreg [dreg:$0x9]  }
0x36: {  	[tilespmem:s21], [sflag:$0x1] =	stream.linear.gather [hbm4b:s26+s3], $0x80, $0x38;
	[tilespmem:$0x1BE80] =	vst v63  }
0x37: {  	s7 =	rddreg [dreg:$0xc]  }
0x38: {  	[tilespmem:s22], [sflag:$0x2] =	stream.linear.gather [hbm4b:s15+s3], $0x80, $0x38;
	[tilespmem:$0x1BE80] =	vst v63  }
0x39: {  	s20 =	rddreg [dreg:$0xa];
	s7 =	sshrl.u32 @p0 s7, $0x3  }
0x3a: {  	[tilespmem:s23], [sflag:$0x2] =	stream.linear.gather [hbm4b:s16+s3], $0x80, $0x38;
	[tilespmem:$0x1BE80] =	vst v63  }
0x3b: {  	[dreg:$0x10] =	wrdreg s7  }
0x3c: {  	[tilespmem:s24], [sflag:$0x3] =	stream.linear.gather [hbm4b:s17+s3], $0x80, $0x38;
	[tilespmem:$0x1BE80] =	vst v63  }
0x3d: {  	s15 =	rddreg [dreg:$0x4];
	s16 =	simm.s32 @p0 $0x1FC9  }
0x3e: {  	[tilespmem:s25], [sflag:$0x3] =	stream.linear.gather [hbm4b:s20+s3], $0x80, $0x38;
	[tilespmem:$0x1BE80] =	vst v63  }
0x3f: {  	[spmem:s7], [sflag:s16] =	dma.local @p0 [hbm:s15], $0x2480  }
0x40: {  	s16 =	simm.s32 @p0 $0x9  }
0x41: {  	s20 =	simm.s32 @!p0 $0x9;
	s7 =	stileid.u32;
	_ =	swait.ge @p0 [sflag:s16], $0x2480  }
0x42: {  	s17 =	sshll.u32 @!p0 s7, $0x6;
	[sflag:s16] =	ssyncset.done @p0 $0x0;
	s7 =	rddreg [dreg:$0xb]  }
0x43: {  	[sflag:s16] =	ssyncadd.s32 @p0 $0xFFFFDB80;
	s16 =	sor.u32 @!p0 $0x1C09, s17;
	s17 =	sshrl.u32 @!p0 s7, $0x3  }
0x44: {  	[spmem:s17], [sflag:s16] =	dma.local @!p0 [hbm:s15], $0x2780  }
0x45: {  	_ =	swait.ge @!p0 [sflag:s20], $0x2780  }
0x46: {  	[sflag:s20] =	ssyncset.done @!p0 $0x0  }
0x47: {  	[sflag:s20] =	ssyncadd.s32 @!p0 $0xFFFFD880  }
0x48: {  	s26 =	simm.s32 $0x1;
	[bflag:$0x0] =	sbarrier.arrive $0xFFFF  }
0x49: {  	_ =	swait.ge [sflag:s26], $0x80  }
0x4a: {  	[sflag:s26] =	ssyncset.done $0x0  }
0x4b: {  	[sflag:s26] =	ssyncadd.s32 $0xFFFFFF80  }
0x4c: {  	_ =	swait.ge [sflag:s26], $0x80  }
0x4d: {  	[sflag:s26] =	ssyncset.done $0x0  }
0x4e: {  	s20 =	simm.s32 $0x0;
	[sflag:s26] =	ssyncadd.s32 $0xFFFFFF80  }
0x4f: {  	[tilespmem:s29], [sflag:$0x5] =	stream.indirect.gather [hbm4b:s1+s28], $0x80, s18, s28, $0xb8;
	[tilespmem:$0x1BE80] =	vst v63  }
.LBB2_2:
0x50: {  	p1 =	seq.s32 s20, $0x0  }
0x51: {  	s18 =	simm.s32 @!p1 $0x8  }
0x52: {  	_ =	swait.ge @!p1 [sflag:s18], $0x4000  }
0x53: {  	[sflag:s18] =	ssyncset.done @!p1 $0x0  }
0x54: {  	[sflag:s18] =	ssyncadd.s32 @!p1 $0xFFFFC000  }
0x55: {  	_ =	swait.ge [sflag:s30], $0x80  }
0x56: {  	[sflag:s30] =	ssyncset.done $0x0  }
0x57: {  	[sflag:s30] =	ssyncadd.s32 $0xFFFFFF80  }
0x58: {  	_ =	swait.ge [sflag:s30], $0x80  }
0x59: {  	[sflag:s30] =	ssyncset.done $0x0  }
0x5a: {  	s15 =	sadd.s32 s20, s19;
	[sflag:s30] =	ssyncadd.s32 $0xFFFFFF80  }
0x5b: {  	[tilespmem:s31], [sflag:$0x6] =	stream.indirect.gather [hbm4b:s1+s28], $0x80, s22, s28, $0xb8;
	[tilespmem:$0x1BE80] =	vst v63  }
0x5c: {  	s7 =	sand.u32 $0x40, s20;
	s18 =	sand.u32 $0xFFFFF80, s15;
	_ =	swait.ge [sflag:s0], $0x4000  }
0x5d: {  	s7 =	sor.u32 s18, s7;
	[sflag:s0] =	ssyncset.done $0x0  }
0x5e: {  	s7 =	sor.u32 $0x30, s7;
	[sflag:s0] =	ssyncadd.s32 $0xFFFFC000  }
0x5f: {  	[spmem:s2] =	stream.indirect.scatter.add.f32 [tilespmem:s29], [sflag:$0x7], $0x80, s21, s28, $0xb8;
	[tilespmem:$0x1BE80] =	vst v63  }
0x60: {  	s26 =	sadd.s32 s5, s7  }
0x61: {  	[tilespmem:s4], [sflag:$0x4] =	stream.linear.gather [hbm4b:s26+s3], $0x80, $0x38;
	[tilespmem:$0x1BE80] =	vst v63  }
0x62: {  	s7 =	sadd.s32 s6, s7  }
0x63: {  	[tilespmem:s8], [sflag:$0x4] =	stream.linear.gather [hbm4b:s7+s3], $0x80, $0x38;
	[tilespmem:$0x1BE80] =	vst v63  }
0x64: {  	_ =	swait.ge [sflag:s9], $0x4000  }
0x65: {  	[sflag:s9] =	ssyncset.done $0x0  }
0x66: {  	[sflag:s9] =	ssyncadd.s32 $0xFFFFC000  }
0x67: {  	_ =	swait.ge [sflag:s10], $0x80  }
0x68: {  	[sflag:s10] =	ssyncset.done $0x0  }
0x69: {  	[sflag:s10] =	ssyncadd.s32 $0xFFFFFF80  }
0x6a: {  	_ =	swait.ge [sflag:s10], $0x80  }
0x6b: {  	p1 =	seq.s32 s20, $0x4C0;
	[sflag:s10] =	ssyncset.done $0x0  }
0x6c: {  	s7 =	sadd.s32 @!p1 s20, s19;
	[sflag:s10] =	ssyncadd.s32 $0xFFFFFF80  }
0x6d: {  	[tilespmem:s29], [sflag:$0x5] =	stream.indirect.gather [hbm4b:s1+s28], $0x80, s24, s28, $0xb8;
	[tilespmem:$0x1BE80] =	vst v63  }
0x6e: {  	s18 =	sxor.u32 @!p1 $0xFFFFFFFF, s20;
	s7 =	sadd.s32 @!p1 $0x40, s7;
	_ =	swait.ge [sflag:s11], $0x4000  }
0x6f: {  	s18 =	sand.u32 @!p1 $0x40, s18;
	s7 =	sand.u32 @!p1 $0xFFFFF80, s7;
	[sflag:s11] =	ssyncset.done $0x0  }
0x70: {  	s7 =	sor.u32 @!p1 s18, s7;
	[sflag:s11] =	ssyncadd.s32 $0xFFFFC000  }
0x71: {  	[spmem:s2] =	stream.indirect.scatter.add.f32 [tilespmem:s31], [sflag:$0x8], $0x80, s23, s28, $0xb8;
	[tilespmem:$0x1BE80] =	vst v63  }
0x72: {  	s15 =	simm.s32 @!p1 $0x13A80;
	s26 =	simm.s32 @!p1 $0x0;
	s18 =	sadd.s32 @!p1 s5, s7  }
0x73: {  	[tilespmem:s15], [sflag:$0x1] =	stream.linear.gather @!p1 [hbm4b:s18+s26], $0x80, $0x38;
	[tilespmem:$0x1BE80] =	vst v63  }
0x74: {  	s7 =	sadd.s32 @!p1 s6, s7;
	s15 =	simm.s32 @!p1 $0x13C80  }
0x75: {  	[tilespmem:s15], [sflag:$0x1] =	stream.linear.gather @!p1 [hbm4b:s7+s26], $0x80, $0x38;
	[tilespmem:$0x1BE80] =	vst v63  }
0x76: {  	_ =	swait.ge [sflag:s12], $0x4000  }
0x77: {  	[sflag:s12] =	ssyncset.done $0x0  }
0x78: {  	[sflag:s12] =	ssyncadd.s32 $0xFFFFC000  }
0x79: {  	_ =	swait.ge [sflag:s13], $0x80  }
0x7a: {  	[sflag:s13] =	ssyncset.done $0x0  }
0x7b: {  	[sflag:s13] =	ssyncadd.s32 $0xFFFFFF80  }
0x7c: {  	_ =	swait.ge [sflag:s13], $0x80  }
0x7d: {  	p2 =	sne.s32 s20, $0x4C0;
	[sflag:s13] =	ssyncset.done $0x0  }
0x7e: {  	s7 =	sadd.s32 @p2 $0x50, s20;
	[sflag:s13] =	ssyncadd.s32 $0xFFFFFF80  }
0x7f: {  	[tilespmem:s31], [sflag:$0x6] =	stream.indirect.gather [hbm4b:s1+s28], $0x80, s4, s28, $0xb8;
	[tilespmem:$0x1BE80] =	vst v63  }
0x80: {  	s15 =	sadd.s32 @p2 s19, s7;
	_ =	swait.ge [sflag:s0], $0x4000  }
0x81: {  	s7 =	sand.u32 @p2 $0x50, s7;
	s15 =	sand.u32 @p2 $0xFFFFF80, s15;
	[sflag:s0] =	ssyncset.done $0x0  }
0x82: {  	s7 =	sor.u32 @p2 s7, s15;
	[sflag:s0] =	ssyncadd.s32 $0xFFFFC000  }
0x83: {  	[spmem:s2] =	stream.indirect.scatter.add.f32 [tilespmem:s29], [sflag:$0x7], $0x80, s25, s28, $0xb8;
	[tilespmem:$0x1BE80] =	vst v63  }
0x84: {  	s18 =	simm.s32 @p2 $0x0;
	s26 =	simm.s32 @p2 $0x13B00;
	s15 =	sadd.s32 @p2 s5, s7  }
0x85: {  	[tilespmem:s26], [sflag:$0x2] =	stream.linear.gather @p2 [hbm4b:s15+s18], $0x80, $0x38;
	[tilespmem:$0x1BE80] =	vst v63  }
0x86: {  	s7 =	sadd.s32 @p2 s6, s7;
	s15 =	simm.s32 @p2 $0x13D00  }
0x87: {  	[tilespmem:s15], [sflag:$0x2] =	stream.linear.gather @p2 [hbm4b:s7+s18], $0x80, $0x38;
	[tilespmem:$0x1BE80] =	vst v63  }
0x88: {  	s7 =	simm.s32 @p2 $0x7  }
0x89: {  	_ =	swait.ge @p2 [sflag:s7], $0x4000  }
0x8a: {  	[sflag:s7] =	ssyncset.done @p2 $0x0  }
0x8b: {  	[sflag:s7] =	ssyncadd.s32 @p2 $0xFFFFC000;
	s7 =	simm.s32 @p2 $0x1  }
0x8c: {  	_ =	swait.ge @p2 [sflag:s7], $0x80  }
0x8d: {  	[sflag:s7] =	ssyncset.done @p2 $0x0  }
0x8e: {  	[sflag:s7] =	ssyncadd.s32 @p2 $0xFFFFFF80  }
0x8f: {  	_ =	swait.ge @p2 [sflag:s7], $0x80  }
0x90: {  	s15 =	simm.s32 @p2 $0x13A80;
	[sflag:s7] =	ssyncset.done @p2 $0x0  }
0x91: {  	s18 =	simm.s32 @p2 $0x13E80;
	[sflag:s7] =	ssyncadd.s32 @p2 $0xFFFFFF80;
	s7 =	simm.s32 @p2 $0x80  }
0x92: {  	[tilespmem:s18], [sflag:$0x5] =	stream.indirect.gather @p2 [hbm4b:s1+s7], $0x80, s15, s7, $0xb8;
	[tilespmem:$0x1BE80] =	vst v63  }
0x93: {  	s7 =	simm.s32 @!p2 $0x7  }
0x94: {  	_ =	swait.ge @!p2 [sflag:s7], $0x4000  }
0x95: {  	[sflag:s7] =	ssyncset.done @!p2 $0x0  }
.Ltmp2:
0x96: {  	[sflag:s7] =	ssyncadd.s32 @!p2 $0xFFFFC000;
	(pc) =	sbr.rel @p1 .LBB2_4-.Ltmp2, $4  }
0x97: {  	_ =	swait.ge [sflag:s11], $0x4000  }
0x98: {  	[sflag:s11] =	ssyncset.done $0x0  }
0x99: {  	[sflag:s11] =	ssyncadd.s32 $0xFFFFC000  }
0x9a: {  	[spmem:s2] =	stream.indirect.scatter.add.f32 [tilespmem:s31], [sflag:$0x8], $0x80, s8, s28, $0xb8;
	[tilespmem:$0x1BE80] =	vst v63  }
0x9b: {  	s7 =	sadd.s32 $0x60, s20  }
0x9c: {  	s15 =	sadd.s32 s19, s7  }
0x9d: {  	s7 =	sand.u32 $0x60, s7;
	s15 =	sand.u32 $0xFFFFF80, s15  }
.Ltmp3:
0x9e: {  	s7 =	sor.u32 s7, s15;
	(pc) =	sbr.rel .LBB2_2-.Ltmp3, $4  }
0x9f: {  	s15 =	sadd.s32 s5, s7  }
0xa0: {  	[tilespmem:s24], [sflag:$0x3] =	stream.linear.gather [hbm4b:s15+s3], $0x80, $0x38;
	[tilespmem:$0x1BE80] =	vst v63  }
0xa1: {  	s20 =	sadd.s32 $0x40, s20;
	s7 =	sadd.s32 s6, s7  }
0xa2: {  	[tilespmem:s25], [sflag:$0x3] =	stream.linear.gather [hbm4b:s7+s3], $0x80, $0x38;
	[tilespmem:$0x1BE80] =	vst v63  }
.LBB2_5:
0xa3: {  	_ =	sfence.sel $0x180000  }
0xa4: {  	[bflag:$0x0] =	sbarrier.arrive $0xFFFF  }
0xa5: {  	_ =	strace $0x9000004D  }
0xa6: {  	s0 =	stileid.u32;
	[bflag:$0x2] =	sbarrier.arrive $0xFFFF  }
0xa7: {  	p0 =	sne.s32 s0, $0x0;
	s0 =	rddreg [dreg:$0x3]  }
0xa8: {  	s0 =	sadd.s32 @!p0 $0x100000, s0  }
0xa9: {  	[sflag:s0] =	ssyncadd.tile.s32 @!p0 $0x1;
	_ =	shalt  }
.Lfunc_end2:
_tile_overlayer_lowered:
.L_overlay_start_2:
0xaa: {  	(tag) =	ssettag $0x2  }
0xab: {  	s0 =	rddreg [dreg:$0x0];
	s2 =	stileid.u32  }
0xac: {  	s1 =	rddreg [dreg:$0x1];
	p0 =	sne.s32 s2, $0x0  }
0xad: {  	s3 =	rddreg [dreg:$0x2];
	[bflag:$0x3] =	sbarrier.arrive $0xFFFF;
	s2 =	simm.s32 @!p0 $0x1C09  }
0xae: {  	[timem:s3], [sflag:s2] =	dma.local @!p0 [hbm:s0], s1  }
0xaf: {  	s0 =	simm.s32 @!p0 $0x9  }
0xb0: {  	_ =	swait.ge @!p0 [sflag:s0], s1  }
0xb1: {  	s1 =	ssub.s32 @!p0 $0x0, s1;
	[sflag:s0] =	ssyncset.done @!p0 $0x0  }
0xb2: {  	[sflag:s0] =	ssyncadd.s32 @!p0 s1  }
0xb3: {  	[bflag:$0x3] =	sbarrier.arrive $0xFFFF  }
0xb4: {  	_ =	shalt  }

// kernel: kernel.9.cloned.1.call-start
scs
__scs_entry_jumppad:
0x0: {  	(pc) =	sbr.rel $0x88, $3  }
0x1: {  	(tag) =	ssettag $0x0;
	lr =	simm.s32 $0x1  }
0x2: {  	[smem:$0x3F9D] =	sst lr;
	_ =	strace $0xD0000000  }
0x3: {  	_ = 	snop  }
0x4: {  	_ = 	snop  }
0x5: {  	_ = 	snop  }
0x6: {  	_ = 	snop  }
0x7: {  	_ = 	snop  }
__scs_overlays_trampoline_lowered:
0x8: {  	[smem:$0x3FAC] =	sst s0  }
0x9: {  	[smem:$0x3FAD] =	sst s1  }
0xa: {  	[smem:$0x3FAE] =	sst s2  }
0xb: {  	[smem:$0x3FAF] =	sst s3  }
0xc: {  	[smem:$0x3FB0] =	sst s4  }
0xd: {  	[smem:$0x3FB1] =	sst s5  }
0xe: {  	[smem:$0x3FB2] =	sst s6  }
0xf: {  	[smem:$0x3FB3] =	sst s7  }
0x10: {  	[smem:$0x3FB4] =	sst s8  }
0x11: {  	[smem:$0x3FB5] =	sst s9;
	s0 =	simm.s32 @!p0 $0x0  }
0x12: {  	s1 =	sld [smem:$0x3F9B];
	s0 =	simm.s32 @p0 $0x1  }
0x13: {  	[smem:$0x3FB6] =	sst s0;
	s0 =	simm.s32 @!p1 $0x0  }
0x14: {  	s2 =	sld [smem:$0x3F9A];
	s0 =	simm.s32 @p1 $0x1  }
0x15: {  	[smem:$0x3FB7] =	sst s0;
	s0 =	simm.s32 @!p2 $0x0  }
0x16: {  	s3 =	sld [smem:$0x3FDB];
	s0 =	simm.s32 @p2 $0x1  }
0x17: {  	s4 =	simm.s32 $0x1BF5;
	[smem:$0x3FB9] =	sst s0  }
0x18: {  	s0 =	sld [smem:$0x3F9C];
	_ =	swait.ge [sflag:s4], $0x0  }
0x19: {  	s7 =	sld [smem:$0x3F9D]  }
0x1a: {  	s8 =	sadd.s32 $0xFFFFE003, lr  }
0x1b: {  	s9 =	sadd.s32 $0xFFFFFEF7, lr;
	s5 =	simm.s32 $0xFFFFFFFF;
	p2 =	slt.u32 s8, $0xFFFFF086  }
0x1c: {  	p1 =	slt.u32 s9, $0xF7A;
	s5 =	simm.s32 @!p2 $0x0  }
0x1d: {  	s5 =	simm.s32 @p1 $0x1;
	p0 =	seq.s32 s7, s2  }
0x1e: {  	s7 =	smul.u32 @!p0 $0xF7A, s2;
	p2 =	seq.s32 @!p0 s5, $0x0  }
0x1f: {  	s9 =	smul.u32 $0xF7A, s1;
	s8 =	simm.s32 @!p0 $0x1BF5;
	p2 =	por !p2, p0  }
0x20: {  	[sflag:s8] =	ssyncset.s32 @!p0 $0xFFFFF086;
	s6 =	sadd.s32 @!p0 s3, s7;
	s7 =	simm.s32 @!p0 $0x108  }
0x21: {  	s3 =	sadd.s32 s3, s9;
	s6 =	sadd.s32 @!p0 $0x88, s6;
	s7 =	simm.s32 @p2 $0x1082  }
0x22: {  	[simem:s7], [sflag:s8] =	dma.local @!p0 [hbm:s6], $0xF7A  }
0x23: {  	s9 =	sor.u32 $0xD0000000, s2;
	s6 =	simm.s32 $0x108;
	_ =	swait.ge @!p0 [sflag:s8], $0x0  }
0x24: {  	s3 =	sadd.s32 $0x88, s3;
	s6 =	simm.s32 @!p1 $0x1082;
	[sflag:s4] =	ssyncset.s32 $0xFFFFF086  }
0x25: {  	[simem:s6], [sflag:s4] =	dma.local [hbm:s3], $0xF7A  }
0x26: {  	[smem:$0x3F9D] =	sst s1;
	(tag) =	ssettag s2;
	_ =	strace s9  }
0x27: {  	s1 =	sld [smem:$0x3FAD]  }
0x28: {  	s2 =	sld [smem:$0x3FAE]  }
0x29: {  	s4 =	sld [smem:$0x3FB0]  }
0x2a: {  	p0 =	seq.s32 s5, $0x0;
	s5 =	sld [smem:$0x3FB1]  }
0x2b: {  	s6 =	sld [smem:$0x3FB2]  }
0x2c: {  	s7 =	sld [smem:$0x3FB3]  }
0x2d: {  	s3 =	simm.s32 $0x108;
	s8 =	sld [smem:$0x3FB4]  }
0x2e: {  	s3 =	simm.s32 @!p0 $0x1082;
	s9 =	sld [smem:$0x3FB5]  }
0x2f: {  	lr =	sadd.s32 s0, s3;
	s0 =	sld [smem:$0x3FAC]  }
0x30: {  	s3 =	sld [smem:$0x3FAF]  }
0x31: {  	[smem:$0x3FB8] =	sst s10  }
0x32: {  	s10 =	sld [smem:$0x3FB6];
	_ =	sdelay $0x3  }
0x33: {  	p0 =	seq.s32 s10, $0x1;
	s10 =	sld [smem:$0x3FB8];
	_ =	sdelay $0x3  }
0x34: {  	[smem:$0x3FB8] =	sst s10  }
0x35: {  	s10 =	sld [smem:$0x3FB7];
	_ =	sdelay $0x3  }
0x36: {  	p1 =	seq.s32 s10, $0x1;
	s10 =	sld [smem:$0x3FB8];
	_ =	sdelay $0x3  }
0x37: {  	[smem:$0x3FB8] =	sst s10  }
0x38: {  	s10 =	sld [smem:$0x3FB9]  }
0x39: {  	_ = 	snop;
	(pc) =	sbr.ind lr, $3  }
0x3a: {  	_ = 	snop  }
0x3b: {  	_ = 	snop  }
0x3c: {  	p2 =	seq.s32 s10, $0x1;
	s10 =	sld [smem:$0x3FB8]  }
0x3d: {  	_ =	shalt  }
0x3e: {  	_ =	shalt  }
0x3f: {  	_ =	shalt  }
0x40: {  	_ =	shalt  }
0x41: {  	_ =	shalt  }
0x42: {  	_ =	shalt  }
0x43: {  	_ =	shalt  }
0x44: {  	_ =	shalt  }
0x45: {  	_ =	shalt  }
0x46: {  	_ =	shalt  }
0x47: {  	_ =	shalt  }
0x48: {  	_ =	shalt  }
0x49: {  	_ =	shalt  }
0x4a: {  	_ =	shalt  }
0x4b: {  	_ =	shalt  }
0x4c: {  	_ =	shalt  }
0x4d: {  	_ =	shalt  }
0x4e: {  	_ =	shalt  }
0x4f: {  	_ =	shalt  }
0x50: {  	_ =	shalt  }
0x51: {  	_ =	shalt  }
0x52: {  	_ =	shalt  }
0x53: {  	_ =	shalt  }
0x54: {  	_ =	shalt  }
0x55: {  	_ =	shalt  }
0x56: {  	_ =	shalt  }
0x57: {  	_ =	shalt  }
0x58: {  	_ =	shalt  }
0x59: {  	_ =	shalt  }
0x5a: {  	_ =	shalt  }
0x5b: {  	_ =	shalt  }
0x5c: {  	_ =	shalt  }
0x5d: {  	_ =	shalt  }
0x5e: {  	_ =	shalt  }
0x5f: {  	_ =	shalt  }
0x60: {  	_ =	shalt  }
0x61: {  	_ =	shalt  }
0x62: {  	_ =	shalt  }
0x63: {  	_ =	shalt  }
0x64: {  	_ =	shalt  }
0x65: {  	_ =	shalt  }
0x66: {  	_ =	shalt  }
0x67: {  	_ =	shalt  }
0x68: {  	_ =	shalt  }
0x69: {  	_ =	shalt  }
0x6a: {  	_ =	shalt  }
0x6b: {  	_ =	shalt  }
0x6c: {  	_ =	shalt  }
0x6d: {  	_ =	shalt  }
0x6e: {  	_ =	shalt  }
0x6f: {  	_ =	shalt  }
0x70: {  	_ =	shalt  }
0x71: {  	_ =	shalt  }
0x72: {  	_ =	shalt  }
0x73: {  	_ =	shalt  }
0x74: {  	_ =	shalt  }
0x75: {  	_ =	shalt  }
0x76: {  	_ =	shalt  }
0x77: {  	_ =	shalt  }
0x78: {  	_ =	shalt  }
0x79: {  	_ =	shalt  }
0x7a: {  	_ =	shalt  }
0x7b: {  	_ =	shalt  }
0x7c: {  	_ =	shalt  }
0x7d: {  	_ =	shalt  }
0x7e: {  	_ =	shalt  }
0x7f: {  	_ =	shalt  }
0x80: {  	_ =	shalt  }
0x81: {  	_ =	shalt  }
0x82: {  	_ =	shalt  }
0x83: {  	_ =	shalt  }
0x84: {  	_ =	shalt  }
0x85: {  	_ =	shalt  }
0x86: {  	_ =	shalt  }
0x87: {  	_ =	shalt  }
.Lfunc_end0:
.L_simem_size_0:
called_computation_lowered:
.L_overlay_start_0:
0x88: {  	s2 =	sld [smem:$0x3FD9]  }
0x89: {  	s3 =	sld [smem:$0x3FFE];
	_ =	sdelay $0x1  }
0x8a: {  	s1 =	srdreg.scid  }
0x8b: {  	s0 =	sand.u32 $0x1, s1  }
0x8c: {  	s17 =	sshll.u32 s0, $0xA;
	s2 =	sadd.s32 s3, s2  }
0x8d: {  	s2 =	sadd.s32 s2, s17  }
0x8e: {  	[smem:$0x3FC4] =	sst s2  }
0x8f: {  	_ = 	snop  }
0x90: {  	s2 =	sld [smem:$0x3FD0];
	(tm) =	ssettm $0x1  }
0x91: {  	s18 =	sld [smem:$0x3FFB];
	_ =	sdelay $0x3  }
0x92: {  	_ =	strace s18  }
0x93: {  	s3 =	sld [smem:$0x3FFC];
	_ =	sdelay $0x3  }
0x94: {  	_ =	strace s3  }
0x95: {  	s3 =	sld [smem:$0x3FFD];
	_ =	sdelay $0x3  }
0x96: {  	_ =	strace s3  }
0x97: {  	_ =	strace $0x8FFFFFFF  }
0x98: {  	s19 =	sld [smem:$0x3FDB];
	_ =	sdelay $0x1  }
0x99: {  	s4 =	simm.s32 $_scs_section_size  }
0x9a: {  	s5 =	simm.s32 $_size__tile_overlayer_lowered;
	s6 =	simm.s32 $_tile_overlayer_lowered  }
0x9b: {  	s22 =	simm.s32 $0x1BFF;
	s21 =	sshll.u32 s6, $0x1;
	s3 =	sadd.s32 s4, s19  }
0x9c: {  	s7 =	simm.s32 $0x0;
	s20 =	sshll.u32 s5, $0x1;
	s5 =	sadd.s32 s21, s3  }
0x9d: {  	[timem:s7], [sflag:s22] =	dma.local [hbm:s5], s20  }
0x9e: {  	_ =	swait.ge [sflag:s22], s20  }
0x9f: {  	s4 =	ssub.s32 $0x0, s20;
	[sflag:s22] =	ssyncset.done $0x0  }
0xa0: {  	[sflag:s22] =	ssyncadd.s32 s4;
	_ =	sdelay $0x1  }
0xa1: {  	s23 =	simm.s32 $0x1B8B  }
0xa2: {  	_ =	swait.ge [sflag:s23], $0x1  }
0xa3: {  	[sflag:s23] =	ssyncset.done $0x0  }
0xa4: {  	s25 =	simm.s32 $0x1B8E;
	s24 =	sld [smem:$0x3FFE];
	[sflag:s23] =	ssyncadd.s32 $0xFFFFFFFF  }
0xa5: {  	s26 =	simm.s32 $execute0_lowered;
	[smem:$0x3FD2] =	sst s25  }
0xa6: {  	s5 =	sshll.u32 s26, $0x1;
	_ =	strace $0x80000046;
	[dreg:$0x1] =	wrdreg $0xFFFFFFFF  }
0xa7: {  	s28 =	simm.s32 $_size_execute0_lowered;
	s3 =	sadd.s32 s3, s5;
	[dreg:$0x0] =	wrdreg $0x0  }
0xa8: {  	s5 =	sshll.u32 s28, $0x1;
	[dreg:$0x2] =	wrdreg s3  }
0xa9: {  	[dreg:$0x3] =	wrdreg s5  }
0xaa: {  	[dreg:$0x4] =	wrdreg $0xC0  }
0xab: {  	_ =	task [dreg:s7], $0x5FFFF  }
0xac: {  	[dreg:$0x1] =	wrdreg $0xFFFFFFFF  }
0xad: {  	[dreg:$0x0] =	wrdreg $0x60  }
0xae: {  	[dreg:$0x2] =	wrdreg s24  }
0xaf: {  	[dreg:$0x3] =	wrdreg s2  }
0xb0: {  	[dreg:$0x4] =	wrdreg $0x0  }
0xb1: {  	[dreg:$0x5] =	wrdreg $0x9  }
0xb2: {  	_ =	task.clear_ibuf [dreg:s7], $0x6FFFF;
	_ =	strace $0x90000046  }
0xb3: {  	s29 =	simm.s32 $0x9;
	_ =	strace $0x80000048  }
0xb4: {  	_ =	swait.ge [sflag:s29], $0x1  }
0xb5: {  	[sflag:s29] =	ssyncadd.s32 $0xFFFFFFFF  }
0xb6: {  	_ =	strace $0x90000048  }
0xb7: {  	_ =	sfence  }
0xb8: {  	s30 =	sld [smem:$0x0];
	_ =	sdelay $0x2  }
0xb9: {  	s31 =	sshll.u32 s1, $0xD;
	s1 =	sshrl.u32 s1, $0x2  }
0xba: {  	s3 =	sand.u32 $0x4000, s31;
	s1 =	sadd.s32 s1, s30  }
0xbb: {  	s0 =	sor.u32 s3, s0;
	s1 =	sshll.u32 s1, $0x11  }
0xbc: {  	s0 =	sor.u32 s1, s0  }
0xbd: {  	s0 =	sadd.s32 $0x8F2B, s0  }
0xbe: {  	[sflag:s0] =	ssyncadd.remote.s32 $0x1  }
0xbf: {  	_ =	sfence.sel $0xFFFF  }
0xc0: {  	[dreg:$0x0] =	wrdreg $0xFFFFFFFF;
	(pc) =	sbr.abs _section_cstart, $3  }
0xc1: {  	[dreg:$0x1] =	wrdreg $0xFFFFFFFF  }
0xc2: {  	_ =	task.clear_ibuf [dreg:s7], $0x2FFFF;
	_ =	strace $0x9FFFFFFF  }
0xc3: {  	(tm) =	ssettm $0x7FFFFFFF  }
tec
execute0_lowered:
.L_overlay_start_1:
0x0: {  	(tag) =	ssettag $0x1  }
0x1: {  	s6 =	rddreg [dreg:$0x0]  }
0x2: {  	s0 =	srdreg.scid;
	s2 =	rddreg [dreg:$0x1]  }
0x3: {  	s3 =	rddreg [dreg:$0x2];
	s1 =	stileid.u32  }
0x4: {  	s4 =	simm.s32 $0x0;
	s16 =	simm.s32 $0x80;
	s17 =	simm.s32 $0x1  }
0x5: {  	s7 =	sand.u32 $0x1, s0;
	s0 =	rddreg [dreg:$0x3];
	s8 =	smul.u32 $0x2780, s1  }
0x6: {  	s18 =	simm.s32 $0x0;
	[smem:$0x7FF] =	sst s4;
	s11 =	smul.u32 $0x4F000, s1  }
0x7: {  	s14 =	sadd.s32 $0x18200, s6;
	p0 =	seq.s32 s1, $0xF;
	s5 =	sshll.u32 s7, $0x4  }
0x8: {  	_ =	strace $0x80000047;
	s10 =	ssub.s32 $0x2, s7;
	s13 =	smul.u32 $0x138800, s7  }
0x9: {  	s7 =	smul.u32 $0x27100, s7;
	s5 =	sor.u32 s1, s5;
	s12 =	sshrl.u32 s10, $0x1  }
0xa: {  	s29 =	sshrl.u32 s11, $0x2;
	s11 =	simm.s32 $0x2;
	s5 =	smul.u32 $0x500, s5  }
0xb: {  	s10 =	ssub.s32 s10, s12;
	s30 =	sshrl.u32 s13, $0x3;
	s15 =	sadd.s32 s29, s3  }
0xc: {  	s7 =	sadd.s32 s8, s7;
	s13 =	sadd.s32 $0x128400, s3;
	s12 =	simm.s32 $0x16280  }
0xd: {  	s31 =	sadd.s32 s14, s30;
	s7 =	sadd.s32 s14, s7;
	s14 =	sshll.u32 @!p0 s1, $0x6  }
0xe: {  	s13 =	sshrl.u32 @p0 s13, $0x3;
	s15 =	sshrl.u32 @!p0 s15, $0x3;
	s9 =	sadd.s32 s5, s6  }
0xf: {  	s5 =	sadd.s32 $0x15A00, s6;
	s8 =	sadd.s32 $0x25080, s31;
	s14 =	sor.u32 @!p0 $0x1C02, s14  }
0x10: {  	s6 =	sadd.s32 $0x1A00, s9;
	s9 =	smax.u32 s10, $0x1;
	s10 =	simm.s32 $0x13A80  }
.LBB2_1:
0x11: {  	[tilespmem:s10], [sflag:$0x2] =	stream.linear.gather [hbm4b:s6+s4], $0x2800, $0x38;
	[tilespmem:$0x1A280] =	vst v63  }
0x12: {  	_ =	swait.ge [sflag:s11], $0x2800  }
0x13: {  	[sflag:s11] =	ssyncset.done $0x0  }
0x14: {  	[sflag:s11] =	ssyncadd.s32 $0xFFFFD800  }
0x15: {  	[tilespmem:s12], [sflag:$0x2] =	stream.linear.gather [hbm4b:s2+s4], $0x4000, $0x38;
	[tilespmem:$0x1A280] =	vst v63  }
0x16: {  	_ =	swait.ge [sflag:s11], $0x4000  }
0x17: {  	[sflag:s11] =	ssyncset.done $0x0  }
0x18: {  	s19 =	simm.s32 @p0 $0x1FC2;
	[sflag:s11] =	ssyncadd.s32 $0xFFFFC000  }
0x19: {  	[spmem:s13], [sflag:s19] =	dma.local @p0 [hbm:s5], $0x2480  }
0x1a: {  	s19 =	simm.s32 @p0 $0x2  }
0x1b: {  	_ =	swait.ge @p0 [sflag:s19], $0x2480  }
0x1c: {  	[sflag:s19] =	ssyncset.done @p0 $0x0  }
0x1d: {  	[sflag:s19] =	ssyncadd.s32 @p0 $0xFFFFDB80;
	s19 =	simm.s32 @!p0 $0x2  }
0x1e: {  	[spmem:s15], [sflag:s14] =	dma.local @!p0 [hbm:s5], $0x2780  }
0x1f: {  	_ =	swait.ge @!p0 [sflag:s19], $0x2780  }
0x20: {  	[sflag:s19] =	ssyncset.done @!p0 $0x0  }
0x21: {  	[sflag:s19] =	ssyncadd.s32 @!p0 $0xFFFFD880  }
0x22: {  	s23 =	simm.s32 $0x13A80;
	[bflag:$0x0] =	sbarrier.arrive $0xFFFF  }
0x23: {  	[spmem:s3] =	stream.indirect.scatter.add.f32 [tilespmem:s12], [sflag:$0x1], $0x80, s23, s16, $0xb8;
	[tilespmem:$0x1A280] =	vst v63  }
0x24: {  	s24 =	simm.s32 $0x13B00  }
0x25: {  	[spmem:s3] =	stream.indirect.scatter.add.f32 [tilespmem:s12], [sflag:$0x1], $0x80, s24, s16, $0xb8;
	[tilespmem:$0x1A280] =	vst v63  }
0x26: {  	s25 =	simm.s32 $0x13B80  }
0x27: {  	[spmem:s3] =	stream.indirect.scatter.add.f32 [tilespmem:s12], [sflag:$0x1], $0x80, s25, s16, $0xb8;
	[tilespmem:$0x1A280] =	vst v63  }
0x28: {  	s26 =	simm.s32 $0x13C00  }
0x29: {  	[spmem:s3] =	stream.indirect.scatter.add.f32 [tilespmem:s12], [sflag:$0x1], $0x80, s26, s16, $0xb8;
	[tilespmem:$0x1A280] =	vst v63  }
0x2a: {  	s28 =	simm.s32 $0x13C80  }
0x2b: {  	[spmem:s3] =	stream.indirect.scatter.add.f32 [tilespmem:s12], [sflag:$0x1], $0x80, s28, s16, $0xb8;
	[tilespmem:$0x1A280] =	vst v63  }
0x2c: {  	s29 =	simm.s32 $0x13D00  }
0x2d: {  	[spmem:s3] =	stream.indirect.scatter.add.f32 [tilespmem:s12], [sflag:$0x1], $0x80, s29, s16, $0xb8;
	[tilespmem:$0x1A280] =	vst v63  }
0x2e: {  	s30 =	simm.s32 $0x13D80  }
0x2f: {  	[spmem:s3] =	stream.indirect.scatter.add.f32 [tilespmem:s12], [sflag:$0x1], $0x80, s30, s16, $0xb8;
	[tilespmem:$0x1A280] =	vst v63  }
0x30: {  	s31 =	simm.s32 $0x13E00  }
0x31: {  	[spmem:s3] =	stream.indirect.scatter.add.f32 [tilespmem:s12], [sflag:$0x1], $0x80, s31, s16, $0xb8;
	[tilespmem:$0x1A280] =	vst v63  }
0x32: {  	_ =	swait.ge [sflag:s17], $0x4000  }
0x33: {  	[sflag:s17] =	ssyncset.done $0x0  }
0x34: {  	[sflag:s17] =	ssyncadd.s32 $0xFFFFC000  }
0x35: {  	_ =	swait.ge [sflag:s17], $0x4000  }
0x36: {  	[sflag:s17] =	ssyncset.done $0x0  }
0x37: {  	[sflag:s17] =	ssyncadd.s32 $0xFFFFC000  }
0x38: {  	_ =	swait.ge [sflag:s17], $0x4000  }
0x39: {  	[sflag:s17] =	ssyncset.done $0x0  }
0x3a: {  	[sflag:s17] =	ssyncadd.s32 $0xFFFFC000  }
0x3b: {  	_ =	swait.ge [sflag:s17], $0x4000  }
0x3c: {  	[sflag:s17] =	ssyncset.done $0x0  }
0x3d: {  	[sflag:s17] =	ssyncadd.s32 $0xFFFFC000  }
0x3e: {  	_ =	swait.ge [sflag:s17], $0x4000  }
0x3f: {  	[sflag:s17] =	ssyncset.done $0x0  }
0x40: {  	[sflag:s17] =	ssyncadd.s32 $0xFFFFC000  }
0x41: {  	_ =	swait.ge [sflag:s17], $0x4000  }
0x42: {  	[sflag:s17] =	ssyncset.done $0x0  }
0x43: {  	[sflag:s17] =	ssyncadd.s32 $0xFFFFC000  }
0x44: {  	_ =	swait.ge [sflag:s17], $0x4000  }
0x45: {  	[sflag:s17] =	ssyncset.done $0x0  }
0x46: {  	[sflag:s17] =	ssyncadd.s32 $0xFFFFC000  }
0x47: {  	_ =	swait.ge [sflag:s17], $0x4000  }
0x48: {  	s22 =	simm.s32 $0x2000;
	s21 =	simm.s32 $0x400;
	[sflag:s17] =	ssyncset.done $0x0  }
.LBB2_2:
0x49: {  	s23 =	sadd.s32 $0x13A80, s21  }
0x4a: {  	[sflag:s17] =	ssyncadd.s32 $0xFFFFC000;
	s20 =	smov.u32 s22;
	s19 =	sadd.s32 $0x1000, s22  }
0x4b: {  	[spmem:s3] =	stream.indirect.scatter.add.f32 [tilespmem:s12], [sflag:$0x1], $0x80, s23, s16, $0xb8;
	[tilespmem:$0x1A280] =	vst v63  }
0x4c: {  	p1 =	sne.s32 s22, $0x9000;
	s22 =	sadd.s32 $0x13B00, s21  }
0x4d: {  	[spmem:s3] =	stream.indirect.scatter.add.f32 [tilespmem:s12], [sflag:$0x1], $0x80, s22, s16, $0xb8;
	[tilespmem:$0x1A280] =	vst v63  }
0x4e: {  	s22 =	sadd.s32 $0x13B80, s21  }
0x4f: {  	[spmem:s3] =	stream.indirect.scatter.add.f32 [tilespmem:s12], [sflag:$0x1], $0x80, s22, s16, $0xb8;
	[tilespmem:$0x1A280] =	vst v63  }
0x50: {  	s22 =	sadd.s32 $0x13C00, s21  }
0x51: {  	[spmem:s3] =	stream.indirect.scatter.add.f32 [tilespmem:s12], [sflag:$0x1], $0x80, s22, s16, $0xb8;
	[tilespmem:$0x1A280] =	vst v63  }
0x52: {  	s22 =	sadd.s32 $0x13C80, s21  }
0x53: {  	[spmem:s3] =	stream.indirect.scatter.add.f32 [tilespmem:s12], [sflag:$0x1], $0x80, s22, s16, $0xb8;
	[tilespmem:$0x1A280] =	vst v63  }
0x54: {  	s22 =	sadd.s32 $0x13D00, s21  }
0x55: {  	[spmem:s3] =	stream.indirect.scatter.add.f32 [tilespmem:s12], [sflag:$0x1], $0x80, s22, s16, $0xb8;
	[tilespmem:$0x1A280] =	vst v63  }
0x56: {  	s22 =	sadd.s32 $0x13D80, s21  }
0x57: {  	[spmem:s3] =	stream.indirect.scatter.add.f32 [tilespmem:s12], [sflag:$0x1], $0x80, s22, s16, $0xb8;
	[tilespmem:$0x1A280] =	vst v63  }
0x58: {  	s21 =	sadd.s32 $0x13E00, s21  }
0x59: {  	[spmem:s3] =	stream.indirect.scatter.add.f32 [tilespmem:s12], [sflag:$0x1], $0x80, s21, s16, $0xb8;
	[tilespmem:$0x1A280] =	vst v63  }
0x5a: {  	_ =	swait.ge [sflag:s17], $0x4000  }
0x5b: {  	[sflag:s17] =	ssyncset.done $0x0  }
0x5c: {  	[sflag:s17] =	ssyncadd.s32 $0xFFFFC000  }
0x5d: {  	_ =	swait.ge [sflag:s17], $0x4000  }
0x5e: {  	[sflag:s17] =	ssyncset.done $0x0  }
0x5f: {  	[sflag:s17] =	ssyncadd.s32 $0xFFFFC000  }
0x60: {  	_ =	swait.ge [sflag:s17], $0x4000  }
0x61: {  	[sflag:s17] =	ssyncset.done $0x0  }
0x62: {  	[sflag:s17] =	ssyncadd.s32 $0xFFFFC000  }
0x63: {  	_ =	swait.ge [sflag:s17], $0x4000  }
0x64: {  	[sflag:s17] =	ssyncset.done $0x0  }
0x65: {  	[sflag:s17] =	ssyncadd.s32 $0xFFFFC000  }
0x66: {  	_ =	swait.ge [sflag:s17], $0x4000  }
0x67: {  	[sflag:s17] =	ssyncset.done $0x0  }
0x68: {  	[sflag:s17] =	ssyncadd.s32 $0xFFFFC000  }
0x69: {  	_ =	swait.ge [sflag:s17], $0x4000  }
0x6a: {  	[sflag:s17] =	ssyncset.done $0x0  }
0x6b: {  	[sflag:s17] =	ssyncadd.s32 $0xFFFFC000  }
.Ltmp0:
0x6c: {  	_ =	swait.ge [sflag:s17], $0x4000;
	(pc) =	sbr.rel @p1 .LBB2_2-.Ltmp0, $4  }
0x6d: {  	[sflag:s17] =	ssyncset.done $0x0  }
0x6e: {  	[sflag:s17] =	ssyncadd.s32 $0xFFFFC000  }
0x6f: {  	_ =	swait.ge [sflag:s17], $0x4000  }
0x70: {  	s22 =	smov.u32 s19;
	s21 =	sshra.s32 s20, $0x2;
	[sflag:s17] =	ssyncset.done $0x0  }
0x71: {  	s19 =	sadd.s32 $0x13A80, s21;
	[sflag:s17] =	ssyncadd.s32 $0xFFFFC000  }
0x72: {  	[spmem:s3] =	stream.indirect.scatter.add.f32 [tilespmem:s12], [sflag:$0x1], $0x80, s19, s16, $0xb8;
	[tilespmem:$0x1A280] =	vst v63  }
0x73: {  	s24 =	sadd.s32 $0x13B00, s21  }
0x74: {  	[spmem:s3] =	stream.indirect.scatter.add.f32 [tilespmem:s12], [sflag:$0x1], $0x80, s24, s16, $0xb8;
	[tilespmem:$0x1A280] =	vst v63  }
0x75: {  	s25 =	sadd.s32 $0x13B80, s21  }
0x76: {  	[spmem:s3] =	stream.indirect.scatter.add.f32 [tilespmem:s12], [sflag:$0x1], $0x80, s25, s16, $0xb8;
	[tilespmem:$0x1A280] =	vst v63  }
0x77: {  	s26 =	sadd.s32 $0x13C00, s21  }
0x78: {  	[spmem:s3] =	stream.indirect.scatter.add.f32 [tilespmem:s12], [sflag:$0x1], $0x80, s26, s16, $0xb8;
	[tilespmem:$0x1A280] =	vst v63  }
0x79: {  	s28 =	sadd.s32 $0x13C80, s21  }
0x7a: {  	[spmem:s3] =	stream.indirect.scatter.add.f32 [tilespmem:s12], [sflag:$0x1], $0x80, s28, s16, $0xb8;
	[tilespmem:$0x1A280] =	vst v63  }
0x7b: {  	s29 =	sadd.s32 $0x13D00, s21  }
0x7c: {  	[spmem:s3] =	stream.indirect.scatter.add.f32 [tilespmem:s12], [sflag:$0x1], $0x80, s29, s16, $0xb8;
	[tilespmem:$0x1A280] =	vst v63  }
0x7d: {  	s30 =	sadd.s32 $0x13D80, s21  }
0x7e: {  	[spmem:s3] =	stream.indirect.scatter.add.f32 [tilespmem:s12], [sflag:$0x1], $0x80, s30, s16, $0xb8;
	[tilespmem:$0x1A280] =	vst v63  }
0x7f: {  	s31 =	sadd.s32 $0x13E00, s21  }
0x80: {  	[spmem:s3] =	stream.indirect.scatter.add.f32 [tilespmem:s12], [sflag:$0x1], $0x80, s31, s16, $0xb8;
	[tilespmem:$0x1A280] =	vst v63  }
0x81: {  	_ =	swait.ge [sflag:s17], $0x4000  }
0x82: {  	[sflag:s17] =	ssyncset.done $0x0  }
0x83: {  	[sflag:s17] =	ssyncadd.s32 $0xFFFFC000  }
0x84: {  	_ =	swait.ge [sflag:s17], $0x4000  }
0x85: {  	[sflag:s17] =	ssyncset.done $0x0  }
0x86: {  	[sflag:s17] =	ssyncadd.s32 $0xFFFFC000  }
0x87: {  	_ =	swait.ge [sflag:s17], $0x4000  }
0x88: {  	[sflag:s17] =	ssyncset.done $0x0  }
0x89: {  	[sflag:s17] =	ssyncadd.s32 $0xFFFFC000  }
0x8a: {  	_ =	swait.ge [sflag:s17], $0x4000  }
0x8b: {  	[sflag:s17] =	ssyncset.done $0x0  }
0x8c: {  	[sflag:s17] =	ssyncadd.s32 $0xFFFFC000  }
0x8d: {  	_ =	swait.ge [sflag:s17], $0x4000  }
0x8e: {  	[sflag:s17] =	ssyncset.done $0x0  }
0x8f: {  	[sflag:s17] =	ssyncadd.s32 $0xFFFFC000  }
0x90: {  	_ =	swait.ge [sflag:s17], $0x4000  }
0x91: {  	[sflag:s17] =	ssyncset.done $0x0  }
0x92: {  	[sflag:s17] =	ssyncadd.s32 $0xFFFFC000  }
0x93: {  	_ =	swait.ge [sflag:s17], $0x4000  }
0x94: {  	[sflag:s17] =	ssyncset.done $0x0  }
0x95: {  	[sflag:s17] =	ssyncadd.s32 $0xFFFFC000  }
0x96: {  	_ =	swait.ge [sflag:s17], $0x4000  }
0x97: {  	[sflag:s17] =	ssyncset.done $0x0  }
0x98: {  	[sflag:s17] =	ssyncadd.s32 $0xFFFFC000  }
0x99: {  	s19 =	simm.s32 @p0 $0x1FC2;
	[bflag:$0x0] =	sbarrier.arrive $0xFFFF  }
0x9a: {  	[hbm:s8], [sflag:s19] =	dma.local @p0 [spmem:s13], $0x2080  }
0x9b: {  	s19 =	simm.s32 @p0 $0x2  }
0x9c: {  	s18 =	sadd.s32 $0x1, s18;
	_ =	swait.ge @p0 [sflag:s19], $0x2080  }
0x9d: {  	p1 =	sne.s32 s18, s9;
	[sflag:s19] =	ssyncset.done @p0 $0x0  }
.Ltmp1:
0x9e: {  	[sflag:s19] =	ssyncadd.s32 @p0 $0xFFFFDF80;
	s19 =	simm.s32 @!p0 $0x2;
	(pc) =	sbr.rel @p1 .LBB2_1-.Ltmp1, $4  }
0x9f: {  	[hbm:s7], [sflag:s14] =	dma.local @!p0 [spmem:s15], $0x2780  }
0xa0: {  	_ =	swait.ge @!p0 [sflag:s19], $0x2780  }
0xa1: {  	[sflag:s19] =	ssyncset.done @!p0 $0x0  }
0xa2: {  	[sflag:s19] =	ssyncadd.s32 @!p0 $0xFFFFD880  }
0xa3: {  	_ =	sfence.sel $0x180000  }
0xa4: {  	[bflag:$0x0] =	sbarrier.arrive $0xFFFF  }
0xa5: {  	p0 =	sne.s32 s1, $0x0;
	_ =	strace $0x90000047  }
0xa6: {  	s0 =	sadd.s32 @!p0 $0x100000, s0;
	[bflag:$0x2] =	sbarrier.arrive $0xFFFF  }
0xa7: {  	[sflag:s0] =	ssyncadd.tile.s32 @!p0 $0x1;
	_ =	shalt  }
.Lfunc_end2:
_tile_overlayer_lowered:
.L_overlay_start_2:
0xa8: {  	(tag) =	ssettag $0x2  }
0xa9: {  	s0 =	rddreg [dreg:$0x0];
	s2 =	stileid.u32  }
0xaa: {  	s1 =	rddreg [dreg:$0x1];
	p0 =	sne.s32 s2, $0x0  }
0xab: {  	s3 =	rddreg [dreg:$0x2];
	[bflag:$0x3] =	sbarrier.arrive $0xFFFF;
	s2 =	simm.s32 @!p0 $0x1C02  }
0xac: {  	[timem:s3], [sflag:s2] =	dma.local @!p0 [hbm:s0], s1  }
0xad: {  	s0 =	simm.s32 @!p0 $0x2  }
0xae: {  	_ =	swait.ge @!p0 [sflag:s0], s1  }
0xaf: {  	s1 =	ssub.s32 @!p0 $0x0, s1;
	[sflag:s0] =	ssyncset.done @!p0 $0x0  }
0xb0: {  	[sflag:s0] =	ssyncadd.s32 @!p0 s1  }
0xb1: {  	[bflag:$0x3] =	sbarrier.arrive $0xFFFF  }
0xb2: {  	_ =	shalt  }

</sc_bundles>
